<compile_context>
chip_gen: v7x
topology: tpu7x:2x2x1
jax: 0.10.2.dev20260603
libtpu: 0.0.44.dev20260713+nightly
codegen_flags: <defaults>
</compile_context>

<pallas_src>
import functools

import jax
import jax.numpy as jnp
from jax import lax
from jax.experimental import pallas as pl
from jax.experimental.pallas import tpu as pltpu
from jax.experimental.pallas import tpu_sc as plsc

N = 10000
E = 320000
D = 128
ED = 16
ACCW = 144
NC, NS = 2, 16
NW = NC * NS
EPW = E // NW
CH = 40
IB = 50
NIB = EPW // (CH * IB)
RPT = N // NS



def _pq_body(x_ref, wa_ref, wb_ref, p_ref, q_ref):
    x = x_ref[...]
    p_ref[...] = jnp.dot(x, wa_ref[...], preferred_element_type=jnp.float32)
    q_ref[...] = jnp.dot(x, wb_ref[...], preferred_element_type=jnp.float32)


_pq_call = pl.pallas_call(
    _pq_body,
    out_shape=(
        jax.ShapeDtypeStruct((N, D), jnp.float32),
        jax.ShapeDtypeStruct((N, D), jnp.float32),
    ),
)



RB = 2000

def _r_body(ef_ref, we_ref, b_ref, r_ref):
    r_ref[...] = (
        jnp.dot(ef_ref[...], we_ref[...], preferred_element_type=jnp.float32)
        + b_ref[...]
    )


_r_call = pl.pallas_call(
    _r_body,
    grid=(E // RB,),
    in_specs=[
        pl.BlockSpec((RB, ED), lambda i: (i, 0)),
        pl.BlockSpec((ED, D), lambda i: (0, 0)),
        pl.BlockSpec((1, D), lambda i: (0, 0)),
    ],
    out_specs=pl.BlockSpec((RB, D), lambda i: (i, 0)),
    out_shape=jax.ShapeDtypeStruct((E, D), jnp.float32),
)



def _sc_body(p_hbm, q_hbm, r_hbm, si_hbm, di_hbm, out_hbm,
             si_v, di_v, pv, qv, rv, stage, acc, sem):
    cid = lax.axis_index("c")
    sid = lax.axis_index("s")
    wid = cid * NS + sid

    zero = jnp.zeros((16,), jnp.float32)

    def _zero_stage(k, _):
        for c in range(ACCW // 16):
            stage[k, pl.ds(c * 16, 16)] = zero
        return 0

    lax.fori_loop(0, CH, _zero_stage, 0)

    base = sid * RPT
    for z in range(RPT // CH):
        pltpu.sync_copy(stage, acc.at[pl.ds(base + z * CH, CH)])
    pltpu.sync_copy(stage.at[pl.ds(0, RPT % CH)],
                    acc.at[pl.ds(base + (RPT // CH) * CH, RPT % CH)])

    onehot = jnp.where(lax.iota(jnp.int32, 16) == 0, 1.0, 0.0).astype(jnp.float32)

    def _init_stage(k, _):
        stage[k, pl.ds(D, 16)] = onehot
        return 0

    lax.fori_loop(0, CH, _init_stage, 0)
    plsc.subcore_barrier()

    def _superblock(ib, _):
        pltpu.sync_copy(si_hbm.at[wid, ib], si_v)
        pltpu.sync_copy(di_hbm.at[wid, ib], di_v)

        def _chunk(j, _):
            eb = wid * EPW + (ib * IB + j) * CH
            cp = pltpu.async_copy(p_hbm.at[si_v.at[j]], pv, sem)
            cq = pltpu.async_copy(q_hbm.at[di_v.at[j]], qv, sem)
            cr = pltpu.async_copy(r_hbm.at[pl.ds(eb, CH)], rv, sem)
            cp.wait()
            cq.wait()
            cr.wait()

            def _edge(k, _):
                for c in range(D // 16):
                    sl = pl.ds(c * 16, 16)
                    stage[k, sl] = jnp.maximum(
                        pv[k, sl] + qv[k, sl] + rv[k, sl], 0.0)
                return 0

            lax.fori_loop(0, CH, _edge, 0)
            pltpu.sync_copy(stage, acc.at[di_v.at[j]], add=True)
            return 0

        lax.fori_loop(0, IB, _chunk, 0)
        return 0

    lax.fori_loop(0, NIB, _superblock, 0)
    plsc.subcore_barrier()

    for z in range(RPT // CH + 1):
        rows = CH if z < RPT // CH else RPT % CH
        off = base + z * CH
        pltpu.sync_copy(acc.at[pl.ds(off, rows)], stage.at[pl.ds(0, rows)])
        pltpu.sync_copy(stage.at[pl.ds(0, rows)], out_hbm.at[cid, pl.ds(off, rows)])


_sc_call = functools.partial(
    pl.kernel,
    mesh=plsc.VectorSubcoreMesh(core_axis_name="c", subcore_axis_name="s"),
    compiler_params=pltpu.CompilerParams(use_tc_tiling_on_sc=False),
    out_type=jax.ShapeDtypeStruct((NC, N, ACCW), jnp.float32),
    scratch_types=[
        pltpu.VMEM((IB, CH), jnp.int32),
        pltpu.VMEM((IB, CH), jnp.int32),
        pltpu.VMEM((CH, D), jnp.float32),
        pltpu.VMEM((CH, D), jnp.float32),
        pltpu.VMEM((CH, D), jnp.float32),
        pltpu.VMEM((CH, ACCW), jnp.float32),
        pltpu.VMEM_SHARED((N, ACCW), jnp.float32),
        pltpu.SemaphoreType.DMA,
    ],
)(_sc_body)



UB = 1000

def _upd_body(x_ref, part_ref, wm2t_ref, bm2_ref, wu1at_ref, wu1bt_ref,
              bu1_ref, wu2t_ref, bu2_ref, g_ref, b_ref, out_ref):
    x = x_ref[...]
    part = part_ref[...]
    s = part[0, :, 0:D] + part[1, :, 0:D]
    deg = part[0, :, D:D + 1] + part[1, :, D:D + 1]
    agg = (
        jnp.dot(s, wm2t_ref[...], preferred_element_type=jnp.float32)
        + deg * bm2_ref[...]
    )
    h2 = jnp.maximum(
        jnp.dot(x, wu1at_ref[...], preferred_element_type=jnp.float32)
        + jnp.dot(agg, wu1bt_ref[...], preferred_element_type=jnp.float32)
        + bu1_ref[...],
        0.0,
    )
    upd = jnp.dot(h2, wu2t_ref[...], preferred_element_type=jnp.float32) + bu2_ref[...]
    y = x + upd
    mean = jnp.mean(y, axis=-1, keepdims=True)
    var = jnp.mean((y - mean) ** 2, axis=-1, keepdims=True)
    out_ref[...] = (y - mean) * lax.rsqrt(var + 1e-5) * g_ref[...] + b_ref[...]


_upd_call = pl.pallas_call(
    _upd_body,
    grid=(N // UB,),
    in_specs=[
        pl.BlockSpec((UB, D), lambda i: (i, 0)),
        pl.BlockSpec((NC, UB, ACCW), lambda i: (0, i, 0)),
        pl.BlockSpec((D, D), lambda i: (0, 0)),
        pl.BlockSpec((1, D), lambda i: (0, 0)),
        pl.BlockSpec((D, D), lambda i: (0, 0)),
        pl.BlockSpec((D, D), lambda i: (0, 0)),
        pl.BlockSpec((1, D), lambda i: (0, 0)),
        pl.BlockSpec((D, D), lambda i: (0, 0)),
        pl.BlockSpec((1, D), lambda i: (0, 0)),
        pl.BlockSpec((1, D), lambda i: (0, 0)),
        pl.BlockSpec((1, D), lambda i: (0, 0)),
    ],
    out_specs=pl.BlockSpec((UB, D), lambda i: (i, 0)),
    out_shape=jax.ShapeDtypeStruct((N, D), jnp.float32),
)


def kernel(node_features, edge_index, edge_features, Wm1, bm1, Wm2, bm2,
           Wu1, bu1, Wu2, bu2, gamma, beta):
    src = edge_index[0].astype(jnp.int32).reshape(NW, NIB, IB, CH)
    dst = edge_index[1].astype(jnp.int32).reshape(NW, NIB, IB, CH)
    WaT = Wm1[:, :D].T
    WbT = Wm1[:, D:2 * D].T
    WeT = Wm1[:, 2 * D:].T

    P, Q = _pq_call(node_features, WaT, WbT)
    R = _r_call(edge_features, WeT, bm1.reshape(1, D))
    parts = _sc_call(P, Q, R, src, dst)
    return _upd_call(
        node_features, parts, Wm2.T, bm2.reshape(1, D),
        Wu1[:, :D].T, Wu1[:, D:].T, bu1.reshape(1, D),
        Wu2.T, bu2.reshape(1, D), gamma.reshape(1, D), beta.reshape(1, D),
    )

# --- scband reference (transcript-rebuilt; emitter-appended) ---
"""Pipeline reference for scband-real-mpnnlayer-292057776274 (READ-ONLY COPY).

The authoritative reference and input builder live on the scoring server;
editing this copy changes nothing except your own understanding.
"""

import jax, jax.numpy as jnp
import numpy as np

N = 10000
E = 320000
NODE_DIM = 128
EDGE_DIM = 16
HIDDEN_DIM = 128


def setup_inputs(seed: int = 0) -> dict:
    key = jax.random.key(seed)
    ks = jax.random.split(key, 12)
    node_features = jax.random.normal(ks[0], (N, NODE_DIM), dtype=jnp.float32)
    edge_index = jax.random.randint(ks[1], (2, E), 0, N, dtype=jnp.int64)
    edge_features = jax.random.normal(ks[2], (E, EDGE_DIM), dtype=jnp.float32)
    # W_msg: Linear(2*node_dim+edge_dim -> hidden), ReLU, Linear(hidden -> hidden)
    in1 = 2 * NODE_DIM + EDGE_DIM
    s1 = 1.0 / np.sqrt(in1)
    Wm1 = jax.random.uniform(ks[3], (HIDDEN_DIM, in1), minval=-s1, maxval=s1, dtype=jnp.float32)
    bm1 = jax.random.uniform(ks[4], (HIDDEN_DIM,), minval=-s1, maxval=s1, dtype=jnp.float32)
    s2 = 1.0 / np.sqrt(HIDDEN_DIM)
    Wm2 = jax.random.uniform(ks[5], (HIDDEN_DIM, HIDDEN_DIM), minval=-s2, maxval=s2, dtype=jnp.float32)
    bm2 = jax.random.uniform(ks[6], (HIDDEN_DIM,), minval=-s2, maxval=s2, dtype=jnp.float32)
    # W_update: Linear(node_dim+hidden -> hidden), ReLU, Linear(hidden -> node_dim)
    in3 = NODE_DIM + HIDDEN_DIM
    s3 = 1.0 / np.sqrt(in3)
    Wu1 = jax.random.uniform(ks[7], (HIDDEN_DIM, in3), minval=-s3, maxval=s3, dtype=jnp.float32)
    bu1 = jax.random.uniform(ks[8], (HIDDEN_DIM,), minval=-s3, maxval=s3, dtype=jnp.float32)
    s4 = 1.0 / np.sqrt(HIDDEN_DIM)
    Wu2 = jax.random.uniform(ks[9], (NODE_DIM, HIDDEN_DIM), minval=-s4, maxval=s4, dtype=jnp.float32)
    bu2 = jax.random.uniform(ks[10], (NODE_DIM,), minval=-s4, maxval=s4, dtype=jnp.float32)
    gamma = jnp.ones((NODE_DIM,), dtype=jnp.float32)
    beta = jnp.zeros((NODE_DIM,), dtype=jnp.float32)
    return {
        'node_features': node_features,
        'edge_index': edge_index,
        'edge_features': edge_features,
        'Wm1': Wm1, 'bm1': bm1, 'Wm2': Wm2, 'bm2': bm2,
        'Wu1': Wu1, 'bu1': bu1, 'Wu2': Wu2, 'bu2': bu2,
        'gamma': gamma, 'beta': beta,
    }


def reference(node_features, edge_index, edge_features, Wm1, bm1, Wm2, bm2, Wu1, bu1, Wu2, bu2, gamma, beta):
    src_idx = edge_index[0]
    dst_idx = edge_index[1]
    src_features = jnp.take(node_features, src_idx, axis=0)
    dst_features = jnp.take(node_features, dst_idx, axis=0)
    message_input = jnp.concatenate([src_features, dst_features, edge_features], axis=-1)
    h = jax.nn.relu(message_input @ Wm1.T + bm1)
    messages = h @ Wm2.T + bm2
    aggregated = jnp.zeros((node_features.shape[0], HIDDEN_DIM), dtype=node_features.dtype).at[dst_idx].add(messages)
    update_input = jnp.concatenate([node_features, aggregated], axis=-1)
    h2 = jax.nn.relu(update_input @ Wu1.T + bu1)
    updates = h2 @ Wu2.T + bu2
    x = node_features + updates
    mean = jnp.mean(x, axis=-1, keepdims=True)
    var = jnp.var(x, axis=-1, keepdims=True)
    x_norm = (x - mean) / jnp.sqrt(var + 1e-5)
    return x_norm * gamma + beta

if __name__ == "__main__":
    import jax
    _d = setup_inputs()
    print(jax.jit(kernel)(*tuple(_d.values())))

</pallas_src>

<mosaic_0001>
#map = affine_map<(d0, d1) -> (0, 0)>
#map1 = affine_map<(d0, d1) -> (0, 0, 0, 0)>
#map2 = affine_map<(d0, d1) -> (0, 0, 0)>
module attributes {stable_mosaic.version = 14 : i64} {
  func.func @_sc_body(%arg0: i32, %arg1: i32, %arg2: memref<10000x128xf32, #tpu.memory_space<hbm>>, %arg3: memref<10000x128xf32, #tpu.memory_space<hbm>>, %arg4: memref<320000x128xf32, #tpu.memory_space<hbm>>, %arg5: memref<32x5x50x40xi32, #tpu.memory_space<hbm>>, %arg6: memref<32x5x50x40xi32, #tpu.memory_space<hbm>>, %arg7: memref<2x10000x144xf32, #tpu.memory_space<hbm>>, %arg8: memref<50x40xi32, #tpu.memory_space<vmem>>, %arg9: memref<50x40xi32, #tpu.memory_space<vmem>>, %arg10: memref<40x128xf32, #tpu.memory_space<vmem>>, %arg11: memref<40x128xf32, #tpu.memory_space<vmem>>, %arg12: memref<40x128xf32, #tpu.memory_space<vmem>>, %arg13: memref<40x144xf32, #tpu.memory_space<vmem>>, %arg14: memref<10000x144xf32, #tpu.memory_space<vmem_shared>>, %arg15: memref<!tpu.dma_semaphore, #tpu.memory_space<semaphore_mem>>) attributes {dimension_semantics = [#tpu.dimension_semantics<core_parallel>, #tpu.dimension_semantics<subcore_parallel>], iteration_bounds = array<i64: 2, 16>, scalar_prefetch = 0 : i64, scratch_operands = 8 : i64, tpu.core_type = #tpu.core_type<sc_vector_subcore>, window_params = [{transform_indices = #map}, {transform_indices = #map}, {transform_indices = #map}, {transform_indices = #map1}, {transform_indices = #map1}, {transform_indices = #map2}]} {
    %mul3A = arith.constant 16 : i32
    %mul3A_0 = arith.muli %arg0, %mul3A : i32
    %add3A = arith.addi %mul3A_0, %arg1 : i32
    %broadcast_in_dim3A = arith.constant 0.000000e+00 : f32
    %broadcast_in_dim3A_1 = vector.broadcast %broadcast_in_dim3A : f32 to vector<16xf32>
    %scan3A = arith.constant 0 : i32
    %scan3A_2 = arith.constant 0 : i32
    %scan3A_3 = arith.constant 40 : i32
    %scan3A_4 = arith.addi %scan3A_2, %scan3A_3 : i32
    %scan3A_5 = arith.constant 1 : i32
    %scan3A_6 = scf.for %scan3A_94 = %scan3A_2 to %scan3A_4 step %scan3A_5 iter_args(%scan3A_95 = %scan3A) -> (i32)  : i32 {
      %swap3A = arith.index_cast %scan3A_94 : i32 to index
      %swap3A_96 = arith.constant 0 : index
      %swap3A_97 = tpu.vector_load %arg13[%swap3A, %swap3A_96] {strides = array<i32>} : memref<40x144xf32, #tpu.memory_space<vmem>>, vector<1x16xf32>,
      %swap3A_98 = vector.shape_cast %swap3A_97 : vector<1x16xf32> to vector<16xf32>
      %swap3A_99 = vector.shape_cast %broadcast_in_dim3A_1 : vector<16xf32> to vector<1x16xf32>
      tpu.vector_store %arg13[%swap3A, %swap3A_96], %swap3A_99 {strides = array<i32>} : memref<40x144xf32, #tpu.memory_space<vmem>>, vector<1x16xf32>,
      %swap3A_100 = arith.index_cast %scan3A_94 : i32 to index
      %swap3A_101 = arith.constant 16 : index
      %swap3A_102 = tpu.vector_load %arg13[%swap3A_100, %swap3A_101] {strides = array<i32>} : memref<40x144xf32, #tpu.memory_space<vmem>>, vector<1x16xf32>,
      %swap3A_103 = vector.shape_cast %swap3A_102 : vector<1x16xf32> to vector<16xf32>
      %swap3A_104 = vector.shape_cast %broadcast_in_dim3A_1 : vector<16xf32> to vector<1x16xf32>
      tpu.vector_store %arg13[%swap3A_100, %swap3A_101], %swap3A_104 {strides = array<i32>} : memref<40x144xf32, #tpu.memory_space<vmem>>, vector<1x16xf32>,
      %swap3A_105 = arith.index_cast %scan3A_94 : i32 to index
      %swap3A_106 = arith.constant 32 : index
      %swap3A_107 = tpu.vector_load %arg13[%swap3A_105, %swap3A_106] {strides = array<i32>} : memref<40x144xf32, #tpu.memory_space<vmem>>, vector<1x16xf32>,
      %swap3A_108 = vector.shape_cast %swap3A_107 : vector<1x16xf32> to vector<16xf32>
      %swap3A_109 = vector.shape_cast %broadcast_in_dim3A_1 : vector<16xf32> to vector<1x16xf32>
      tpu.vector_store %arg13[%swap3A_105, %swap3A_106], %swap3A_109 {strides = array<i32>} : memref<40x144xf32, #tpu.memory_space<vmem>>, vector<1x16xf32>,
      %swap3A_110 = arith.index_cast %scan3A_94 : i32 to index
      %swap3A_111 = arith.constant 48 : index
      %swap3A_112 = tpu.vector_load %arg13[%swap3A_110, %swap3A_111] {strides = array<i32>} : memref<40x144xf32, #tpu.memory_space<vmem>>, vector<1x16xf32>,
      %swap3A_113 = vector.shape_cast %swap3A_112 : vector<1x16xf32> to vector<16xf32>
      %swap3A_114 = vector.shape_cast %broadcast_in_dim3A_1 : vector<16xf32> to vector<1x16xf32>
      tpu.vector_store %arg13[%swap3A_110, %swap3A_111], %swap3A_114 {strides = array<i32>} : memref<40x144xf32, #tpu.memory_space<vmem>>, vector<1x16xf32>,
      %swap3A_115 = arith.index_cast %scan3A_94 : i32 to index
      %swap3A_116 = arith.constant 64 : index
      %swap3A_117 = tpu.vector_load %arg13[%swap3A_115, %swap3A_116] {strides = array<i32>} : memref<40x144xf32, #tpu.memory_space<vmem>>, vector<1x16xf32>,
      %swap3A_118 = vector.shape_cast %swap3A_117 : vector<1x16xf32> to vector<16xf32>
      %swap3A_119 = vector.shape_cast %broadcast_in_dim3A_1 : vector<16xf32> to vector<1x16xf32>
      tpu.vector_store %arg13[%swap3A_115, %swap3A_116], %swap3A_119 {strides = array<i32>} : memref<40x144xf32, #tpu.memory_space<vmem>>, vector<1x16xf32>,
      %swap3A_120 = arith.index_cast %scan3A_94 : i32 to index
      %swap3A_121 = arith.constant 80 : index
      %swap3A_122 = tpu.vector_load %arg13[%swap3A_120, %swap3A_121] {strides = array<i32>} : memref<40x144xf32, #tpu.memory_space<vmem>>, vector<1x16xf32>,
      %swap3A_123 = vector.shape_cast %swap3A_122 : vector<1x16xf32> to vector<16xf32>
      %swap3A_124 = vector.shape_cast %broadcast_in_dim3A_1 : vector<16xf32> to vector<1x16xf32>
      tpu.vector_store %arg13[%swap3A_120, %swap3A_121], %swap3A_124 {strides = array<i32>} : memref<40x144xf32, #tpu.memory_space<vmem>>, vector<1x16xf32>,
      %swap3A_125 = arith.index_cast %scan3A_94 : i32 to index
      %swap3A_126 = arith.constant 96 : index
      %swap3A_127 = tpu.vector_load %arg13[%swap3A_125, %swap3A_126] {strides = array<i32>} : memref<40x144xf32, #tpu.memory_space<vmem>>, vector<1x16xf32>,
      %swap3A_128 = vector.shape_cast %swap3A_127 : vector<1x16xf32> to vector<16xf32>
      %swap3A_129 = vector.shape_cast %broadcast_in_dim3A_1 : vector<16xf32> to vector<1x16xf32>
      tpu.vector_store %arg13[%swap3A_125, %swap3A_126], %swap3A_129 {strides = array<i32>} : memref<40x144xf32, #tpu.memory_space<vmem>>, vector<1x16xf32>,
      %swap3A_130 = arith.index_cast %scan3A_94 : i32 to index
      %swap3A_131 = arith.constant 112 : index
      %swap3A_132 = tpu.vector_load %arg13[%swap3A_130, %swap3A_131] {strides = array<i32>} : memref<40x144xf32, #tpu.memory_space<vmem>>, vector<1x16xf32>,
      %swap3A_133 = vector.shape_cast %swap3A_132 : vector<1x16xf32> to vector<16xf32>
      %swap3A_134 = vector.shape_cast %broadcast_in_dim3A_1 : vector<16xf32> to vector<1x16xf32>
      tpu.vector_store %arg13[%swap3A_130, %swap3A_131], %swap3A_134 {strides = array<i32>} : memref<40x144xf32, #tpu.memory_space<vmem>>, vector<1x16xf32>,
      %swap3A_135 = arith.index_cast %scan3A_94 : i32 to index
      %swap3A_136 = arith.constant 128 : index
      %swap3A_137 = tpu.vector_load %arg13[%swap3A_135, %swap3A_136] {strides = array<i32>} : memref<40x144xf32, #tpu.memory_space<vmem>>, vector<1x16xf32>,
      %swap3A_138 = vector.shape_cast %swap3A_137 : vector<1x16xf32> to vector<16xf32>
      %swap3A_139 = vector.shape_cast %broadcast_in_dim3A_1 : vector<16xf32> to vector<1x16xf32>
      tpu.vector_store %arg13[%swap3A_135, %swap3A_136], %swap3A_139 {strides = array<i32>} : memref<40x144xf32, #tpu.memory_space<vmem>>, vector<1x16xf32>,
      %scan3A_140 = arith.constant 0 : i32
      scf.yield %scan3A_140 : i32
    }
    %scan3A_7 = arith.constant 40 : i32
    %mul3A_8 = arith.constant 625 : i32
    %mul3A_9 = arith.muli %arg1, %mul3A_8 : i32
    %add3A_10 = arith.constant 0 : i32
    %add3A_11 = arith.addi %mul3A_9, %add3A_10 : i32
    "tpu.region"() ({
      %run_scoped3A = tpu.sem_alloc : memref<!tpu.dma_semaphore, #tpu.memory_space<semaphore_mem>>
      %dma_start3A = arith.constant 0 : i32
      %dma_start3A_94 = tpu.memref_slice %arg14[%add3A_11, %dma_start3A] : memref<10000x144xf32, #tpu.memory_space<vmem_shared>> -> memref<40x144xf32, #tpu.memory_space<vmem_shared>>
      %dma_start3A_95 = arith.constant 0 : i32
      %dma_start3A_96 = tpu.memref_slice %arg14[%add3A_11, %dma_start3A_95] : memref<10000x144xf32, #tpu.memory_space<vmem_shared>> -> memref<40x144xf32, #tpu.memory_space<vmem_shared>>
      tpu.enqueue_dma source(%arg13 : memref<40x144xf32, #tpu.memory_space<vmem>>) target(%dma_start3A_96 : memref<40x144xf32, #tpu.memory_space<vmem_shared>>) target_semaphore(%run_scoped3A : memref<!tpu.dma_semaphore, #tpu.memory_space<semaphore_mem>>)
      %dma_wait3A = arith.constant 0 : i32
      %dma_wait3A_97 = tpu.memref_slice %arg14[%add3A_11, %dma_wait3A] : memref<10000x144xf32, #tpu.memory_space<vmem_shared>> -> memref<40x144xf32, #tpu.memory_space<vmem_shared>>
      %dma_wait3A_98 = arith.constant 0 : i32
      %dma_wait3A_99 = tpu.memref_slice %arg14[%add3A_11, %dma_wait3A_98] : memref<10000x144xf32, #tpu.memory_space<vmem_shared>> -> memref<40x144xf32, #tpu.memory_space<vmem_shared>>
      tpu.wait_dma2 semaphore(%run_scoped3A : memref<!tpu.dma_semaphore, #tpu.memory_space<semaphore_mem>>) src(%arg13 : memref<40x144xf32, #tpu.memory_space<vmem>>) dst(%dma_wait3A_99 : memref<40x144xf32, #tpu.memory_space<vmem_shared>>)
      tpu.yield
    }) : () -> ()
    %add3A_12 = arith.constant 40 : i32
    %add3A_13 = arith.addi %mul3A_9, %add3A_12 : i32
    "tpu.region"() ({
      %run_scoped3A = tpu.sem_alloc : memref<!tpu.dma_semaphore, #tpu.memory_space<semaphore_mem>>
      %dma_start3A = arith.constant 0 : i32
      %dma_start3A_94 = tpu.memref_slice %arg14[%add3A_13, %dma_start3A] : memref<10000x144xf32, #tpu.memory_space<vmem_shared>> -> memref<40x144xf32, #tpu.memory_space<vmem_shared>>
      %dma_start3A_95 = arith.constant 0 : i32
      %dma_start3A_96 = tpu.memref_slice %arg14[%add3A_13, %dma_start3A_95] : memref<10000x144xf32, #tpu.memory_space<vmem_shared>> -> memref<40x144xf32, #tpu.memory_space<vmem_shared>>
      tpu.enqueue_dma source(%arg13 : memref<40x144xf32, #tpu.memory_space<vmem>>) target(%dma_start3A_96 : memref<40x144xf32, #tpu.memory_space<vmem_shared>>) target_semaphore(%run_scoped3A : memref<!tpu.dma_semaphore, #tpu.memory_space<semaphore_mem>>)
      %dma_wait3A = arith.constant 0 : i32
      %dma_wait3A_97 = tpu.memref_slice %arg14[%add3A_13, %dma_wait3A] : memref<10000x144xf32, #tpu.memory_space<vmem_shared>> -> memref<40x144xf32, #tpu.memory_space<vmem_shared>>
      %dma_wait3A_98 = arith.constant 0 : i32
      %dma_wait3A_99 = tpu.memref_slice %arg14[%add3A_13, %dma_wait3A_98] : memref<10000x144xf32, #tpu.memory_space<vmem_shared>> -> memref<40x144xf32, #tpu.memory_space<vmem_shared>>
      tpu.wait_dma2 semaphore(%run_scoped3A : memref<!tpu.dma_semaphore, #tpu.memory_space<semaphore_mem>>) src(%arg13 : memref<40x144xf32, #tpu.memory_space<vmem>>) dst(%dma_wait3A_99 : memref<40x144xf32, #tpu.memory_space<vmem_shared>>)
      tpu.yield
    }) : () -> ()
    %add3A_14 = arith.constant 80 : i32
    %add3A_15 = arith.addi %mul3A_9, %add3A_14 : i32
    "tpu.region"() ({
      %run_scoped3A = tpu.sem_alloc : memref<!tpu.dma_semaphore, #tpu.memory_space<semaphore_mem>>
      %dma_start3A = arith.constant 0 : i32
      %dma_start3A_94 = tpu.memref_slice %arg14[%add3A_15, %dma_start3A] : memref<10000x144xf32, #tpu.memory_space<vmem_shared>> -> memref<40x144xf32, #tpu.memory_space<vmem_shared>>
      %dma_start3A_95 = arith.constant 0 : i32
      %dma_start3A_96 = tpu.memref_slice %arg14[%add3A_15, %dma_start3A_95] : memref<10000x144xf32, #tpu.memory_space<vmem_shared>> -> memref<40x144xf32, #tpu.memory_space<vmem_shared>>
      tpu.enqueue_dma source(%arg13 : memref<40x144xf32, #tpu.memory_space<vmem>>) target(%dma_start3A_96 : memref<40x144xf32, #tpu.memory_space<vmem_shared>>) target_semaphore(%run_scoped3A : memref<!tpu.dma_semaphore, #tpu.memory_space<semaphore_mem>>)
      %dma_wait3A = arith.constant 0 : i32
      %dma_wait3A_97 = tpu.memref_slice %arg14[%add3A_15, %dma_wait3A] : memref<10000x144xf32, #tpu.memory_space<vmem_shared>> -> memref<40x144xf32, #tpu.memory_space<vmem_shared>>
      %dma_wait3A_98 = arith.constant 0 : i32
      %dma_wait3A_99 = tpu.memref_slice %arg14[%add3A_15, %dma_wait3A_98] : memref<10000x144xf32, #tpu.memory_space<vmem_shared>> -> memref<40x144xf32, #tpu.memory_space<vmem_shared>>
      tpu.wait_dma2 semaphore(%run_scoped3A : memref<!tpu.dma_semaphore, #tpu.memory_space<semaphore_mem>>) src(%arg13 : memref<40x144xf32, #tpu.memory_space<vmem>>) dst(%dma_wait3A_99 : memref<40x144xf32, #tpu.memory_space<vmem_shared>>)
      tpu.yield
    }) : () -> ()
    %add3A_16 = arith.constant 120 : i32
    %add3A_17 = arith.addi %mul3A_9, %add3A_16 : i32
    "tpu.region"() ({
      %run_scoped3A = tpu.sem_alloc : memref<!tpu.dma_semaphore, #tpu.memory_space<semaphore_mem>>
      %dma_start3A = arith.constant 0 : i32
      %dma_start3A_94 = tpu.memref_slice %arg14[%add3A_17, %dma_start3A] : memref<10000x144xf32, #tpu.memory_space<vmem_shared>> -> memref<40x144xf32, #tpu.memory_space<vmem_shared>>
      %dma_start3A_95 = arith.constant 0 : i32
      %dma_start3A_96 = tpu.memref_slice %arg14[%add3A_17, %dma_start3A_95] : memref<10000x144xf32, #tpu.memory_space<vmem_shared>> -> memref<40x144xf32, #tpu.memory_space<vmem_shared>>
      tpu.enqueue_dma source(%arg13 : memref<40x144xf32, #tpu.memory_space<vmem>>) target(%dma_start3A_96 : memref<40x144xf32, #tpu.memory_space<vmem_shared>>) target_semaphore(%run_scoped3A : memref<!tpu.dma_semaphore, #tpu.memory_space<semaphore_mem>>)
      %dma_wait3A = arith.constant 0 : i32
      %dma_wait3A_97 = tpu.memref_slice %arg14[%add3A_17, %dma_wait3A] : memref<10000x144xf32, #tpu.memory_space<vmem_shared>> -> memref<40x144xf32, #tpu.memory_space<vmem_shared>>
      %dma_wait3A_98 = arith.constant 0 : i32
      %dma_wait3A_99 = tpu.memref_slice %arg14[%add3A_17, %dma_wait3A_98] : memref<10000x144xf32, #tpu.memory_space<vmem_shared>> -> memref<40x144xf32, #tpu.memory_space<vmem_shared>>
      tpu.wait_dma2 semaphore(%run_scoped3A : memref<!tpu.dma_semaphore, #tpu.memory_space<semaphore_mem>>) src(%arg13 : memref<40x144xf32, #tpu.memory_space<vmem>>) dst(%dma_wait3A_99 : memref<40x144xf32, #tpu.memory_space<vmem_shared>>)
      tpu.yield
    }) : () -> ()
    %add3A_18 = arith.constant 160 : i32
    %add3A_19 = arith.addi %mul3A_9, %add3A_18 : i32
    "tpu.region"() ({
      %run_scoped3A = tpu.sem_alloc : memref<!tpu.dma_semaphore, #tpu.memory_space<semaphore_mem>>
      %dma_start3A = arith.constant 0 : i32
      %dma_start3A_94 = tpu.memref_slice %arg14[%add3A_19, %dma_start3A] : memref<10000x144xf32, #tpu.memory_space<vmem_shared>> -> memref<40x144xf32, #tpu.memory_space<vmem_shared>>
      %dma_start3A_95 = arith.constant 0 : i32
      %dma_start3A_96 = tpu.memref_slice %arg14[%add3A_19, %dma_start3A_95] : memref<10000x144xf32, #tpu.memory_space<vmem_shared>> -> memref<40x144xf32, #tpu.memory_space<vmem_shared>>
      tpu.enqueue_dma source(%arg13 : memref<40x144xf32, #tpu.memory_space<vmem>>) target(%dma_start3A_96 : memref<40x144xf32, #tpu.memory_space<vmem_shared>>) target_semaphore(%run_scoped3A : memref<!tpu.dma_semaphore, #tpu.memory_space<semaphore_mem>>)
      %dma_wait3A = arith.constant 0 : i32
      %dma_wait3A_97 = tpu.memref_slice %arg14[%add3A_19, %dma_wait3A] : memref<10000x144xf32, #tpu.memory_space<vmem_shared>> -> memref<40x144xf32, #tpu.memory_space<vmem_shared>>
      %dma_wait3A_98 = arith.constant 0 : i32
      %dma_wait3A_99 = tpu.memref_slice %arg14[%add3A_19, %dma_wait3A_98] : memref<10000x144xf32, #tpu.memory_space<vmem_shared>> -> memref<40x144xf32, #tpu.memory_space<vmem_shared>>
      tpu.wait_dma2 semaphore(%run_scoped3A : memref<!tpu.dma_semaphore, #tpu.memory_space<semaphore_mem>>) src(%arg13 : memref<40x144xf32, #tpu.memory_space<vmem>>) dst(%dma_wait3A_99 : memref<40x144xf32, #tpu.memory_space<vmem_shared>>)
      tpu.yield
    }) : () -> ()
    %add3A_20 = arith.constant 200 : i32
    %add3A_21 = arith.addi %mul3A_9, %add3A_20 : i32
    "tpu.region"() ({
      %run_scoped3A = tpu.sem_alloc : memref<!tpu.dma_semaphore, #tpu.memory_space<semaphore_mem>>
      %dma_start3A = arith.constant 0 : i32
      %dma_start3A_94 = tpu.memref_slice %arg14[%add3A_21, %dma_start3A] : memref<10000x144xf32, #tpu.memory_space<vmem_shared>> -> memref<40x144xf32, #tpu.memory_space<vmem_shared>>
      %dma_start3A_95 = arith.constant 0 : i32
      %dma_start3A_96 = tpu.memref_slice %arg14[%add3A_21, %dma_start3A_95] : memref<10000x144xf32, #tpu.memory_space<vmem_shared>> -> memref<40x144xf32, #tpu.memory_space<vmem_shared>>
      tpu.enqueue_dma source(%arg13 : memref<40x144xf32, #tpu.memory_space<vmem>>) target(%dma_start3A_96 : memref<40x144xf32, #tpu.memory_space<vmem_shared>>) target_semaphore(%run_scoped3A : memref<!tpu.dma_semaphore, #tpu.memory_space<semaphore_mem>>)
      %dma_wait3A = arith.constant 0 : i32
      %dma_wait3A_97 = tpu.memref_slice %arg14[%add3A_21, %dma_wait3A] : memref<10000x144xf32, #tpu.memory_space<vmem_shared>> -> memref<40x144xf32, #tpu.memory_space<vmem_shared>>
      %dma_wait3A_98 = arith.constant 0 : i32
      %dma_wait3A_99 = tpu.memref_slice %arg14[%add3A_21, %dma_wait3A_98] : memref<10000x144xf32, #tpu.memory_space<vmem_shared>> -> memref<40x144xf32, #tpu.memory_space<vmem_shared>>
      tpu.wait_dma2 semaphore(%run_scoped3A : memref<!tpu.dma_semaphore, #tpu.memory_space<semaphore_mem>>) src(%arg13 : memref<40x144xf32, #tpu.memory_space<vmem>>) dst(%dma_wait3A_99 : memref<40x144xf32, #tpu.memory_space<vmem_shared>>)
      tpu.yield
    }) : () -> ()
    %add3A_22 = arith.constant 240 : i32
    %add3A_23 = arith.addi %mul3A_9, %add3A_22 : i32
    "tpu.region"() ({
      %run_scoped3A = tpu.sem_alloc : memref<!tpu.dma_semaphore, #tpu.memory_space<semaphore_mem>>
      %dma_start3A = arith.constant 0 : i32
      %dma_start3A_94 = tpu.memref_slice %arg14[%add3A_23, %dma_start3A] : memref<10000x144xf32, #tpu.memory_space<vmem_shared>> -> memref<40x144xf32, #tpu.memory_space<vmem_shared>>
      %dma_start3A_95 = arith.constant 0 : i32
      %dma_start3A_96 = tpu.memref_slice %arg14[%add3A_23, %dma_start3A_95] : memref<10000x144xf32, #tpu.memory_space<vmem_shared>> -> memref<40x144xf32, #tpu.memory_space<vmem_shared>>
      tpu.enqueue_dma source(%arg13 : memref<40x144xf32, #tpu.memory_space<vmem>>) target(%dma_start3A_96 : memref<40x144xf32, #tpu.memory_space<vmem_shared>>) target_semaphore(%run_scoped3A : memref<!tpu.dma_semaphore, #tpu.memory_space<semaphore_mem>>)
      %dma_wait3A = arith.constant 0 : i32
      %dma_wait3A_97 = tpu.memref_slice %arg14[%add3A_23, %dma_wait3A] : memref<10000x144xf32, #tpu.memory_space<vmem_shared>> -> memref<40x144xf32, #tpu.memory_space<vmem_shared>>
      %dma_wait3A_98 = arith.constant 0 : i32
      %dma_wait3A_99 = tpu.memref_slice %arg14[%add3A_23, %dma_wait3A_98] : memref<10000x144xf32, #tpu.memory_space<vmem_shared>> -> memref<40x144xf32, #tpu.memory_space<vmem_shared>>
      tpu.wait_dma2 semaphore(%run_scoped3A : memref<!tpu.dma_semaphore, #tpu.memory_space<semaphore_mem>>) src(%arg13 : memref<40x144xf32, #tpu.memory_space<vmem>>) dst(%dma_wait3A_99 : memref<40x144xf32, #tpu.memory_space<vmem_shared>>)
      tpu.yield
    }) : () -> ()
    %add3A_24 = arith.constant 280 : i32
    %add3A_25 = arith.addi %mul3A_9, %add3A_24 : i32
    "tpu.region"() ({
      %run_scoped3A = tpu.sem_alloc : memref<!tpu.dma_semaphore, #tpu.memory_space<semaphore_mem>>
      %dma_start3A = arith.constant 0 : i32
      %dma_start3A_94 = tpu.memref_slice %arg14[%add3A_25, %dma_start3A] : memref<10000x144xf32, #tpu.memory_space<vmem_shared>> -> memref<40x144xf32, #tpu.memory_space<vmem_shared>>
      %dma_start3A_95 = arith.constant 0 : i32
      %dma_start3A_96 = tpu.memref_slice %arg14[%add3A_25, %dma_start3A_95] : memref<10000x144xf32, #tpu.memory_space<vmem_shared>> -> memref<40x144xf32, #tpu.memory_space<vmem_shared>>
      tpu.enqueue_dma source(%arg13 : memref<40x144xf32, #tpu.memory_space<vmem>>) target(%dma_start3A_96 : memref<40x144xf32, #tpu.memory_space<vmem_shared>>) target_semaphore(%run_scoped3A : memref<!tpu.dma_semaphore, #tpu.memory_space<semaphore_mem>>)
      %dma_wait3A = arith.constant 0 : i32
      %dma_wait3A_97 = tpu.memref_slice %arg14[%add3A_25, %dma_wait3A] : memref<10000x144xf32, #tpu.memory_space<vmem_shared>> -> memref<40x144xf32, #tpu.memory_space<vmem_shared>>
      %dma_wait3A_98 = arith.constant 0 : i32
      %dma_wait3A_99 = tpu.memref_slice %arg14[%add3A_25, %dma_wait3A_98] : memref<10000x144xf32, #tpu.memory_space<vmem_shared>> -> memref<40x144xf32, #tpu.memory_space<vmem_shared>>
      tpu.wait_dma2 semaphore(%run_scoped3A : memref<!tpu.dma_semaphore, #tpu.memory_space<semaphore_mem>>) src(%arg13 : memref<40x144xf32, #tpu.memory_space<vmem>>) dst(%dma_wait3A_99 : memref<40x144xf32, #tpu.memory_space<vmem_shared>>)
      tpu.yield
    }) : () -> ()
    %add3A_26 = arith.constant 320 : i32
    %add3A_27 = arith.addi %mul3A_9, %add3A_26 : i32
    "tpu.region"() ({
      %run_scoped3A = tpu.sem_alloc : memref<!tpu.dma_semaphore, #tpu.memory_space<semaphore_mem>>
      %dma_start3A = arith.constant 0 : i32
      %dma_start3A_94 = tpu.memref_slice %arg14[%add3A_27, %dma_start3A] : memref<10000x144xf32, #tpu.memory_space<vmem_shared>> -> memref<40x144xf32, #tpu.memory_space<vmem_shared>>
      %dma_start3A_95 = arith.constant 0 : i32
      %dma_start3A_96 = tpu.memref_slice %arg14[%add3A_27, %dma_start3A_95] : memref<10000x144xf32, #tpu.memory_space<vmem_shared>> -> memref<40x144xf32, #tpu.memory_space<vmem_shared>>
      tpu.enqueue_dma source(%arg13 : memref<40x144xf32, #tpu.memory_space<vmem>>) target(%dma_start3A_96 : memref<40x144xf32, #tpu.memory_space<vmem_shared>>) target_semaphore(%run_scoped3A : memref<!tpu.dma_semaphore, #tpu.memory_space<semaphore_mem>>)
      %dma_wait3A = arith.constant 0 : i32
      %dma_wait3A_97 = tpu.memref_slice %arg14[%add3A_27, %dma_wait3A] : memref<10000x144xf32, #tpu.memory_space<vmem_shared>> -> memref<40x144xf32, #tpu.memory_space<vmem_shared>>
      %dma_wait3A_98 = arith.constant 0 : i32
      %dma_wait3A_99 = tpu.memref_slice %arg14[%add3A_27, %dma_wait3A_98] : memref<10000x144xf32, #tpu.memory_space<vmem_shared>> -> memref<40x144xf32, #tpu.memory_space<vmem_shared>>
      tpu.wait_dma2 semaphore(%run_scoped3A : memref<!tpu.dma_semaphore, #tpu.memory_space<semaphore_mem>>) src(%arg13 : memref<40x144xf32, #tpu.memory_space<vmem>>) dst(%dma_wait3A_99 : memref<40x144xf32, #tpu.memory_space<vmem_shared>>)
      tpu.yield
    }) : () -> ()
    %add3A_28 = arith.constant 360 : i32
    %add3A_29 = arith.addi %mul3A_9, %add3A_28 : i32
    "tpu.region"() ({
      %run_scoped3A = tpu.sem_alloc : memref<!tpu.dma_semaphore, #tpu.memory_space<semaphore_mem>>
      %dma_start3A = arith.constant 0 : i32
      %dma_start3A_94 = tpu.memref_slice %arg14[%add3A_29, %dma_start3A] : memref<10000x144xf32, #tpu.memory_space<vmem_shared>> -> memref<40x144xf32, #tpu.memory_space<vmem_shared>>
      %dma_start3A_95 = arith.constant 0 : i32
      %dma_start3A_96 = tpu.memref_slice %arg14[%add3A_29, %dma_start3A_95] : memref<10000x144xf32, #tpu.memory_space<vmem_shared>> -> memref<40x144xf32, #tpu.memory_space<vmem_shared>>
      tpu.enqueue_dma source(%arg13 : memref<40x144xf32, #tpu.memory_space<vmem>>) target(%dma_start3A_96 : memref<40x144xf32, #tpu.memory_space<vmem_shared>>) target_semaphore(%run_scoped3A : memref<!tpu.dma_semaphore, #tpu.memory_space<semaphore_mem>>)
      %dma_wait3A = arith.constant 0 : i32
      %dma_wait3A_97 = tpu.memref_slice %arg14[%add3A_29, %dma_wait3A] : memref<10000x144xf32, #tpu.memory_space<vmem_shared>> -> memref<40x144xf32, #tpu.memory_space<vmem_shared>>
      %dma_wait3A_98 = arith.constant 0 : i32
      %dma_wait3A_99 = tpu.memref_slice %arg14[%add3A_29, %dma_wait3A_98] : memref<10000x144xf32, #tpu.memory_space<vmem_shared>> -> memref<40x144xf32, #tpu.memory_space<vmem_shared>>
      tpu.wait_dma2 semaphore(%run_scoped3A : memref<!tpu.dma_semaphore, #tpu.memory_space<semaphore_mem>>) src(%arg13 : memref<40x144xf32, #tpu.memory_space<vmem>>) dst(%dma_wait3A_99 : memref<40x144xf32, #tpu.memory_space<vmem_shared>>)
      tpu.yield
    }) : () -> ()
    %add3A_30 = arith.constant 400 : i32
    %add3A_31 = arith.addi %mul3A_9, %add3A_30 : i32
    "tpu.region"() ({
      %run_scoped3A = tpu.sem_alloc : memref<!tpu.dma_semaphore, #tpu.memory_space<semaphore_mem>>
      %dma_start3A = arith.constant 0 : i32
      %dma_start3A_94 = tpu.memref_slice %arg14[%add3A_31, %dma_start3A] : memref<10000x144xf32, #tpu.memory_space<vmem_shared>> -> memref<40x144xf32, #tpu.memory_space<vmem_shared>>
      %dma_start3A_95 = arith.constant 0 : i32
      %dma_start3A_96 = tpu.memref_slice %arg14[%add3A_31, %dma_start3A_95] : memref<10000x144xf32, #tpu.memory_space<vmem_shared>> -> memref<40x144xf32, #tpu.memory_space<vmem_shared>>
      tpu.enqueue_dma source(%arg13 : memref<40x144xf32, #tpu.memory_space<vmem>>) target(%dma_start3A_96 : memref<40x144xf32, #tpu.memory_space<vmem_shared>>) target_semaphore(%run_scoped3A : memref<!tpu.dma_semaphore, #tpu.memory_space<semaphore_mem>>)
      %dma_wait3A = arith.constant 0 : i32
      %dma_wait3A_97 = tpu.memref_slice %arg14[%add3A_31, %dma_wait3A] : memref<10000x144xf32, #tpu.memory_space<vmem_shared>> -> memref<40x144xf32, #tpu.memory_space<vmem_shared>>
      %dma_wait3A_98 = arith.constant 0 : i32
      %dma_wait3A_99 = tpu.memref_slice %arg14[%add3A_31, %dma_wait3A_98] : memref<10000x144xf32, #tpu.memory_space<vmem_shared>> -> memref<40x144xf32, #tpu.memory_space<vmem_shared>>
      tpu.wait_dma2 semaphore(%run_scoped3A : memref<!tpu.dma_semaphore, #tpu.memory_space<semaphore_mem>>) src(%arg13 : memref<40x144xf32, #tpu.memory_space<vmem>>) dst(%dma_wait3A_99 : memref<40x144xf32, #tpu.memory_space<vmem_shared>>)
      tpu.yield
    }) : () -> ()
    %add3A_32 = arith.constant 440 : i32
    %add3A_33 = arith.addi %mul3A_9, %add3A_32 : i32
    "tpu.region"() ({
      %run_scoped3A = tpu.sem_alloc : memref<!tpu.dma_semaphore, #tpu.memory_space<semaphore_mem>>
      %dma_start3A = arith.constant 0 : i32
      %dma_start3A_94 = tpu.memref_slice %arg14[%add3A_33, %dma_start3A] : memref<10000x144xf32, #tpu.memory_space<vmem_shared>> -> memref<40x144xf32, #tpu.memory_space<vmem_shared>>
      %dma_start3A_95 = arith.constant 0 : i32
      %dma_start3A_96 = tpu.memref_slice %arg14[%add3A_33, %dma_start3A_95] : memref<10000x144xf32, #tpu.memory_space<vmem_shared>> -> memref<40x144xf32, #tpu.memory_space<vmem_shared>>
      tpu.enqueue_dma source(%arg13 : memref<40x144xf32, #tpu.memory_space<vmem>>) target(%dma_start3A_96 : memref<40x144xf32, #tpu.memory_space<vmem_shared>>) target_semaphore(%run_scoped3A : memref<!tpu.dma_semaphore, #tpu.memory_space<semaphore_mem>>)
      %dma_wait3A = arith.constant 0 : i32
      %dma_wait3A_97 = tpu.memref_slice %arg14[%add3A_33, %dma_wait3A] : memref<10000x144xf32, #tpu.memory_space<vmem_shared>> -> memref<40x144xf32, #tpu.memory_space<vmem_shared>>
      %dma_wait3A_98 = arith.constant 0 : i32
      %dma_wait3A_99 = tpu.memref_slice %arg14[%add3A_33, %dma_wait3A_98] : memref<10000x144xf32, #tpu.memory_space<vmem_shared>> -> memref<40x144xf32, #tpu.memory_space<vmem_shared>>
      tpu.wait_dma2 semaphore(%run_scoped3A : memref<!tpu.dma_semaphore, #tpu.memory_space<semaphore_mem>>) src(%arg13 : memref<40x144xf32, #tpu.memory_space<vmem>>) dst(%dma_wait3A_99 : memref<40x144xf32, #tpu.memory_space<vmem_shared>>)
      tpu.yield
    }) : () -> ()
    %add3A_34 = arith.constant 480 : i32
    %add3A_35 = arith.addi %mul3A_9, %add3A_34 : i32
    "tpu.region"() ({
      %run_scoped3A = tpu.sem_alloc : memref<!tpu.dma_semaphore, #tpu.memory_space<semaphore_mem>>
      %dma_start3A = arith.constant 0 : i32
      %dma_start3A_94 = tpu.memref_slice %arg14[%add3A_35, %dma_start3A] : memref<10000x144xf32, #tpu.memory_space<vmem_shared>> -> memref<40x144xf32, #tpu.memory_space<vmem_shared>>
      %dma_start3A_95 = arith.constant 0 : i32
      %dma_start3A_96 = tpu.memref_slice %arg14[%add3A_35, %dma_start3A_95] : memref<10000x144xf32, #tpu.memory_space<vmem_shared>> -> memref<40x144xf32, #tpu.memory_space<vmem_shared>>
      tpu.enqueue_dma source(%arg13 : memref<40x144xf32, #tpu.memory_space<vmem>>) target(%dma_start3A_96 : memref<40x144xf32, #tpu.memory_space<vmem_shared>>) target_semaphore(%run_scoped3A : memref<!tpu.dma_semaphore, #tpu.memory_space<semaphore_mem>>)
      %dma_wait3A = arith.constant 0 : i32
      %dma_wait3A_97 = tpu.memref_slice %arg14[%add3A_35, %dma_wait3A] : memref<10000x144xf32, #tpu.memory_space<vmem_shared>> -> memref<40x144xf32, #tpu.memory_space<vmem_shared>>
      %dma_wait3A_98 = arith.constant 0 : i32
      %dma_wait3A_99 = tpu.memref_slice %arg14[%add3A_35, %dma_wait3A_98] : memref<10000x144xf32, #tpu.memory_space<vmem_shared>> -> memref<40x144xf32, #tpu.memory_space<vmem_shared>>
      tpu.wait_dma2 semaphore(%run_scoped3A : memref<!tpu.dma_semaphore, #tpu.memory_space<semaphore_mem>>) src(%arg13 : memref<40x144xf32, #tpu.memory_space<vmem>>) dst(%dma_wait3A_99 : memref<40x144xf32, #tpu.memory_space<vmem_shared>>)
      tpu.yield
    }) : () -> ()
    %add3A_36 = arith.constant 520 : i32
    %add3A_37 = arith.addi %mul3A_9, %add3A_36 : i32
    "tpu.region"() ({
      %run_scoped3A = tpu.sem_alloc : memref<!tpu.dma_semaphore, #tpu.memory_space<semaphore_mem>>
      %dma_start3A = arith.constant 0 : i32
      %dma_start3A_94 = tpu.memref_slice %arg14[%add3A_37, %dma_start3A] : memref<10000x144xf32, #tpu.memory_space<vmem_shared>> -> memref<40x144xf32, #tpu.memory_space<vmem_shared>>
      %dma_start3A_95 = arith.constant 0 : i32
      %dma_start3A_96 = tpu.memref_slice %arg14[%add3A_37, %dma_start3A_95] : memref<10000x144xf32, #tpu.memory_space<vmem_shared>> -> memref<40x144xf32, #tpu.memory_space<vmem_shared>>
      tpu.enqueue_dma source(%arg13 : memref<40x144xf32, #tpu.memory_space<vmem>>) target(%dma_start3A_96 : memref<40x144xf32, #tpu.memory_space<vmem_shared>>) target_semaphore(%run_scoped3A : memref<!tpu.dma_semaphore, #tpu.memory_space<semaphore_mem>>)
      %dma_wait3A = arith.constant 0 : i32
      %dma_wait3A_97 = tpu.memref_slice %arg14[%add3A_37, %dma_wait3A] : memref<10000x144xf32, #tpu.memory_space<vmem_shared>> -> memref<40x144xf32, #tpu.memory_space<vmem_shared>>
      %dma_wait3A_98 = arith.constant 0 : i32
      %dma_wait3A_99 = tpu.memref_slice %arg14[%add3A_37, %dma_wait3A_98] : memref<10000x144xf32, #tpu.memory_space<vmem_shared>> -> memref<40x144xf32, #tpu.memory_space<vmem_shared>>
      tpu.wait_dma2 semaphore(%run_scoped3A : memref<!tpu.dma_semaphore, #tpu.memory_space<semaphore_mem>>) src(%arg13 : memref<40x144xf32, #tpu.memory_space<vmem>>) dst(%dma_wait3A_99 : memref<40x144xf32, #tpu.memory_space<vmem_shared>>)
      tpu.yield
    }) : () -> ()
    %add3A_38 = arith.constant 560 : i32
    %add3A_39 = arith.addi %mul3A_9, %add3A_38 : i32
    "tpu.region"() ({
      %run_scoped3A = tpu.sem_alloc : memref<!tpu.dma_semaphore, #tpu.memory_space<semaphore_mem>>
      %dma_start3A = arith.constant 0 : i32
      %dma_start3A_94 = tpu.memref_slice %arg14[%add3A_39, %dma_start3A] : memref<10000x144xf32, #tpu.memory_space<vmem_shared>> -> memref<40x144xf32, #tpu.memory_space<vmem_shared>>
      %dma_start3A_95 = arith.constant 0 : i32
      %dma_start3A_96 = tpu.memref_slice %arg14[%add3A_39, %dma_start3A_95] : memref<10000x144xf32, #tpu.memory_space<vmem_shared>> -> memref<40x144xf32, #tpu.memory_space<vmem_shared>>
      tpu.enqueue_dma source(%arg13 : memref<40x144xf32, #tpu.memory_space<vmem>>) target(%dma_start3A_96 : memref<40x144xf32, #tpu.memory_space<vmem_shared>>) target_semaphore(%run_scoped3A : memref<!tpu.dma_semaphore, #tpu.memory_space<semaphore_mem>>)
      %dma_wait3A = arith.constant 0 : i32
      %dma_wait3A_97 = tpu.memref_slice %arg14[%add3A_39, %dma_wait3A] : memref<10000x144xf32, #tpu.memory_space<vmem_shared>> -> memref<40x144xf32, #tpu.memory_space<vmem_shared>>
      %dma_wait3A_98 = arith.constant 0 : i32
      %dma_wait3A_99 = tpu.memref_slice %arg14[%add3A_39, %dma_wait3A_98] : memref<10000x144xf32, #tpu.memory_space<vmem_shared>> -> memref<40x144xf32, #tpu.memory_space<vmem_shared>>
      tpu.wait_dma2 semaphore(%run_scoped3A : memref<!tpu.dma_semaphore, #tpu.memory_space<semaphore_mem>>) src(%arg13 : memref<40x144xf32, #tpu.memory_space<vmem>>) dst(%dma_wait3A_99 : memref<40x144xf32, #tpu.memory_space<vmem_shared>>)
      tpu.yield
    }) : () -> ()
    %add3A_40 = arith.constant 600 : i32
    %add3A_41 = arith.addi %mul3A_9, %add3A_40 : i32
    "tpu.region"() ({
      %run_scoped3A = tpu.sem_alloc : memref<!tpu.dma_semaphore, #tpu.memory_space<semaphore_mem>>
      %dma_start3A = arith.constant 0 : i32
      %dma_start3A_94 = arith.constant 0 : i32
      %dma_start3A_95 = tpu.memref_slice %arg13[%dma_start3A, %dma_start3A_94] : memref<40x144xf32, #tpu.memory_space<vmem>> -> memref<25x144xf32, #tpu.memory_space<vmem>>
      %dma_start3A_96 = arith.constant 0 : i32
      %dma_start3A_97 = tpu.memref_slice %arg14[%add3A_41, %dma_start3A_96] : memref<10000x144xf32, #tpu.memory_space<vmem_shared>> -> memref<25x144xf32, #tpu.memory_space<vmem_shared>>
      %dma_start3A_98 = arith.constant 0 : i32
      %dma_start3A_99 = tpu.memref_slice %arg14[%add3A_41, %dma_start3A_98] : memref<10000x144xf32, #tpu.memory_space<vmem_shared>> -> memref<25x144xf32, #tpu.memory_space<vmem_shared>>
      %dma_start3A_100 = arith.constant 0 : i32
      %dma_start3A_101 = arith.constant 0 : i32
      %dma_start3A_102 = tpu.memref_slice %arg13[%dma_start3A_100, %dma_start3A_101] : memref<40x144xf32, #tpu.memory_space<vmem>> -> memref<25x144xf32, #tpu.memory_space<vmem>>
      tpu.enqueue_dma source(%dma_start3A_102 : memref<25x144xf32, #tpu.memory_space<vmem>>) target(%dma_start3A_99 : memref<25x144xf32, #tpu.memory_space<vmem_shared>>) target_semaphore(%run_scoped3A : memref<!tpu.dma_semaphore, #tpu.memory_space<semaphore_mem>>)
      %dma_wait3A = arith.constant 0 : i32
      %dma_wait3A_103 = arith.constant 0 : i32
      %dma_wait3A_104 = tpu.memref_slice %arg13[%dma_wait3A, %dma_wait3A_103] : memref<40x144xf32, #tpu.memory_space<vmem>> -> memref<25x144xf32, #tpu.memory_space<vmem>>
      %dma_wait3A_105 = arith.constant 0 : i32
      %dma_wait3A_106 = tpu.memref_slice %arg14[%add3A_41, %dma_wait3A_105] : memref<10000x144xf32, #tpu.memory_space<vmem_shared>> -> memref<25x144xf32, #tpu.memory_space<vmem_shared>>
      %dma_wait3A_107 = arith.constant 0 : i32
      %dma_wait3A_108 = tpu.memref_slice %arg14[%add3A_41, %dma_wait3A_107] : memref<10000x144xf32, #tpu.memory_space<vmem_shared>> -> memref<25x144xf32, #tpu.memory_space<vmem_shared>>
      %dma_wait3A_109 = arith.constant 0 : i32
      %dma_wait3A_110 = arith.constant 0 : i32
      %dma_wait3A_111 = tpu.memref_slice %arg13[%dma_wait3A_109, %dma_wait3A_110] : memref<40x144xf32, #tpu.memory_space<vmem>> -> memref<25x144xf32, #tpu.memory_space<vmem>>
      tpu.wait_dma2 semaphore(%run_scoped3A : memref<!tpu.dma_semaphore, #tpu.memory_space<semaphore_mem>>) src(%dma_wait3A_111 : memref<25x144xf32, #tpu.memory_space<vmem>>) dst(%dma_wait3A_108 : memref<25x144xf32, #tpu.memory_space<vmem_shared>>)
      tpu.yield
    }) : () -> ()
    %iota3A = tpu.iota {dimensions = array<i32: 0>} : vector<16xi32>
    %eq3A = arith.constant 0 : i32
    %eq3A_42 = vector.broadcast %eq3A : i32 to vector<16xi32>
    %eq3A_43 = arith.cmpi eq, %iota3A, %eq3A_42 : vector<16xi32>
    %jit3A = arith.constant 1.000000e+00 : f32
    %jit3A_44 = arith.constant 0.000000e+00 : f32
    %broadcast_in_dim3A_45 = vector.broadcast %jit3A : f32 to vector<16xf32>
    %broadcast_in_dim3A_46 = vector.broadcast %jit3A_44 : f32 to vector<16xf32>
    %select_n3A = arith.select %eq3A_43, %broadcast_in_dim3A_45, %broadcast_in_dim3A_46 : vector<16xi1>, vector<16xf32>
    %scan3A_47 = arith.constant 0 : i32
    %scan3A_48 = arith.constant 0 : i32
    %scan3A_49 = arith.constant 40 : i32
    %scan3A_50 = arith.addi %scan3A_48, %scan3A_49 : i32
    %scan3A_51 = arith.constant 1 : i32
    %scan3A_52 = scf.for %scan3A_94 = %scan3A_48 to %scan3A_50 step %scan3A_51 iter_args(%scan3A_95 = %scan3A_47) -> (i32)  : i32 {
      %swap3A = arith.index_cast %scan3A_94 : i32 to index
      %swap3A_96 = arith.constant 128 : index
      %swap3A_97 = tpu.vector_load %arg13[%swap3A, %swap3A_96] {strides = array<i32>} : memref<40x144xf32, #tpu.memory_space<vmem>>, vector<1x16xf32>,
      %swap3A_98 = vector.shape_cast %swap3A_97 : vector<1x16xf32> to vector<16xf32>
      %swap3A_99 = vector.shape_cast %select_n3A : vector<16xf32> to vector<1x16xf32>
      tpu.vector_store %arg13[%swap3A, %swap3A_96], %swap3A_99 {strides = array<i32>} : memref<40x144xf32, #tpu.memory_space<vmem>>, vector<1x16xf32>,
      %scan3A_100 = arith.constant 0 : i32
      scf.yield %scan3A_100 : i32
    }
    %scan3A_53 = arith.constant 40 : i32
    %barrier3A = arith.constant 0 : index
    tpu.barrier barrier_id(%barrier3A)
    %scan3A_54 = arith.constant 0 : i32
    %scan3A_55 = arith.constant 0 : i32
    %scan3A_56 = arith.constant 5 : i32
    %scan3A_57 = arith.addi %scan3A_55, %scan3A_56 : i32
    %scan3A_58 = arith.constant 1 : i32
    %scan3A_59 = scf.for %scan3A_94 = %scan3A_55 to %scan3A_57 step %scan3A_58 iter_args(%scan3A_95 = %scan3A_54) -> (i32)  : i32 {
      "tpu.region"() ({
        %run_scoped3A = tpu.sem_alloc : memref<!tpu.dma_semaphore, #tpu.memory_space<semaphore_mem>>
        %dma_start3A = arith.constant 0 : i32
        %dma_start3A_104 = arith.constant 0 : i32
        %dma_start3A_105 = tpu.memref_slice %arg5[%add3A, %scan3A_94, %dma_start3A, %dma_start3A_104] : memref<32x5x50x40xi32, #tpu.memory_space<hbm>> -> memref<1x1x50x40xi32, #tpu.memory_space<hbm>>
        %dma_start3A_106 = tpu.memref_squeeze %dma_start3A_105 : memref<1x1x50x40xi32, #tpu.memory_space<hbm>> -> memref<50x40xi32, #tpu.memory_space<hbm>>
        %dma_start3A_107 = arith.constant 0 : i32
        %dma_start3A_108 = arith.constant 0 : i32
        %dma_start3A_109 = tpu.memref_slice %arg5[%add3A, %scan3A_94, %dma_start3A_107, %dma_start3A_108] : memref<32x5x50x40xi32, #tpu.memory_space<hbm>> -> memref<1x1x50x40xi32, #tpu.memory_space<hbm>>
        %dma_start3A_110 = tpu.memref_squeeze %dma_start3A_109 : memref<1x1x50x40xi32, #tpu.memory_space<hbm>> -> memref<50x40xi32, #tpu.memory_space<hbm>>
        tpu.enqueue_dma source(%dma_start3A_110 : memref<50x40xi32, #tpu.memory_space<hbm>>) target(%arg8 : memref<50x40xi32, #tpu.memory_space<vmem>>) target_semaphore(%run_scoped3A : memref<!tpu.dma_semaphore, #tpu.memory_space<semaphore_mem>>)
        %dma_wait3A = arith.constant 0 : i32
        %dma_wait3A_111 = arith.constant 0 : i32
        %dma_wait3A_112 = tpu.memref_slice %arg5[%add3A, %scan3A_94, %dma_wait3A, %dma_wait3A_111] : memref<32x5x50x40xi32, #tpu.memory_space<hbm>> -> memref<1x1x50x40xi32, #tpu.memory_space<hbm>>
        %dma_wait3A_113 = tpu.memref_squeeze %dma_wait3A_112 : memref<1x1x50x40xi32, #tpu.memory_space<hbm>> -> memref<50x40xi32, #tpu.memory_space<hbm>>
        %dma_wait3A_114 = arith.constant 0 : i32
        %dma_wait3A_115 = arith.constant 0 : i32
        %dma_wait3A_116 = tpu.memref_slice %arg5[%add3A, %scan3A_94, %dma_wait3A_114, %dma_wait3A_115] : memref<32x5x50x40xi32, #tpu.memory_space<hbm>> -> memref<1x1x50x40xi32, #tpu.memory_space<hbm>>
        %dma_wait3A_117 = tpu.memref_squeeze %dma_wait3A_116 : memref<1x1x50x40xi32, #tpu.memory_space<hbm>> -> memref<50x40xi32, #tpu.memory_space<hbm>>
        tpu.wait_dma2 semaphore(%run_scoped3A : memref<!tpu.dma_semaphore, #tpu.memory_space<semaphore_mem>>) src(%dma_wait3A_117 : memref<50x40xi32, #tpu.memory_space<hbm>>) dst(%arg8 : memref<50x40xi32, #tpu.memory_space<vmem>>)
        tpu.yield
      }) : () -> ()
      "tpu.region"() ({
        %run_scoped3A = tpu.sem_alloc : memref<!tpu.dma_semaphore, #tpu.memory_space<semaphore_mem>>
        %dma_start3A = arith.constant 0 : i32
        %dma_start3A_104 = arith.constant 0 : i32
        %dma_start3A_105 = tpu.memref_slice %arg6[%add3A, %scan3A_94, %dma_start3A, %dma_start3A_104] : memref<32x5x50x40xi32, #tpu.memory_space<hbm>> -> memref<1x1x50x40xi32, #tpu.memory_space<hbm>>
        %dma_start3A_106 = tpu.memref_squeeze %dma_start3A_105 : memref<1x1x50x40xi32, #tpu.memory_space<hbm>> -> memref<50x40xi32, #tpu.memory_space<hbm>>
        %dma_start3A_107 = arith.constant 0 : i32
        %dma_start3A_108 = arith.constant 0 : i32
        %dma_start3A_109 = tpu.memref_slice %arg6[%add3A, %scan3A_94, %dma_start3A_107, %dma_start3A_108] : memref<32x5x50x40xi32, #tpu.memory_space<hbm>> -> memref<1x1x50x40xi32, #tpu.memory_space<hbm>>
        %dma_start3A_110 = tpu.memref_squeeze %dma_start3A_109 : memref<1x1x50x40xi32, #tpu.memory_space<hbm>> -> memref<50x40xi32, #tpu.memory_space<hbm>>
        tpu.enqueue_dma source(%dma_start3A_110 : memref<50x40xi32, #tpu.memory_space<hbm>>) target(%arg9 : memref<50x40xi32, #tpu.memory_space<vmem>>) target_semaphore(%run_scoped3A : memref<!tpu.dma_semaphore, #tpu.memory_space<semaphore_mem>>)
        %dma_wait3A = arith.constant 0 : i32
        %dma_wait3A_111 = arith.constant 0 : i32
        %dma_wait3A_112 = tpu.memref_slice %arg6[%add3A, %scan3A_94, %dma_wait3A, %dma_wait3A_111] : memref<32x5x50x40xi32, #tpu.memory_space<hbm>> -> memref<1x1x50x40xi32, #tpu.memory_space<hbm>>
        %dma_wait3A_113 = tpu.memref_squeeze %dma_wait3A_112 : memref<1x1x50x40xi32, #tpu.memory_space<hbm>> -> memref<50x40xi32, #tpu.memory_space<hbm>>
        %dma_wait3A_114 = arith.constant 0 : i32
        %dma_wait3A_115 = arith.constant 0 : i32
        %dma_wait3A_116 = tpu.memref_slice %arg6[%add3A, %scan3A_94, %dma_wait3A_114, %dma_wait3A_115] : memref<32x5x50x40xi32, #tpu.memory_space<hbm>> -> memref<1x1x50x40xi32, #tpu.memory_space<hbm>>
        %dma_wait3A_117 = tpu.memref_squeeze %dma_wait3A_116 : memref<1x1x50x40xi32, #tpu.memory_space<hbm>> -> memref<50x40xi32, #tpu.memory_space<hbm>>
        tpu.wait_dma2 semaphore(%run_scoped3A : memref<!tpu.dma_semaphore, #tpu.memory_space<semaphore_mem>>) src(%dma_wait3A_117 : memref<50x40xi32, #tpu.memory_space<hbm>>) dst(%arg9 : memref<50x40xi32, #tpu.memory_space<vmem>>)
        tpu.yield
      }) : () -> ()
      %scan3A_96 = arith.constant 0 : i32
      %scan3A_97 = arith.constant 0 : i32
      %scan3A_98 = arith.constant 50 : i32
      %scan3A_99 = arith.addi %scan3A_97, %scan3A_98 : i32
      %scan3A_100 = arith.constant 1 : i32
      %scan3A_101 = scf.for %scan3A_104 = %scan3A_97 to %scan3A_99 step %scan3A_100 iter_args(%scan3A_105 = %scan3A_96) -> (i32)  : i32 {
        %mul3A_106 = arith.constant 10000 : i32
        %mul3A_107 = arith.muli %add3A, %mul3A_106 : i32
        %mul3A_108 = arith.constant 50 : i32
        %mul3A_109 = arith.muli %scan3A_94, %mul3A_108 : i32
        %add3A_110 = arith.addi %mul3A_109, %scan3A_104 : i32
        %mul3A_111 = arith.constant 40 : i32
        %mul3A_112 = arith.muli %add3A_110, %mul3A_111 : i32
        %add3A_113 = arith.addi %mul3A_107, %mul3A_112 : i32
        %dma_start3A = arith.constant 0 : i32
        %dma_start3A_114 = tpu.memref_slice %arg8[%scan3A_104, %dma_start3A] : memref<50x40xi32, #tpu.memory_space<vmem>> -> memref<1x40xi32, #tpu.memory_space<vmem>>
        %dma_start3A_115 = tpu.memref_squeeze %dma_start3A_114 : memref<1x40xi32, #tpu.memory_space<vmem>> -> memref<40xi32, #tpu.memory_space<vmem>>
        %dma_start3A_116 = arith.constant 0 : i32
        %dma_start3A_117 = arith.constant 0 : i32
        %dma_start3A_118 = tpu.memref_slice %arg2[%dma_start3A_116, %dma_start3A_117] : memref<10000x128xf32, #tpu.memory_space<hbm>> -> memref<10000x128xf32, #tpu.memory_space<hbm>>
        tpu.enqueue_indirect_dma source(%dma_start3A_118 : memref<10000x128xf32, #tpu.memory_space<hbm>>) target(%arg10 : memref<40x128xf32, #tpu.memory_space<vmem>>) offsets(%dma_start3A_115 : memref<40xi32, #tpu.memory_space<vmem>>) semaphore(%arg15 : memref<!tpu.dma_semaphore, #tpu.memory_space<semaphore_mem>>)
        %dma_start3A_119 = arith.constant 0 : i32
        %dma_start3A_120 = tpu.memref_slice %arg9[%scan3A_104, %dma_start3A_119] : memref<50x40xi32, #tpu.memory_space<vmem>> -> memref<1x40xi32, #tpu.memory_space<vmem>>
        %dma_start3A_121 = tpu.memref_squeeze %dma_start3A_120 : memref<1x40xi32, #tpu.memory_space<vmem>> -> memref<40xi32, #tpu.memory_space<vmem>>
        %dma_start3A_122 = arith.constant 0 : i32
        %dma_start3A_123 = arith.constant 0 : i32
        %dma_start3A_124 = tpu.memref_slice %arg3[%dma_start3A_122, %dma_start3A_123] : memref<10000x128xf32, #tpu.memory_space<hbm>> -> memref<10000x128xf32, #tpu.memory_space<hbm>>
        tpu.enqueue_indirect_dma source(%dma_start3A_124 : memref<10000x128xf32, #tpu.memory_space<hbm>>) target(%arg11 : memref<40x128xf32, #tpu.memory_space<vmem>>) offsets(%dma_start3A_121 : memref<40xi32, #tpu.memory_space<vmem>>) semaphore(%arg15 : memref<!tpu.dma_semaphore, #tpu.memory_space<semaphore_mem>>)
        %dma_start3A_125 = arith.constant 0 : i32
        %dma_start3A_126 = tpu.memref_slice %arg4[%add3A_113, %dma_start3A_125] : memref<320000x128xf32, #tpu.memory_space<hbm>> -> memref<40x128xf32, #tpu.memory_space<hbm>>
        %dma_start3A_127 = arith.constant 0 : i32
        %dma_start3A_128 = tpu.memref_slice %arg4[%add3A_113, %dma_start3A_127] : memref<320000x128xf32, #tpu.memory_space<hbm>> -> memref<40x128xf32, #tpu.memory_space<hbm>>
        tpu.enqueue_dma source(%dma_start3A_128 : memref<40x128xf32, #tpu.memory_space<hbm>>) target(%arg12 : memref<40x128xf32, #tpu.memory_space<vmem>>) target_semaphore(%arg15 : memref<!tpu.dma_semaphore, #tpu.memory_space<semaphore_mem>>)
        %dma_wait3A = arith.constant 0 : i32
        %dma_wait3A_129 = tpu.memref_slice %arg8[%scan3A_104, %dma_wait3A] : memref<50x40xi32, #tpu.memory_space<vmem>> -> memref<1x40xi32, #tpu.memory_space<vmem>>
        %dma_wait3A_130 = tpu.memref_squeeze %dma_wait3A_129 : memref<1x40xi32, #tpu.memory_space<vmem>> -> memref<40xi32, #tpu.memory_space<vmem>>
        %dma_wait3A_131 = arith.constant 0 : i32
        %dma_wait3A_132 = arith.constant 0 : i32
        %dma_wait3A_133 = tpu.memref_slice %arg2[%dma_wait3A_131, %dma_wait3A_132] : memref<10000x128xf32, #tpu.memory_space<hbm>> -> memref<10000x128xf32, #tpu.memory_space<hbm>>
        tpu.wait_indirect_dma semaphore(%arg15 : memref<!tpu.dma_semaphore, #tpu.memory_space<semaphore_mem>>) src(%dma_wait3A_133 : memref<10000x128xf32, #tpu.memory_space<hbm>>) dst(%arg10 : memref<40x128xf32, #tpu.memory_space<vmem>>)
        %dma_wait3A_134 = arith.constant 0 : i32
        %dma_wait3A_135 = tpu.memref_slice %arg9[%scan3A_104, %dma_wait3A_134] : memref<50x40xi32, #tpu.memory_space<vmem>> -> memref<1x40xi32, #tpu.memory_space<vmem>>
        %dma_wait3A_136 = tpu.memref_squeeze %dma_wait3A_135 : memref<1x40xi32, #tpu.memory_space<vmem>> -> memref<40xi32, #tpu.memory_space<vmem>>
        %dma_wait3A_137 = arith.constant 0 : i32
        %dma_wait3A_138 = arith.constant 0 : i32
        %dma_wait3A_139 = tpu.memref_slice %arg3[%dma_wait3A_137, %dma_wait3A_138] : memref<10000x128xf32, #tpu.memory_space<hbm>> -> memref<10000x128xf32, #tpu.memory_space<hbm>>
        tpu.wait_indirect_dma semaphore(%arg15 : memref<!tpu.dma_semaphore, #tpu.memory_space<semaphore_mem>>) src(%dma_wait3A_139 : memref<10000x128xf32, #tpu.memory_space<hbm>>) dst(%arg11 : memref<40x128xf32, #tpu.memory_space<vmem>>)
        %dma_wait3A_140 = arith.constant 0 : i32
        %dma_wait3A_141 = tpu.memref_slice %arg4[%add3A_113, %dma_wait3A_140] : memref<320000x128xf32, #tpu.memory_space<hbm>> -> memref<40x128xf32, #tpu.memory_space<hbm>>
        %dma_wait3A_142 = arith.constant 0 : i32
        %dma_wait3A_143 = tpu.memref_slice %arg4[%add3A_113, %dma_wait3A_142] : memref<320000x128xf32, #tpu.memory_space<hbm>> -> memref<40x128xf32, #tpu.memory_space<hbm>>
        tpu.wait_dma2 semaphore(%arg15 : memref<!tpu.dma_semaphore, #tpu.memory_space<semaphore_mem>>) src(%dma_wait3A_143 : memref<40x128xf32, #tpu.memory_space<hbm>>) dst(%arg12 : memref<40x128xf32, #tpu.memory_space<vmem>>)
        %scan3A_144 = arith.constant 0 : i32
        %scan3A_145 = arith.constant 0 : i32
        %scan3A_146 = arith.constant 40 : i32
        %scan3A_147 = arith.addi %scan3A_145, %scan3A_146 : i32
        %scan3A_148 = arith.constant 1 : i32
        %scan3A_149 = scf.for %scan3A_152 = %scan3A_145 to %scan3A_147 step %scan3A_148 iter_args(%scan3A_153 = %scan3A_144) -> (i32)  : i32 {
          %get3A = arith.index_cast %scan3A_152 : i32 to index
          %get3A_154 = arith.constant 0 : index
          %get3A_155 = tpu.vector_load %arg10[%get3A, %get3A_154] {strides = array<i32>} : memref<40x128xf32, #tpu.memory_space<vmem>>, vector<1x16xf32>,
          %get3A_156 = vector.shape_cast %get3A_155 : vector<1x16xf32> to vector<16xf32>
          %get3A_157 = arith.index_cast %scan3A_152 : i32 to index
          %get3A_158 = arith.constant 0 : index
          %get3A_159 = tpu.vector_load %arg11[%get3A_157, %get3A_158] {strides = array<i32>} : memref<40x128xf32, #tpu.memory_space<vmem>>, vector<1x16xf32>,
          %get3A_160 = vector.shape_cast %get3A_159 : vector<1x16xf32> to vector<16xf32>
          %add3A_161 = arith.addf %get3A_156, %get3A_160 : vector<16xf32>
          %get3A_162 = arith.index_cast %scan3A_152 : i32 to index
          %get3A_163 = arith.constant 0 : index
          %get3A_164 = tpu.vector_load %arg12[%get3A_162, %get3A_163] {strides = array<i32>} : memref<40x128xf32, #tpu.memory_space<vmem>>, vector<1x16xf32>,
          %get3A_165 = vector.shape_cast %get3A_164 : vector<1x16xf32> to vector<16xf32>
          %add3A_166 = arith.addf %add3A_161, %get3A_165 : vector<16xf32>
          %max3A = arith.constant 0.000000e+00 : f32
          %max3A_167 = vector.broadcast %max3A : f32 to vector<16xf32>
          %max3A_168 = arith.maximumf %add3A_166, %max3A_167 : vector<16xf32>
          %swap3A = arith.index_cast %scan3A_152 : i32 to index
          %swap3A_169 = arith.constant 0 : index
          %swap3A_170 = tpu.vector_load %arg13[%swap3A, %swap3A_169] {strides = array<i32>} : memref<40x144xf32, #tpu.memory_space<vmem>>, vector<1x16xf32>,
          %swap3A_171 = vector.shape_cast %swap3A_170 : vector<1x16xf32> to vector<16xf32>
          %swap3A_172 = vector.shape_cast %max3A_168 : vector<16xf32> to vector<1x16xf32>
          tpu.vector_store %arg13[%swap3A, %swap3A_169], %swap3A_172 {strides = array<i32>} : memref<40x144xf32, #tpu.memory_space<vmem>>, vector<1x16xf32>,
          %get3A_173 = arith.index_cast %scan3A_152 : i32 to index
          %get3A_174 = arith.constant 16 : index
          %get3A_175 = tpu.vector_load %arg10[%get3A_173, %get3A_174] {strides = array<i32>} : memref<40x128xf32, #tpu.memory_space<vmem>>, vector<1x16xf32>,
          %get3A_176 = vector.shape_cast %get3A_175 : vector<1x16xf32> to vector<16xf32>
          %get3A_177 = arith.index_cast %scan3A_152 : i32 to index
          %get3A_178 = arith.constant 16 : index
          %get3A_179 = tpu.vector_load %arg11[%get3A_177, %get3A_178] {strides = array<i32>} : memref<40x128xf32, #tpu.memory_space<vmem>>, vector<1x16xf32>,
          %get3A_180 = vector.shape_cast %get3A_179 : vector<1x16xf32> to vector<16xf32>
          %add3A_181 = arith.addf %get3A_176, %get3A_180 : vector<16xf32>
          %get3A_182 = arith.index_cast %scan3A_152 : i32 to index
          %get3A_183 = arith.constant 16 : index
          %get3A_184 = tpu.vector_load %arg12[%get3A_182, %get3A_183] {strides = array<i32>} : memref<40x128xf32, #tpu.memory_space<vmem>>, vector<1x16xf32>,
          %get3A_185 = vector.shape_cast %get3A_184 : vector<1x16xf32> to vector<16xf32>
          %add3A_186 = arith.addf %add3A_181, %get3A_185 : vector<16xf32>
          %max3A_187 = arith.constant 0.000000e+00 : f32
          %max3A_188 = vector.broadcast %max3A_187 : f32 to vector<16xf32>
          %max3A_189 = arith.maximumf %add3A_186, %max3A_188 : vector<16xf32>
          %swap3A_190 = arith.index_cast %scan3A_152 : i32 to index
          %swap3A_191 = arith.constant 16 : index
          %swap3A_192 = tpu.vector_load %arg13[%swap3A_190, %swap3A_191] {strides = array<i32>} : memref<40x144xf32, #tpu.memory_space<vmem>>, vector<1x16xf32>,
          %swap3A_193 = vector.shape_cast %swap3A_192 : vector<1x16xf32> to vector<16xf32>
          %swap3A_194 = vector.shape_cast %max3A_189 : vector<16xf32> to vector<1x16xf32>
          tpu.vector_store %arg13[%swap3A_190, %swap3A_191], %swap3A_194 {strides = array<i32>} : memref<40x144xf32, #tpu.memory_space<vmem>>, vector<1x16xf32>,
          %get3A_195 = arith.index_cast %scan3A_152 : i32 to index
          %get3A_196 = arith.constant 32 : index
          %get3A_197 = tpu.vector_load %arg10[%get3A_195, %get3A_196] {strides = array<i32>} : memref<40x128xf32, #tpu.memory_space<vmem>>, vector<1x16xf32>,
          %get3A_198 = vector.shape_cast %get3A_197 : vector<1x16xf32> to vector<16xf32>
          %get3A_199 = arith.index_cast %scan3A_152 : i32 to index
          %get3A_200 = arith.constant 32 : index
          %get3A_201 = tpu.vector_load %arg11[%get3A_199, %get3A_200] {strides = array<i32>} : memref<40x128xf32, #tpu.memory_space<vmem>>, vector<1x16xf32>,
          %get3A_202 = vector.shape_cast %get3A_201 : vector<1x16xf32> to vector<16xf32>
          %add3A_203 = arith.addf %get3A_198, %get3A_202 : vector<16xf32>
          %get3A_204 = arith.index_cast %scan3A_152 : i32 to index
          %get3A_205 = arith.constant 32 : index
          %get3A_206 = tpu.vector_load %arg12[%get3A_204, %get3A_205] {strides = array<i32>} : memref<40x128xf32, #tpu.memory_space<vmem>>, vector<1x16xf32>,
          %get3A_207 = vector.shape_cast %get3A_206 : vector<1x16xf32> to vector<16xf32>
          %add3A_208 = arith.addf %add3A_203, %get3A_207 : vector<16xf32>
          %max3A_209 = arith.constant 0.000000e+00 : f32
          %max3A_210 = vector.broadcast %max3A_209 : f32 to vector<16xf32>
          %max3A_211 = arith.maximumf %add3A_208, %max3A_210 : vector<16xf32>
          %swap3A_212 = arith.index_cast %scan3A_152 : i32 to index
          %swap3A_213 = arith.constant 32 : index
          %swap3A_214 = tpu.vector_load %arg13[%swap3A_212, %swap3A_213] {strides = array<i32>} : memref<40x144xf32, #tpu.memory_space<vmem>>, vector<1x16xf32>,
          %swap3A_215 = vector.shape_cast %swap3A_214 : vector<1x16xf32> to vector<16xf32>
          %swap3A_216 = vector.shape_cast %max3A_211 : vector<16xf32> to vector<1x16xf32>
          tpu.vector_store %arg13[%swap3A_212, %swap3A_213], %swap3A_216 {strides = array<i32>} : memref<40x144xf32, #tpu.memory_space<vmem>>, vector<1x16xf32>,
          %get3A_217 = arith.index_cast %scan3A_152 : i32 to index
          %get3A_218 = arith.constant 48 : index
          %get3A_219 = tpu.vector_load %arg10[%get3A_217, %get3A_218] {strides = array<i32>} : memref<40x128xf32, #tpu.memory_space<vmem>>, vector<1x16xf32>,
          %get3A_220 = vector.shape_cast %get3A_219 : vector<1x16xf32> to vector<16xf32>
          %get3A_221 = arith.index_cast %scan3A_152 : i32 to index
          %get3A_222 = arith.constant 48 : index
          %get3A_223 = tpu.vector_load %arg11[%get3A_221, %get3A_222] {strides = array<i32>} : memref<40x128xf32, #tpu.memory_space<vmem>>, vector<1x16xf32>,
          %get3A_224 = vector.shape_cast %get3A_223 : vector<1x16xf32> to vector<16xf32>
          %add3A_225 = arith.addf %get3A_220, %get3A_224 : vector<16xf32>
          %get3A_226 = arith.index_cast %scan3A_152 : i32 to index
          %get3A_227 = arith.constant 48 : index
          %get3A_228 = tpu.vector_load %arg12[%get3A_226, %get3A_227] {strides = array<i32>} : memref<40x128xf32, #tpu.memory_space<vmem>>, vector<1x16xf32>,
          %get3A_229 = vector.shape_cast %get3A_228 : vector<1x16xf32> to vector<16xf32>
          %add3A_230 = arith.addf %add3A_225, %get3A_229 : vector<16xf32>
          %max3A_231 = arith.constant 0.000000e+00 : f32
          %max3A_232 = vector.broadcast %max3A_231 : f32 to vector<16xf32>
          %max3A_233 = arith.maximumf %add3A_230, %max3A_232 : vector<16xf32>
          %swap3A_234 = arith.index_cast %scan3A_152 : i32 to index
          %swap3A_235 = arith.constant 48 : index
          %swap3A_236 = tpu.vector_load %arg13[%swap3A_234, %swap3A_235] {strides = array<i32>} : memref<40x144xf32, #tpu.memory_space<vmem>>, vector<1x16xf32>,
          %swap3A_237 = vector.shape_cast %swap3A_236 : vector<1x16xf32> to vector<16xf32>
          %swap3A_238 = vector.shape_cast %max3A_233 : vector<16xf32> to vector<1x16xf32>
          tpu.vector_store %arg13[%swap3A_234, %swap3A_235], %swap3A_238 {strides = array<i32>} : memref<40x144xf32, #tpu.memory_space<vmem>>, vector<1x16xf32>,
          %get3A_239 = arith.index_cast %scan3A_152 : i32 to index
          %get3A_240 = arith.constant 64 : index
          %get3A_241 = tpu.vector_load %arg10[%get3A_239, %get3A_240] {strides = array<i32>} : memref<40x128xf32, #tpu.memory_space<vmem>>, vector<1x16xf32>,
          %get3A_242 = vector.shape_cast %get3A_241 : vector<1x16xf32> to vector<16xf32>
          %get3A_243 = arith.index_cast %scan3A_152 : i32 to index
          %get3A_244 = arith.constant 64 : index
          %get3A_245 = tpu.vector_load %arg11[%get3A_243, %get3A_244] {strides = array<i32>} : memref<40x128xf32, #tpu.memory_space<vmem>>, vector<1x16xf32>,
          %get3A_246 = vector.shape_cast %get3A_245 : vector<1x16xf32> to vector<16xf32>
          %add3A_247 = arith.addf %get3A_242, %get3A_246 : vector<16xf32>
          %get3A_248 = arith.index_cast %scan3A_152 : i32 to index
          %get3A_249 = arith.constant 64 : index
          %get3A_250 = tpu.vector_load %arg12[%get3A_248, %get3A_249] {strides = array<i32>} : memref<40x128xf32, #tpu.memory_space<vmem>>, vector<1x16xf32>,
          %get3A_251 = vector.shape_cast %get3A_250 : vector<1x16xf32> to vector<16xf32>
          %add3A_252 = arith.addf %add3A_247, %get3A_251 : vector<16xf32>
          %max3A_253 = arith.constant 0.000000e+00 : f32
          %max3A_254 = vector.broadcast %max3A_253 : f32 to vector<16xf32>
          %max3A_255 = arith.maximumf %add3A_252, %max3A_254 : vector<16xf32>
          %swap3A_256 = arith.index_cast %scan3A_152 : i32 to index
          %swap3A_257 = arith.constant 64 : index
          %swap3A_258 = tpu.vector_load %arg13[%swap3A_256, %swap3A_257] {strides = array<i32>} : memref<40x144xf32, #tpu.memory_space<vmem>>, vector<1x16xf32>,
          %swap3A_259 = vector.shape_cast %swap3A_258 : vector<1x16xf32> to vector<16xf32>
          %swap3A_260 = vector.shape_cast %max3A_255 : vector<16xf32> to vector<1x16xf32>
          tpu.vector_store %arg13[%swap3A_256, %swap3A_257], %swap3A_260 {strides = array<i32>} : memref<40x144xf32, #tpu.memory_space<vmem>>, vector<1x16xf32>,
          %get3A_261 = arith.index_cast %scan3A_152 : i32 to index
          %get3A_262 = arith.constant 80 : index
          %get3A_263 = tpu.vector_load %arg10[%get3A_261, %get3A_262] {strides = array<i32>} : memref<40x128xf32, #tpu.memory_space<vmem>>, vector<1x16xf32>,
          %get3A_264 = vector.shape_cast %get3A_263 : vector<1x16xf32> to vector<16xf32>
          %get3A_265 = arith.index_cast %scan3A_152 : i32 to index
          %get3A_266 = arith.constant 80 : index
          %get3A_267 = tpu.vector_load %arg11[%get3A_265, %get3A_266] {strides = array<i32>} : memref<40x128xf32, #tpu.memory_space<vmem>>, vector<1x16xf32>,
          %get3A_268 = vector.shape_cast %get3A_267 : vector<1x16xf32> to vector<16xf32>
          %add3A_269 = arith.addf %get3A_264, %get3A_268 : vector<16xf32>
          %get3A_270 = arith.index_cast %scan3A_152 : i32 to index
          %get3A_271 = arith.constant 80 : index
          %get3A_272 = tpu.vector_load %arg12[%get3A_270, %get3A_271] {strides = array<i32>} : memref<40x128xf32, #tpu.memory_space<vmem>>, vector<1x16xf32>,
          %get3A_273 = vector.shape_cast %get3A_272 : vector<1x16xf32> to vector<16xf32>
          %add3A_274 = arith.addf %add3A_269, %get3A_273 : vector<16xf32>
          %max3A_275 = arith.constant 0.000000e+00 : f32
          %max3A_276 = vector.broadcast %max3A_275 : f32 to vector<16xf32>
          %max3A_277 = arith.maximumf %add3A_274, %max3A_276 : vector<16xf32>
          %swap3A_278 = arith.index_cast %scan3A_152 : i32 to index
          %swap3A_279 = arith.constant 80 : index
          %swap3A_280 = tpu.vector_load %arg13[%swap3A_278, %swap3A_279] {strides = array<i32>} : memref<40x144xf32, #tpu.memory_space<vmem>>, vector<1x16xf32>,
          %swap3A_281 = vector.shape_cast %swap3A_280 : vector<1x16xf32> to vector<16xf32>
          %swap3A_282 = vector.shape_cast %max3A_277 : vector<16xf32> to vector<1x16xf32>
          tpu.vector_store %arg13[%swap3A_278, %swap3A_279], %swap3A_282 {strides = array<i32>} : memref<40x144xf32, #tpu.memory_space<vmem>>, vector<1x16xf32>,
          %get3A_283 = arith.index_cast %scan3A_152 : i32 to index
          %get3A_284 = arith.constant 96 : index
          %get3A_285 = tpu.vector_load %arg10[%get3A_283, %get3A_284] {strides = array<i32>} : memref<40x128xf32, #tpu.memory_space<vmem>>, vector<1x16xf32>,
          %get3A_286 = vector.shape_cast %get3A_285 : vector<1x16xf32> to vector<16xf32>
          %get3A_287 = arith.index_cast %scan3A_152 : i32 to index
          %get3A_288 = arith.constant 96 : index
          %get3A_289 = tpu.vector_load %arg11[%get3A_287, %get3A_288] {strides = array<i32>} : memref<40x128xf32, #tpu.memory_space<vmem>>, vector<1x16xf32>,
          %get3A_290 = vector.shape_cast %get3A_289 : vector<1x16xf32> to vector<16xf32>
          %add3A_291 = arith.addf %get3A_286, %get3A_290 : vector<16xf32>
          %get3A_292 = arith.index_cast %scan3A_152 : i32 to index
          %get3A_293 = arith.constant 96 : index
          %get3A_294 = tpu.vector_load %arg12[%get3A_292, %get3A_293] {strides = array<i32>} : memref<40x128xf32, #tpu.memory_space<vmem>>, vector<1x16xf32>,
          %get3A_295 = vector.shape_cast %get3A_294 : vector<1x16xf32> to vector<16xf32>
          %add3A_296 = arith.addf %add3A_291, %get3A_295 : vector<16xf32>
          %max3A_297 = arith.constant 0.000000e+00 : f32
          %max3A_298 = vector.broadcast %max3A_297 : f32 to vector<16xf32>
          %max3A_299 = arith.maximumf %add3A_296, %max3A_298 : vector<16xf32>
          %swap3A_300 = arith.index_cast %scan3A_152 : i32 to index
          %swap3A_301 = arith.constant 96 : index
          %swap3A_302 = tpu.vector_load %arg13[%swap3A_300, %swap3A_301] {strides = array<i32>} : memref<40x144xf32, #tpu.memory_space<vmem>>, vector<1x16xf32>,
          %swap3A_303 = vector.shape_cast %swap3A_302 : vector<1x16xf32> to vector<16xf32>
          %swap3A_304 = vector.shape_cast %max3A_299 : vector<16xf32> to vector<1x16xf32>
          tpu.vector_store %arg13[%swap3A_300, %swap3A_301], %swap3A_304 {strides = array<i32>} : memref<40x144xf32, #tpu.memory_space<vmem>>, vector<1x16xf32>,
          %get3A_305 = arith.index_cast %scan3A_152 : i32 to index
          %get3A_306 = arith.constant 112 : index
          %get3A_307 = tpu.vector_load %arg10[%get3A_305, %get3A_306] {strides = array<i32>} : memref<40x128xf32, #tpu.memory_space<vmem>>, vector<1x16xf32>,
          %get3A_308 = vector.shape_cast %get3A_307 : vector<1x16xf32> to vector<16xf32>
          %get3A_309 = arith.index_cast %scan3A_152 : i32 to index
          %get3A_310 = arith.constant 112 : index
          %get3A_311 = tpu.vector_load %arg11[%get3A_309, %get3A_310] {strides = array<i32>} : memref<40x128xf32, #tpu.memory_space<vmem>>, vector<1x16xf32>,
          %get3A_312 = vector.shape_cast %get3A_311 : vector<1x16xf32> to vector<16xf32>
          %add3A_313 = arith.addf %get3A_308, %get3A_312 : vector<16xf32>
          %get3A_314 = arith.index_cast %scan3A_152 : i32 to index
          %get3A_315 = arith.constant 112 : index
          %get3A_316 = tpu.vector_load %arg12[%get3A_314, %get3A_315] {strides = array<i32>} : memref<40x128xf32, #tpu.memory_space<vmem>>, vector<1x16xf32>,
          %get3A_317 = vector.shape_cast %get3A_316 : vector<1x16xf32> to vector<16xf32>
          %add3A_318 = arith.addf %add3A_313, %get3A_317 : vector<16xf32>
          %max3A_319 = arith.constant 0.000000e+00 : f32
          %max3A_320 = vector.broadcast %max3A_319 : f32 to vector<16xf32>
          %max3A_321 = arith.maximumf %add3A_318, %max3A_320 : vector<16xf32>
          %swap3A_322 = arith.index_cast %scan3A_152 : i32 to index
          %swap3A_323 = arith.constant 112 : index
          %swap3A_324 = tpu.vector_load %arg13[%swap3A_322, %swap3A_323] {strides = array<i32>} : memref<40x144xf32, #tpu.memory_space<vmem>>, vector<1x16xf32>,
          %swap3A_325 = vector.shape_cast %swap3A_324 : vector<1x16xf32> to vector<16xf32>
          %swap3A_326 = vector.shape_cast %max3A_321 : vector<16xf32> to vector<1x16xf32>
          tpu.vector_store %arg13[%swap3A_322, %swap3A_323], %swap3A_326 {strides = array<i32>} : memref<40x144xf32, #tpu.memory_space<vmem>>, vector<1x16xf32>,
          %scan3A_327 = arith.constant 0 : i32
          scf.yield %scan3A_327 : i32
        }
        %scan3A_150 = arith.constant 40 : i32
        "tpu.region"() ({
          %run_scoped3A = tpu.sem_alloc : memref<!tpu.dma_semaphore, #tpu.memory_space<semaphore_mem>>
          %dma_start3A_152 = arith.constant 0 : i32
          %dma_start3A_153 = tpu.memref_slice %arg9[%scan3A_104, %dma_start3A_152] : memref<50x40xi32, #tpu.memory_space<vmem>> -> memref<1x40xi32, #tpu.memory_space<vmem>>
          %dma_start3A_154 = tpu.memref_squeeze %dma_start3A_153 : memref<1x40xi32, #tpu.memory_space<vmem>> -> memref<40xi32, #tpu.memory_space<vmem>>
          %dma_start3A_155 = arith.constant 0 : i32
          %dma_start3A_156 = arith.constant 0 : i32
          %dma_start3A_157 = tpu.memref_slice %arg14[%dma_start3A_155, %dma_start3A_156] : memref<10000x144xf32, #tpu.memory_space<vmem_shared>> -> memref<10000x144xf32, #tpu.memory_space<vmem_shared>>
          tpu.enqueue_indirect_dma source(%arg13 : memref<40x144xf32, #tpu.memory_space<vmem>>) target(%dma_start3A_157 : memref<10000x144xf32, #tpu.memory_space<vmem_shared>>) offsets(%dma_start3A_154 : memref<40xi32, #tpu.memory_space<vmem>>) semaphore(%run_scoped3A : memref<!tpu.dma_semaphore, #tpu.memory_space<semaphore_mem>>) {add = true}
          %dma_wait3A_158 = arith.constant 0 : i32
          %dma_wait3A_159 = tpu.memref_slice %arg9[%scan3A_104, %dma_wait3A_158] : memref<50x40xi32, #tpu.memory_space<vmem>> -> memref<1x40xi32, #tpu.memory_space<vmem>>
          %dma_wait3A_160 = tpu.memref_squeeze %dma_wait3A_159 : memref<1x40xi32, #tpu.memory_space<vmem>> -> memref<40xi32, #tpu.memory_space<vmem>>
          %dma_wait3A_161 = arith.constant 0 : i32
          %dma_wait3A_162 = arith.constant 0 : i32
          %dma_wait3A_163 = tpu.memref_slice %arg14[%dma_wait3A_161, %dma_wait3A_162] : memref<10000x144xf32, #tpu.memory_space<vmem_shared>> -> memref<10000x144xf32, #tpu.memory_space<vmem_shared>>
          tpu.wait_indirect_dma semaphore(%run_scoped3A : memref<!tpu.dma_semaphore, #tpu.memory_space<semaphore_mem>>) src(%arg13 : memref<40x144xf32, #tpu.memory_space<vmem>>) dst(%dma_wait3A_163 : memref<10000x144xf32, #tpu.memory_space<vmem_shared>>)
          tpu.yield
        }) : () -> ()
        %scan3A_151 = arith.constant 0 : i32
        scf.yield %scan3A_151 : i32
      }
      %scan3A_102 = arith.constant 50 : i32
      %scan3A_103 = arith.constant 0 : i32
      scf.yield %scan3A_103 : i32
    }
    %scan3A_60 = arith.constant 5 : i32
    %barrier3A_61 = arith.constant 0 : index
    tpu.barrier barrier_id(%barrier3A_61)
    %add3A_62 = arith.constant 0 : i32
    %add3A_63 = arith.addi %mul3A_9, %add3A_62 : i32
    "tpu.region"() ({
      %run_scoped3A = tpu.sem_alloc : memref<!tpu.dma_semaphore, #tpu.memory_space<semaphore_mem>>
      %dma_start3A = arith.constant 0 : i32
      %dma_start3A_94 = arith.constant 0 : i32
      %dma_start3A_95 = tpu.memref_slice %arg13[%dma_start3A, %dma_start3A_94] : memref<40x144xf32, #tpu.memory_space<vmem>> -> memref<40x144xf32, #tpu.memory_space<vmem>>
      %dma_start3A_96 = arith.constant 0 : i32
      %dma_start3A_97 = tpu.memref_slice %arg14[%add3A_63, %dma_start3A_96] : memref<10000x144xf32, #tpu.memory_space<vmem_shared>> -> memref<40x144xf32, #tpu.memory_space<vmem_shared>>
      %dma_start3A_98 = arith.constant 0 : i32
      %dma_start3A_99 = arith.constant 0 : i32
      %dma_start3A_100 = tpu.memref_slice %arg13[%dma_start3A_98, %dma_start3A_99] : memref<40x144xf32, #tpu.memory_space<vmem>> -> memref<40x144xf32, #tpu.memory_space<vmem>>
      %dma_start3A_101 = arith.constant 0 : i32
      %dma_start3A_102 = tpu.memref_slice %arg14[%add3A_63, %dma_start3A_101] : memref<10000x144xf32, #tpu.memory_space<vmem_shared>> -> memref<40x144xf32, #tpu.memory_space<vmem_shared>>
      tpu.enqueue_dma source(%dma_start3A_102 : memref<40x144xf32, #tpu.memory_space<vmem_shared>>) target(%dma_start3A_100 : memref<40x144xf32, #tpu.memory_space<vmem>>) target_semaphore(%run_scoped3A : memref<!tpu.dma_semaphore, #tpu.memory_space<semaphore_mem>>)
      %dma_wait3A = arith.constant 0 : i32
      %dma_wait3A_103 = arith.constant 0 : i32
      %dma_wait3A_104 = tpu.memref_slice %arg13[%dma_wait3A, %dma_wait3A_103] : memref<40x144xf32, #tpu.memory_space<vmem>> -> memref<40x144xf32, #tpu.memory_space<vmem>>
      %dma_wait3A_105 = arith.constant 0 : i32
      %dma_wait3A_106 = tpu.memref_slice %arg14[%add3A_63, %dma_wait3A_105] : memref<10000x144xf32, #tpu.memory_space<vmem_shared>> -> memref<40x144xf32, #tpu.memory_space<vmem_shared>>
      %dma_wait3A_107 = arith.constant 0 : i32
      %dma_wait3A_108 = arith.constant 0 : i32
      %dma_wait3A_109 = tpu.memref_slice %arg13[%dma_wait3A_107, %dma_wait3A_108] : memref<40x144xf32, #tpu.memory_space<vmem>> -> memref<40x144xf32, #tpu.memory_space<vmem>>
      %dma_wait3A_110 = arith.constant 0 : i32
      %dma_wait3A_111 = tpu.memref_slice %arg14[%add3A_63, %dma_wait3A_110] : memref<10000x144xf32, #tpu.memory_space<vmem_shared>> -> memref<40x144xf32, #tpu.memory_space<vmem_shared>>
      tpu.wait_dma2 semaphore(%run_scoped3A : memref<!tpu.dma_semaphore, #tpu.memory_space<semaphore_mem>>) src(%dma_wait3A_111 : memref<40x144xf32, #tpu.memory_space<vmem_shared>>) dst(%dma_wait3A_109 : memref<40x144xf32, #tpu.memory_space<vmem>>)
      tpu.yield
    }) : () -> ()
    "tpu.region"() ({
      %run_scoped3A = tpu.sem_alloc : memref<!tpu.dma_semaphore, #tpu.memory_space<semaphore_mem>>
      %dma_start3A = arith.constant 0 : i32
      %dma_start3A_94 = arith.constant 0 : i32
      %dma_start3A_95 = tpu.memref_slice %arg13[%dma_start3A, %dma_start3A_94] : memref<40x144xf32, #tpu.memory_space<vmem>> -> memref<40x144xf32, #tpu.memory_space<vmem>>
      %dma_start3A_96 = arith.constant 0 : i32
      %dma_start3A_97 = tpu.memref_slice %arg7[%arg0, %add3A_63, %dma_start3A_96] : memref<2x10000x144xf32, #tpu.memory_space<hbm>> -> memref<1x40x144xf32, #tpu.memory_space<hbm>>
      %dma_start3A_98 = tpu.memref_squeeze %dma_start3A_97 : memref<1x40x144xf32, #tpu.memory_space<hbm>> -> memref<40x144xf32, #tpu.memory_space<hbm>>
      %dma_start3A_99 = arith.constant 0 : i32
      %dma_start3A_100 = tpu.memref_slice %arg7[%arg0, %add3A_63, %dma_start3A_99] : memref<2x10000x144xf32, #tpu.memory_space<hbm>> -> memref<1x40x144xf32, #tpu.memory_space<hbm>>
      %dma_start3A_101 = tpu.memref_squeeze %dma_start3A_100 : memref<1x40x144xf32, #tpu.memory_space<hbm>> -> memref<40x144xf32, #tpu.memory_space<hbm>>
      %dma_start3A_102 = arith.constant 0 : i32
      %dma_start3A_103 = arith.constant 0 : i32
      %dma_start3A_104 = tpu.memref_slice %arg13[%dma_start3A_102, %dma_start3A_103] : memref<40x144xf32, #tpu.memory_space<vmem>> -> memref<40x144xf32, #tpu.memory_space<vmem>>
      tpu.enqueue_dma source(%dma_start3A_104 : memref<40x144xf32, #tpu.memory_space<vmem>>) target(%dma_start3A_101 : memref<40x144xf32, #tpu.memory_space<hbm>>) target_semaphore(%run_scoped3A : memref<!tpu.dma_semaphore, #tpu.memory_space<semaphore_mem>>)
      %dma_wait3A = arith.constant 0 : i32
      %dma_wait3A_105 = arith.constant 0 : i32
      %dma_wait3A_106 = tpu.memref_slice %arg13[%dma_wait3A, %dma_wait3A_105] : memref<40x144xf32, #tpu.memory_space<vmem>> -> memref<40x144xf32, #tpu.memory_space<vmem>>
      %dma_wait3A_107 = arith.constant 0 : i32
      %dma_wait3A_108 = tpu.memref_slice %arg7[%arg0, %add3A_63, %dma_wait3A_107] : memref<2x10000x144xf32, #tpu.memory_space<hbm>> -> memref<1x40x144xf32, #tpu.memory_space<hbm>>
      %dma_wait3A_109 = tpu.memref_squeeze %dma_wait3A_108 : memref<1x40x144xf32, #tpu.memory_space<hbm>> -> memref<40x144xf32, #tpu.memory_space<hbm>>
      %dma_wait3A_110 = arith.constant 0 : i32
      %dma_wait3A_111 = tpu.memref_slice %arg7[%arg0, %add3A_63, %dma_wait3A_110] : memref<2x10000x144xf32, #tpu.memory_space<hbm>> -> memref<1x40x144xf32, #tpu.memory_space<hbm>>
      %dma_wait3A_112 = tpu.memref_squeeze %dma_wait3A_111 : memref<1x40x144xf32, #tpu.memory_space<hbm>> -> memref<40x144xf32, #tpu.memory_space<hbm>>
      %dma_wait3A_113 = arith.constant 0 : i32
      %dma_wait3A_114 = arith.constant 0 : i32
      %dma_wait3A_115 = tpu.memref_slice %arg13[%dma_wait3A_113, %dma_wait3A_114] : memref<40x144xf32, #tpu.memory_space<vmem>> -> memref<40x144xf32, #tpu.memory_space<vmem>>
      tpu.wait_dma2 semaphore(%run_scoped3A : memref<!tpu.dma_semaphore, #tpu.memory_space<semaphore_mem>>) src(%dma_wait3A_115 : memref<40x144xf32, #tpu.memory_space<vmem>>) dst(%dma_wait3A_112 : memref<40x144xf32, #tpu.memory_space<hbm>>)
      tpu.yield
    }) : () -> ()
    %add3A_64 = arith.constant 40 : i32
    %add3A_65 = arith.addi %mul3A_9, %add3A_64 : i32
    "tpu.region"() ({
      %run_scoped3A = tpu.sem_alloc : memref<!tpu.dma_semaphore, #tpu.memory_space<semaphore_mem>>
      %dma_start3A = arith.constant 0 : i32
      %dma_start3A_94 = arith.constant 0 : i32
      %dma_start3A_95 = tpu.memref_slice %arg13[%dma_start3A, %dma_start3A_94] : memref<40x144xf32, #tpu.memory_space<vmem>> -> memref<40x144xf32, #tpu.memory_space<vmem>>
      %dma_start3A_96 = arith.constant 0 : i32
      %dma_start3A_97 = tpu.memref_slice %arg14[%add3A_65, %dma_start3A_96] : memref<10000x144xf32, #tpu.memory_space<vmem_shared>> -> memref<40x144xf32, #tpu.memory_space<vmem_shared>>
      %dma_start3A_98 = arith.constant 0 : i32
      %dma_start3A_99 = arith.constant 0 : i32
      %dma_start3A_100 = tpu.memref_slice %arg13[%dma_start3A_98, %dma_start3A_99] : memref<40x144xf32, #tpu.memory_space<vmem>> -> memref<40x144xf32, #tpu.memory_space<vmem>>
      %dma_start3A_101 = arith.constant 0 : i32
      %dma_start3A_102 = tpu.memref_slice %arg14[%add3A_65, %dma_start3A_101] : memref<10000x144xf32, #tpu.memory_space<vmem_shared>> -> memref<40x144xf32, #tpu.memory_space<vmem_shared>>
      tpu.enqueue_dma source(%dma_start3A_102 : memref<40x144xf32, #tpu.memory_space<vmem_shared>>) target(%dma_start3A_100 : memref<40x144xf32, #tpu.memory_space<vmem>>) target_semaphore(%run_scoped3A : memref<!tpu.dma_semaphore, #tpu.memory_space<semaphore_mem>>)
      %dma_wait3A = arith.constant 0 : i32
      %dma_wait3A_103 = arith.constant 0 : i32
      %dma_wait3A_104 = tpu.memref_slice %arg13[%dma_wait3A, %dma_wait3A_103] : memref<40x144xf32, #tpu.memory_space<vmem>> -> memref<40x144xf32, #tpu.memory_space<vmem>>
      %dma_wait3A_105 = arith.constant 0 : i32
      %dma_wait3A_106 = tpu.memref_slice %arg14[%add3A_65, %dma_wait3A_105] : memref<10000x144xf32, #tpu.memory_space<vmem_shared>> -> memref<40x144xf32, #tpu.memory_space<vmem_shared>>
      %dma_wait3A_107 = arith.constant 0 : i32
      %dma_wait3A_108 = arith.constant 0 : i32
      %dma_wait3A_109 = tpu.memref_slice %arg13[%dma_wait3A_107, %dma_wait3A_108] : memref<40x144xf32, #tpu.memory_space<vmem>> -> memref<40x144xf32, #tpu.memory_space<vmem>>
      %dma_wait3A_110 = arith.constant 0 : i32
      %dma_wait3A_111 = tpu.memref_slice %arg14[%add3A_65, %dma_wait3A_110] : memref<10000x144xf32, #tpu.memory_space<vmem_shared>> -> memref<40x144xf32, #tpu.memory_space<vmem_shared>>
      tpu.wait_dma2 semaphore(%run_scoped3A : memref<!tpu.dma_semaphore, #tpu.memory_space<semaphore_mem>>) src(%dma_wait3A_111 : memref<40x144xf32, #tpu.memory_space<vmem_shared>>) dst(%dma_wait3A_109 : memref<40x144xf32, #tpu.memory_space<vmem>>)
      tpu.yield
    }) : () -> ()
    "tpu.region"() ({
      %run_scoped3A = tpu.sem_alloc : memref<!tpu.dma_semaphore, #tpu.memory_space<semaphore_mem>>
      %dma_start3A = arith.constant 0 : i32
      %dma_start3A_94 = arith.constant 0 : i32
      %dma_start3A_95 = tpu.memref_slice %arg13[%dma_start3A, %dma_start3A_94] : memref<40x144xf32, #tpu.memory_space<vmem>> -> memref<40x144xf32, #tpu.memory_space<vmem>>
      %dma_start3A_96 = arith.constant 0 : i32
      %dma_start3A_97 = tpu.memref_slice %arg7[%arg0, %add3A_65, %dma_start3A_96] : memref<2x10000x144xf32, #tpu.memory_space<hbm>> -> memref<1x40x144xf32, #tpu.memory_space<hbm>>
      %dma_start3A_98 = tpu.memref_squeeze %dma_start3A_97 : memref<1x40x144xf32, #tpu.memory_space<hbm>> -> memref<40x144xf32, #tpu.memory_space<hbm>>
      %dma_start3A_99 = arith.constant 0 : i32
      %dma_start3A_100 = tpu.memref_slice %arg7[%arg0, %add3A_65, %dma_start3A_99] : memref<2x10000x144xf32, #tpu.memory_space<hbm>> -> memref<1x40x144xf32, #tpu.memory_space<hbm>>
      %dma_start3A_101 = tpu.memref_squeeze %dma_start3A_100 : memref<1x40x144xf32, #tpu.memory_space<hbm>> -> memref<40x144xf32, #tpu.memory_space<hbm>>
      %dma_start3A_102 = arith.constant 0 : i32
      %dma_start3A_103 = arith.constant 0 : i32
      %dma_start3A_104 = tpu.memref_slice %arg13[%dma_start3A_102, %dma_start3A_103] : memref<40x144xf32, #tpu.memory_space<vmem>> -> memref<40x144xf32, #tpu.memory_space<vmem>>
      tpu.enqueue_dma source(%dma_start3A_104 : memref<40x144xf32, #tpu.memory_space<vmem>>) target(%dma_start3A_101 : memref<40x144xf32, #tpu.memory_space<hbm>>) target_semaphore(%run_scoped3A : memref<!tpu.dma_semaphore, #tpu.memory_space<semaphore_mem>>)
      %dma_wait3A = arith.constant 0 : i32
      %dma_wait3A_105 = arith.constant 0 : i32
      %dma_wait3A_106 = tpu.memref_slice %arg13[%dma_wait3A, %dma_wait3A_105] : memref<40x144xf32, #tpu.memory_space<vmem>> -> memref<40x144xf32, #tpu.memory_space<vmem>>
      %dma_wait3A_107 = arith.constant 0 : i32
      %dma_wait3A_108 = tpu.memref_slice %arg7[%arg0, %add3A_65, %dma_wait3A_107] : memref<2x10000x144xf32, #tpu.memory_space<hbm>> -> memref<1x40x144xf32, #tpu.memory_space<hbm>>
      %dma_wait3A_109 = tpu.memref_squeeze %dma_wait3A_108 : memref<1x40x144xf32, #tpu.memory_space<hbm>> -> memref<40x144xf32, #tpu.memory_space<hbm>>
      %dma_wait3A_110 = arith.constant 0 : i32
      %dma_wait3A_111 = tpu.memref_slice %arg7[%arg0, %add3A_65, %dma_wait3A_110] : memref<2x10000x144xf32, #tpu.memory_space<hbm>> -> memref<1x40x144xf32, #tpu.memory_space<hbm>>
      %dma_wait3A_112 = tpu.memref_squeeze %dma_wait3A_111 : memref<1x40x144xf32, #tpu.memory_space<hbm>> -> memref<40x144xf32, #tpu.memory_space<hbm>>
      %dma_wait3A_113 = arith.constant 0 : i32
      %dma_wait3A_114 = arith.constant 0 : i32
      %dma_wait3A_115 = tpu.memref_slice %arg13[%dma_wait3A_113, %dma_wait3A_114] : memref<40x144xf32, #tpu.memory_space<vmem>> -> memref<40x144xf32, #tpu.memory_space<vmem>>
      tpu.wait_dma2 semaphore(%run_scoped3A : memref<!tpu.dma_semaphore, #tpu.memory_space<semaphore_mem>>) src(%dma_wait3A_115 : memref<40x144xf32, #tpu.memory_space<vmem>>) dst(%dma_wait3A_112 : memref<40x144xf32, #tpu.memory_space<hbm>>)
      tpu.yield
    }) : () -> ()
    %add3A_66 = arith.constant 80 : i32
    %add3A_67 = arith.addi %mul3A_9, %add3A_66 : i32
    "tpu.region"() ({
      %run_scoped3A = tpu.sem_alloc : memref<!tpu.dma_semaphore, #tpu.memory_space<semaphore_mem>>
      %dma_start3A = arith.constant 0 : i32
      %dma_start3A_94 = arith.constant 0 : i32
      %dma_start3A_95 = tpu.memref_slice %arg13[%dma_start3A, %dma_start3A_94] : memref<40x144xf32, #tpu.memory_space<vmem>> -> memref<40x144xf32, #tpu.memory_space<vmem>>
      %dma_start3A_96 = arith.constant 0 : i32
      %dma_start3A_97 = tpu.memref_slice %arg14[%add3A_67, %dma_start3A_96] : memref<10000x144xf32, #tpu.memory_space<vmem_shared>> -> memref<40x144xf32, #tpu.memory_space<vmem_shared>>
      %dma_start3A_98 = arith.constant 0 : i32
      %dma_start3A_99 = arith.constant 0 : i32
      %dma_start3A_100 = tpu.memref_slice %arg13[%dma_start3A_98, %dma_start3A_99] : memref<40x144xf32, #tpu.memory_space<vmem>> -> memref<40x144xf32, #tpu.memory_space<vmem>>
      %dma_start3A_101 = arith.constant 0 : i32
      %dma_start3A_102 = tpu.memref_slice %arg14[%add3A_67, %dma_start3A_101] : memref<10000x144xf32, #tpu.memory_space<vmem_shared>> -> memref<40x144xf32, #tpu.memory_space<vmem_shared>>
      tpu.enqueue_dma source(%dma_start3A_102 : memref<40x144xf32, #tpu.memory_space<vmem_shared>>) target(%dma_start3A_100 : memref<40x144xf32, #tpu.memory_space<vmem>>) target_semaphore(%run_scoped3A : memref<!tpu.dma_semaphore, #tpu.memory_space<semaphore_mem>>)
      %dma_wait3A = arith.constant 0 : i32
      %dma_wait3A_103 = arith.constant 0 : i32
      %dma_wait3A_104 = tpu.memref_slice %arg13[%dma_wait3A, %dma_wait3A_103] : memref<40x144xf32, #tpu.memory_space<vmem>> -> memref<40x144xf32, #tpu.memory_space<vmem>>
      %dma_wait3A_105 = arith.constant 0 : i32
      %dma_wait3A_106 = tpu.memref_slice %arg14[%add3A_67, %dma_wait3A_105] : memref<10000x144xf32, #tpu.memory_space<vmem_shared>> -> memref<40x144xf32, #tpu.memory_space<vmem_shared>>
      %dma_wait3A_107 = arith.constant 0 : i32
      %dma_wait3A_108 = arith.constant 0 : i32
      %dma_wait3A_109 = tpu.memref_slice %arg13[%dma_wait3A_107, %dma_wait3A_108] : memref<40x144xf32, #tpu.memory_space<vmem>> -> memref<40x144xf32, #tpu.memory_space<vmem>>
      %dma_wait3A_110 = arith.constant 0 : i32
      %dma_wait3A_111 = tpu.memref_slice %arg14[%add3A_67, %dma_wait3A_110] : memref<10000x144xf32, #tpu.memory_space<vmem_shared>> -> memref<40x144xf32, #tpu.memory_space<vmem_shared>>
      tpu.wait_dma2 semaphore(%run_scoped3A : memref<!tpu.dma_semaphore, #tpu.memory_space<semaphore_mem>>) src(%dma_wait3A_111 : memref<40x144xf32, #tpu.memory_space<vmem_shared>>) dst(%dma_wait3A_109 : memref<40x144xf32, #tpu.memory_space<vmem>>)
      tpu.yield
    }) : () -> ()
    "tpu.region"() ({
      %run_scoped3A = tpu.sem_alloc : memref<!tpu.dma_semaphore, #tpu.memory_space<semaphore_mem>>
      %dma_start3A = arith.constant 0 : i32
      %dma_start3A_94 = arith.constant 0 : i32
      %dma_start3A_95 = tpu.memref_slice %arg13[%dma_start3A, %dma_start3A_94] : memref<40x144xf32, #tpu.memory_space<vmem>> -> memref<40x144xf32, #tpu.memory_space<vmem>>
      %dma_start3A_96 = arith.constant 0 : i32
      %dma_start3A_97 = tpu.memref_slice %arg7[%arg0, %add3A_67, %dma_start3A_96] : memref<2x10000x144xf32, #tpu.memory_space<hbm>> -> memref<1x40x144xf32, #tpu.memory_space<hbm>>
      %dma_start3A_98 = tpu.memref_squeeze %dma_start3A_97 : memref<1x40x144xf32, #tpu.memory_space<hbm>> -> memref<40x144xf32, #tpu.memory_space<hbm>>
      %dma_start3A_99 = arith.constant 0 : i32
      %dma_start3A_100 = tpu.memref_slice %arg7[%arg0, %add3A_67, %dma_start3A_99] : memref<2x10000x144xf32, #tpu.memory_space<hbm>> -> memref<1x40x144xf32, #tpu.memory_space<hbm>>
      %dma_start3A_101 = tpu.memref_squeeze %dma_start3A_100 : memref<1x40x144xf32, #tpu.memory_space<hbm>> -> memref<40x144xf32, #tpu.memory_space<hbm>>
      %dma_start3A_102 = arith.constant 0 : i32
      %dma_start3A_103 = arith.constant 0 : i32
      %dma_start3A_104 = tpu.memref_slice %arg13[%dma_start3A_102, %dma_start3A_103] : memref<40x144xf32, #tpu.memory_space<vmem>> -> memref<40x144xf32, #tpu.memory_space<vmem>>
      tpu.enqueue_dma source(%dma_start3A_104 : memref<40x144xf32, #tpu.memory_space<vmem>>) target(%dma_start3A_101 : memref<40x144xf32, #tpu.memory_space<hbm>>) target_semaphore(%run_scoped3A : memref<!tpu.dma_semaphore, #tpu.memory_space<semaphore_mem>>)
      %dma_wait3A = arith.constant 0 : i32
      %dma_wait3A_105 = arith.constant 0 : i32
      %dma_wait3A_106 = tpu.memref_slice %arg13[%dma_wait3A, %dma_wait3A_105] : memref<40x144xf32, #tpu.memory_space<vmem>> -> memref<40x144xf32, #tpu.memory_space<vmem>>
      %dma_wait3A_107 = arith.constant 0 : i32
      %dma_wait3A_108 = tpu.memref_slice %arg7[%arg0, %add3A_67, %dma_wait3A_107] : memref<2x10000x144xf32, #tpu.memory_space<hbm>> -> memref<1x40x144xf32, #tpu.memory_space<hbm>>
      %dma_wait3A_109 = tpu.memref_squeeze %dma_wait3A_108 : memref<1x40x144xf32, #tpu.memory_space<hbm>> -> memref<40x144xf32, #tpu.memory_space<hbm>>
      %dma_wait3A_110 = arith.constant 0 : i32
      %dma_wait3A_111 = tpu.memref_slice %arg7[%arg0, %add3A_67, %dma_wait3A_110] : memref<2x10000x144xf32, #tpu.memory_space<hbm>> -> memref<1x40x144xf32, #tpu.memory_space<hbm>>
      %dma_wait3A_112 = tpu.memref_squeeze %dma_wait3A_111 : memref<1x40x144xf32, #tpu.memory_space<hbm>> -> memref<40x144xf32, #tpu.memory_space<hbm>>
      %dma_wait3A_113 = arith.constant 0 : i32
      %dma_wait3A_114 = arith.constant 0 : i32
      %dma_wait3A_115 = tpu.memref_slice %arg13[%dma_wait3A_113, %dma_wait3A_114] : memref<40x144xf32, #tpu.memory_space<vmem>> -> memref<40x144xf32, #tpu.memory_space<vmem>>
      tpu.wait_dma2 semaphore(%run_scoped3A : memref<!tpu.dma_semaphore, #tpu.memory_space<semaphore_mem>>) src(%dma_wait3A_115 : memref<40x144xf32, #tpu.memory_space<vmem>>) dst(%dma_wait3A_112 : memref<40x144xf32, #tpu.memory_space<hbm>>)
      tpu.yield
    }) : () -> ()
    %add3A_68 = arith.constant 120 : i32
    %add3A_69 = arith.addi %mul3A_9, %add3A_68 : i32
    "tpu.region"() ({
      %run_scoped3A = tpu.sem_alloc : memref<!tpu.dma_semaphore, #tpu.memory_space<semaphore_mem>>
      %dma_start3A = arith.constant 0 : i32
      %dma_start3A_94 = arith.constant 0 : i32
      %dma_start3A_95 = tpu.memref_slice %arg13[%dma_start3A, %dma_start3A_94] : memref<40x144xf32, #tpu.memory_space<vmem>> -> memref<40x144xf32, #tpu.memory_space<vmem>>
      %dma_start3A_96 = arith.constant 0 : i32
      %dma_start3A_97 = tpu.memref_slice %arg14[%add3A_69, %dma_start3A_96] : memref<10000x144xf32, #tpu.memory_space<vmem_shared>> -> memref<40x144xf32, #tpu.memory_space<vmem_shared>>
      %dma_start3A_98 = arith.constant 0 : i32
      %dma_start3A_99 = arith.constant 0 : i32
      %dma_start3A_100 = tpu.memref_slice %arg13[%dma_start3A_98, %dma_start3A_99] : memref<40x144xf32, #tpu.memory_space<vmem>> -> memref<40x144xf32, #tpu.memory_space<vmem>>
      %dma_start3A_101 = arith.constant 0 : i32
      %dma_start3A_102 = tpu.memref_slice %arg14[%add3A_69, %dma_start3A_101] : memref<10000x144xf32, #tpu.memory_space<vmem_shared>> -> memref<40x144xf32, #tpu.memory_space<vmem_shared>>
      tpu.enqueue_dma source(%dma_start3A_102 : memref<40x144xf32, #tpu.memory_space<vmem_shared>>) target(%dma_start3A_100 : memref<40x144xf32, #tpu.memory_space<vmem>>) target_semaphore(%run_scoped3A : memref<!tpu.dma_semaphore, #tpu.memory_space<semaphore_mem>>)
      %dma_wait3A = arith.constant 0 : i32
      %dma_wait3A_103 = arith.constant 0 : i32
      %dma_wait3A_104 = tpu.memref_slice %arg13[%dma_wait3A, %dma_wait3A_103] : memref<40x144xf32, #tpu.memory_space<vmem>> -> memref<40x144xf32, #tpu.memory_space<vmem>>
      %dma_wait3A_105 = arith.constant 0 : i32
      %dma_wait3A_106 = tpu.memref_slice %arg14[%add3A_69, %dma_wait3A_105] : memref<10000x144xf32, #tpu.memory_space<vmem_shared>> -> memref<40x144xf32, #tpu.memory_space<vmem_shared>>
      %dma_wait3A_107 = arith.constant 0 : i32
      %dma_wait3A_108 = arith.constant 0 : i32
      %dma_wait3A_109 = tpu.memref_slice %arg13[%dma_wait3A_107, %dma_wait3A_108] : memref<40x144xf32, #tpu.memory_space<vmem>> -> memref<40x144xf32, #tpu.memory_space<vmem>>
      %dma_wait3A_110 = arith.constant 0 : i32
      %dma_wait3A_111 = tpu.memref_slice %arg14[%add3A_69, %dma_wait3A_110] : memref<10000x144xf32, #tpu.memory_space<vmem_shared>> -> memref<40x144xf32, #tpu.memory_space<vmem_shared>>
      tpu.wait_dma2 semaphore(%run_scoped3A : memref<!tpu.dma_semaphore, #tpu.memory_space<semaphore_mem>>) src(%dma_wait3A_111 : memref<40x144xf32, #tpu.memory_space<vmem_shared>>) dst(%dma_wait3A_109 : memref<40x144xf32, #tpu.memory_space<vmem>>)
      tpu.yield
    }) : () -> ()
    "tpu.region"() ({
      %run_scoped3A = tpu.sem_alloc : memref<!tpu.dma_semaphore, #tpu.memory_space<semaphore_mem>>
      %dma_start3A = arith.constant 0 : i32
      %dma_start3A_94 = arith.constant 0 : i32
      %dma_start3A_95 = tpu.memref_slice %arg13[%dma_start3A, %dma_start3A_94] : memref<40x144xf32, #tpu.memory_space<vmem>> -> memref<40x144xf32, #tpu.memory_space<vmem>>
      %dma_start3A_96 = arith.constant 0 : i32
      %dma_start3A_97 = tpu.memref_slice %arg7[%arg0, %add3A_69, %dma_start3A_96] : memref<2x10000x144xf32, #tpu.memory_space<hbm>> -> memref<1x40x144xf32, #tpu.memory_space<hbm>>
      %dma_start3A_98 = tpu.memref_squeeze %dma_start3A_97 : memref<1x40x144xf32, #tpu.memory_space<hbm>> -> memref<40x144xf32, #tpu.memory_space<hbm>>
      %dma_start3A_99 = arith.constant 0 : i32
      %dma_start3A_100 = tpu.memref_slice %arg7[%arg0, %add3A_69, %dma_start3A_99] : memref<2x10000x144xf32, #tpu.memory_space<hbm>> -> memref<1x40x144xf32, #tpu.memory_space<hbm>>
      %dma_start3A_101 = tpu.memref_squeeze %dma_start3A_100 : memref<1x40x144xf32, #tpu.memory_space<hbm>> -> memref<40x144xf32, #tpu.memory_space<hbm>>
      %dma_start3A_102 = arith.constant 0 : i32
      %dma_start3A_103 = arith.constant 0 : i32
      %dma_start3A_104 = tpu.memref_slice %arg13[%dma_start3A_102, %dma_start3A_103] : memref<40x144xf32, #tpu.memory_space<vmem>> -> memref<40x144xf32, #tpu.memory_space<vmem>>
      tpu.enqueue_dma source(%dma_start3A_104 : memref<40x144xf32, #tpu.memory_space<vmem>>) target(%dma_start3A_101 : memref<40x144xf32, #tpu.memory_space<hbm>>) target_semaphore(%run_scoped3A : memref<!tpu.dma_semaphore, #tpu.memory_space<semaphore_mem>>)
      %dma_wait3A = arith.constant 0 : i32
      %dma_wait3A_105 = arith.constant 0 : i32
      %dma_wait3A_106 = tpu.memref_slice %arg13[%dma_wait3A, %dma_wait3A_105] : memref<40x144xf32, #tpu.memory_space<vmem>> -> memref<40x144xf32, #tpu.memory_space<vmem>>
      %dma_wait3A_107 = arith.constant 0 : i32
      %dma_wait3A_108 = tpu.memref_slice %arg7[%arg0, %add3A_69, %dma_wait3A_107] : memref<2x10000x144xf32, #tpu.memory_space<hbm>> -> memref<1x40x144xf32, #tpu.memory_space<hbm>>
      %dma_wait3A_109 = tpu.memref_squeeze %dma_wait3A_108 : memref<1x40x144xf32, #tpu.memory_space<hbm>> -> memref<40x144xf32, #tpu.memory_space<hbm>>
      %dma_wait3A_110 = arith.constant 0 : i32
      %dma_wait3A_111 = tpu.memref_slice %arg7[%arg0, %add3A_69, %dma_wait3A_110] : memref<2x10000x144xf32, #tpu.memory_space<hbm>> -> memref<1x40x144xf32, #tpu.memory_space<hbm>>
      %dma_wait3A_112 = tpu.memref_squeeze %dma_wait3A_111 : memref<1x40x144xf32, #tpu.memory_space<hbm>> -> memref<40x144xf32, #tpu.memory_space<hbm>>
      %dma_wait3A_113 = arith.constant 0 : i32
      %dma_wait3A_114 = arith.constant 0 : i32
      %dma_wait3A_115 = tpu.memref_slice %arg13[%dma_wait3A_113, %dma_wait3A_114] : memref<40x144xf32, #tpu.memory_space<vmem>> -> memref<40x144xf32, #tpu.memory_space<vmem>>
      tpu.wait_dma2 semaphore(%run_scoped3A : memref<!tpu.dma_semaphore, #tpu.memory_space<semaphore_mem>>) src(%dma_wait3A_115 : memref<40x144xf32, #tpu.memory_space<vmem>>) dst(%dma_wait3A_112 : memref<40x144xf32, #tpu.memory_space<hbm>>)
      tpu.yield
    }) : () -> ()
    %add3A_70 = arith.constant 160 : i32
    %add3A_71 = arith.addi %mul3A_9, %add3A_70 : i32
    "tpu.region"() ({
      %run_scoped3A = tpu.sem_alloc : memref<!tpu.dma_semaphore, #tpu.memory_space<semaphore_mem>>
      %dma_start3A = arith.constant 0 : i32
      %dma_start3A_94 = arith.constant 0 : i32
      %dma_start3A_95 = tpu.memref_slice %arg13[%dma_start3A, %dma_start3A_94] : memref<40x144xf32, #tpu.memory_space<vmem>> -> memref<40x144xf32, #tpu.memory_space<vmem>>
      %dma_start3A_96 = arith.constant 0 : i32
      %dma_start3A_97 = tpu.memref_slice %arg14[%add3A_71, %dma_start3A_96] : memref<10000x144xf32, #tpu.memory_space<vmem_shared>> -> memref<40x144xf32, #tpu.memory_space<vmem_shared>>
      %dma_start3A_98 = arith.constant 0 : i32
      %dma_start3A_99 = arith.constant 0 : i32
      %dma_start3A_100 = tpu.memref_slice %arg13[%dma_start3A_98, %dma_start3A_99] : memref<40x144xf32, #tpu.memory_space<vmem>> -> memref<40x144xf32, #tpu.memory_space<vmem>>
      %dma_start3A_101 = arith.constant 0 : i32
      %dma_start3A_102 = tpu.memref_slice %arg14[%add3A_71, %dma_start3A_101] : memref<10000x144xf32, #tpu.memory_space<vmem_shared>> -> memref<40x144xf32, #tpu.memory_space<vmem_shared>>
      tpu.enqueue_dma source(%dma_start3A_102 : memref<40x144xf32, #tpu.memory_space<vmem_shared>>) target(%dma_start3A_100 : memref<40x144xf32, #tpu.memory_space<vmem>>) target_semaphore(%run_scoped3A : memref<!tpu.dma_semaphore, #tpu.memory_space<semaphore_mem>>)
      %dma_wait3A = arith.constant 0 : i32
      %dma_wait3A_103 = arith.constant 0 : i32
      %dma_wait3A_104 = tpu.memref_slice %arg13[%dma_wait3A, %dma_wait3A_103] : memref<40x144xf32, #tpu.memory_space<vmem>> -> memref<40x144xf32, #tpu.memory_space<vmem>>
      %dma_wait3A_105 = arith.constant 0 : i32
      %dma_wait3A_106 = tpu.memref_slice %arg14[%add3A_71, %dma_wait3A_105] : memref<10000x144xf32, #tpu.memory_space<vmem_shared>> -> memref<40x144xf32, #tpu.memory_space<vmem_shared>>
      %dma_wait3A_107 = arith.constant 0 : i32
      %dma_wait3A_108 = arith.constant 0 : i32
      %dma_wait3A_109 = tpu.memref_slice %arg13[%dma_wait3A_107, %dma_wait3A_108] : memref<40x144xf32, #tpu.memory_space<vmem>> -> memref<40x144xf32, #tpu.memory_space<vmem>>
      %dma_wait3A_110 = arith.constant 0 : i32
      %dma_wait3A_111 = tpu.memref_slice %arg14[%add3A_71, %dma_wait3A_110] : memref<10000x144xf32, #tpu.memory_space<vmem_shared>> -> memref<40x144xf32, #tpu.memory_space<vmem_shared>>
      tpu.wait_dma2 semaphore(%run_scoped3A : memref<!tpu.dma_semaphore, #tpu.memory_space<semaphore_mem>>) src(%dma_wait3A_111 : memref<40x144xf32, #tpu.memory_space<vmem_shared>>) dst(%dma_wait3A_109 : memref<40x144xf32, #tpu.memory_space<vmem>>)
      tpu.yield
    }) : () -> ()
    "tpu.region"() ({
      %run_scoped3A = tpu.sem_alloc : memref<!tpu.dma_semaphore, #tpu.memory_space<semaphore_mem>>
      %dma_start3A = arith.constant 0 : i32
      %dma_start3A_94 = arith.constant 0 : i32
      %dma_start3A_95 = tpu.memref_slice %arg13[%dma_start3A, %dma_start3A_94] : memref<40x144xf32, #tpu.memory_space<vmem>> -> memref<40x144xf32, #tpu.memory_space<vmem>>
      %dma_start3A_96 = arith.constant 0 : i32
      %dma_start3A_97 = tpu.memref_slice %arg7[%arg0, %add3A_71, %dma_start3A_96] : memref<2x10000x144xf32, #tpu.memory_space<hbm>> -> memref<1x40x144xf32, #tpu.memory_space<hbm>>
      %dma_start3A_98 = tpu.memref_squeeze %dma_start3A_97 : memref<1x40x144xf32, #tpu.memory_space<hbm>> -> memref<40x144xf32, #tpu.memory_space<hbm>>
      %dma_start3A_99 = arith.constant 0 : i32
      %dma_start3A_100 = tpu.memref_slice %arg7[%arg0, %add3A_71, %dma_start3A_99] : memref<2x10000x144xf32, #tpu.memory_space<hbm>> -> memref<1x40x144xf32, #tpu.memory_space<hbm>>
      %dma_start3A_101 = tpu.memref_squeeze %dma_start3A_100 : memref<1x40x144xf32, #tpu.memory_space<hbm>> -> memref<40x144xf32, #tpu.memory_space<hbm>>
      %dma_start3A_102 = arith.constant 0 : i32
      %dma_start3A_103 = arith.constant 0 : i32
      %dma_start3A_104 = tpu.memref_slice %arg13[%dma_start3A_102, %dma_start3A_103] : memref<40x144xf32, #tpu.memory_space<vmem>> -> memref<40x144xf32, #tpu.memory_space<vmem>>
      tpu.enqueue_dma source(%dma_start3A_104 : memref<40x144xf32, #tpu.memory_space<vmem>>) target(%dma_start3A_101 : memref<40x144xf32, #tpu.memory_space<hbm>>) target_semaphore(%run_scoped3A : memref<!tpu.dma_semaphore, #tpu.memory_space<semaphore_mem>>)
      %dma_wait3A = arith.constant 0 : i32
      %dma_wait3A_105 = arith.constant 0 : i32
      %dma_wait3A_106 = tpu.memref_slice %arg13[%dma_wait3A, %dma_wait3A_105] : memref<40x144xf32, #tpu.memory_space<vmem>> -> memref<40x144xf32, #tpu.memory_space<vmem>>
      %dma_wait3A_107 = arith.constant 0 : i32
      %dma_wait3A_108 = tpu.memref_slice %arg7[%arg0, %add3A_71, %dma_wait3A_107] : memref<2x10000x144xf32, #tpu.memory_space<hbm>> -> memref<1x40x144xf32, #tpu.memory_space<hbm>>
      %dma_wait3A_109 = tpu.memref_squeeze %dma_wait3A_108 : memref<1x40x144xf32, #tpu.memory_space<hbm>> -> memref<40x144xf32, #tpu.memory_space<hbm>>
      %dma_wait3A_110 = arith.constant 0 : i32
      %dma_wait3A_111 = tpu.memref_slice %arg7[%arg0, %add3A_71, %dma_wait3A_110] : memref<2x10000x144xf32, #tpu.memory_space<hbm>> -> memref<1x40x144xf32, #tpu.memory_space<hbm>>
      %dma_wait3A_112 = tpu.memref_squeeze %dma_wait3A_111 : memref<1x40x144xf32, #tpu.memory_space<hbm>> -> memref<40x144xf32, #tpu.memory_space<hbm>>
      %dma_wait3A_113 = arith.constant 0 : i32
      %dma_wait3A_114 = arith.constant 0 : i32
      %dma_wait3A_115 = tpu.memref_slice %arg13[%dma_wait3A_113, %dma_wait3A_114] : memref<40x144xf32, #tpu.memory_space<vmem>> -> memref<40x144xf32, #tpu.memory_space<vmem>>
      tpu.wait_dma2 semaphore(%run_scoped3A : memref<!tpu.dma_semaphore, #tpu.memory_space<semaphore_mem>>) src(%dma_wait3A_115 : memref<40x144xf32, #tpu.memory_space<vmem>>) dst(%dma_wait3A_112 : memref<40x144xf32, #tpu.memory_space<hbm>>)
      tpu.yield
    }) : () -> ()
    %add3A_72 = arith.constant 200 : i32
    %add3A_73 = arith.addi %mul3A_9, %add3A_72 : i32
    "tpu.region"() ({
      %run_scoped3A = tpu.sem_alloc : memref<!tpu.dma_semaphore, #tpu.memory_space<semaphore_mem>>
      %dma_start3A = arith.constant 0 : i32
      %dma_start3A_94 = arith.constant 0 : i32
      %dma_start3A_95 = tpu.memref_slice %arg13[%dma_start3A, %dma_start3A_94] : memref<40x144xf32, #tpu.memory_space<vmem>> -> memref<40x144xf32, #tpu.memory_space<vmem>>
      %dma_start3A_96 = arith.constant 0 : i32
      %dma_start3A_97 = tpu.memref_slice %arg14[%add3A_73, %dma_start3A_96] : memref<10000x144xf32, #tpu.memory_space<vmem_shared>> -> memref<40x144xf32, #tpu.memory_space<vmem_shared>>
      %dma_start3A_98 = arith.constant 0 : i32
      %dma_start3A_99 = arith.constant 0 : i32
      %dma_start3A_100 = tpu.memref_slice %arg13[%dma_start3A_98, %dma_start3A_99] : memref<40x144xf32, #tpu.memory_space<vmem>> -> memref<40x144xf32, #tpu.memory_space<vmem>>
      %dma_start3A_101 = arith.constant 0 : i32
      %dma_start3A_102 = tpu.memref_slice %arg14[%add3A_73, %dma_start3A_101] : memref<10000x144xf32, #tpu.memory_space<vmem_shared>> -> memref<40x144xf32, #tpu.memory_space<vmem_shared>>
      tpu.enqueue_dma source(%dma_start3A_102 : memref<40x144xf32, #tpu.memory_space<vmem_shared>>) target(%dma_start3A_100 : memref<40x144xf32, #tpu.memory_space<vmem>>) target_semaphore(%run_scoped3A : memref<!tpu.dma_semaphore, #tpu.memory_space<semaphore_mem>>)
      %dma_wait3A = arith.constant 0 : i32
      %dma_wait3A_103 = arith.constant 0 : i32
      %dma_wait3A_104 = tpu.memref_slice %arg13[%dma_wait3A, %dma_wait3A_103] : memref<40x144xf32, #tpu.memory_space<vmem>> -> memref<40x144xf32, #tpu.memory_space<vmem>>
      %dma_wait3A_105 = arith.constant 0 : i32
      %dma_wait3A_106 = tpu.memref_slice %arg14[%add3A_73, %dma_wait3A_105] : memref<10000x144xf32, #tpu.memory_space<vmem_shared>> -> memref<40x144xf32, #tpu.memory_space<vmem_shared>>
      %dma_wait3A_107 = arith.constant 0 : i32
      %dma_wait3A_108 = arith.constant 0 : i32
      %dma_wait3A_109 = tpu.memref_slice %arg13[%dma_wait3A_107, %dma_wait3A_108] : memref<40x144xf32, #tpu.memory_space<vmem>> -> memref<40x144xf32, #tpu.memory_space<vmem>>
      %dma_wait3A_110 = arith.constant 0 : i32
      %dma_wait3A_111 = tpu.memref_slice %arg14[%add3A_73, %dma_wait3A_110] : memref<10000x144xf32, #tpu.memory_space<vmem_shared>> -> memref<40x144xf32, #tpu.memory_space<vmem_shared>>
      tpu.wait_dma2 semaphore(%run_scoped3A : memref<!tpu.dma_semaphore, #tpu.memory_space<semaphore_mem>>) src(%dma_wait3A_111 : memref<40x144xf32, #tpu.memory_space<vmem_shared>>) dst(%dma_wait3A_109 : memref<40x144xf32, #tpu.memory_space<vmem>>)
      tpu.yield
    }) : () -> ()
    "tpu.region"() ({
      %run_scoped3A = tpu.sem_alloc : memref<!tpu.dma_semaphore, #tpu.memory_space<semaphore_mem>>
      %dma_start3A = arith.constant 0 : i32
      %dma_start3A_94 = arith.constant 0 : i32
      %dma_start3A_95 = tpu.memref_slice %arg13[%dma_start3A, %dma_start3A_94] : memref<40x144xf32, #tpu.memory_space<vmem>> -> memref<40x144xf32, #tpu.memory_space<vmem>>
      %dma_start3A_96 = arith.constant 0 : i32
      %dma_start3A_97 = tpu.memref_slice %arg7[%arg0, %add3A_73, %dma_start3A_96] : memref<2x10000x144xf32, #tpu.memory_space<hbm>> -> memref<1x40x144xf32, #tpu.memory_space<hbm>>
      %dma_start3A_98 = tpu.memref_squeeze %dma_start3A_97 : memref<1x40x144xf32, #tpu.memory_space<hbm>> -> memref<40x144xf32, #tpu.memory_space<hbm>>
      %dma_start3A_99 = arith.constant 0 : i32
      %dma_start3A_100 = tpu.memref_slice %arg7[%arg0, %add3A_73, %dma_start3A_99] : memref<2x10000x144xf32, #tpu.memory_space<hbm>> -> memref<1x40x144xf32, #tpu.memory_space<hbm>>
      %dma_start3A_101 = tpu.memref_squeeze %dma_start3A_100 : memref<1x40x144xf32, #tpu.memory_space<hbm>> -> memref<40x144xf32, #tpu.memory_space<hbm>>
      %dma_start3A_102 = arith.constant 0 : i32
      %dma_start3A_103 = arith.constant 0 : i32
      %dma_start3A_104 = tpu.memref_slice %arg13[%dma_start3A_102, %dma_start3A_103] : memref<40x144xf32, #tpu.memory_space<vmem>> -> memref<40x144xf32, #tpu.memory_space<vmem>>
      tpu.enqueue_dma source(%dma_start3A_104 : memref<40x144xf32, #tpu.memory_space<vmem>>) target(%dma_start3A_101 : memref<40x144xf32, #tpu.memory_space<hbm>>) target_semaphore(%run_scoped3A : memref<!tpu.dma_semaphore, #tpu.memory_space<semaphore_mem>>)
      %dma_wait3A = arith.constant 0 : i32
      %dma_wait3A_105 = arith.constant 0 : i32
      %dma_wait3A_106 = tpu.memref_slice %arg13[%dma_wait3A, %dma_wait3A_105] : memref<40x144xf32, #tpu.memory_space<vmem>> -> memref<40x144xf32, #tpu.memory_space<vmem>>
      %dma_wait3A_107 = arith.constant 0 : i32
      %dma_wait3A_108 = tpu.memref_slice %arg7[%arg0, %add3A_73, %dma_wait3A_107] : memref<2x10000x144xf32, #tpu.memory_space<hbm>> -> memref<1x40x144xf32, #tpu.memory_space<hbm>>
      %dma_wait3A_109 = tpu.memref_squeeze %dma_wait3A_108 : memref<1x40x144xf32, #tpu.memory_space<hbm>> -> memref<40x144xf32, #tpu.memory_space<hbm>>
      %dma_wait3A_110 = arith.constant 0 : i32
      %dma_wait3A_111 = tpu.memref_slice %arg7[%arg0, %add3A_73, %dma_wait3A_110] : memref<2x10000x144xf32, #tpu.memory_space<hbm>> -> memref<1x40x144xf32, #tpu.memory_space<hbm>>
      %dma_wait3A_112 = tpu.memref_squeeze %dma_wait3A_111 : memref<1x40x144xf32, #tpu.memory_space<hbm>> -> memref<40x144xf32, #tpu.memory_space<hbm>>
      %dma_wait3A_113 = arith.constant 0 : i32
      %dma_wait3A_114 = arith.constant 0 : i32
      %dma_wait3A_115 = tpu.memref_slice %arg13[%dma_wait3A_113, %dma_wait3A_114] : memref<40x144xf32, #tpu.memory_space<vmem>> -> memref<40x144xf32, #tpu.memory_space<vmem>>
      tpu.wait_dma2 semaphore(%run_scoped3A : memref<!tpu.dma_semaphore, #tpu.memory_space<semaphore_mem>>) src(%dma_wait3A_115 : memref<40x144xf32, #tpu.memory_space<vmem>>) dst(%dma_wait3A_112 : memref<40x144xf32, #tpu.memory_space<hbm>>)
      tpu.yield
    }) : () -> ()
    %add3A_74 = arith.constant 240 : i32
    %add3A_75 = arith.addi %mul3A_9, %add3A_74 : i32
    "tpu.region"() ({
      %run_scoped3A = tpu.sem_alloc : memref<!tpu.dma_semaphore, #tpu.memory_space<semaphore_mem>>
      %dma_start3A = arith.constant 0 : i32
      %dma_start3A_94 = arith.constant 0 : i32
      %dma_start3A_95 = tpu.memref_slice %arg13[%dma_start3A, %dma_start3A_94] : memref<40x144xf32, #tpu.memory_space<vmem>> -> memref<40x144xf32, #tpu.memory_space<vmem>>
      %dma_start3A_96 = arith.constant 0 : i32
      %dma_start3A_97 = tpu.memref_slice %arg14[%add3A_75, %dma_start3A_96] : memref<10000x144xf32, #tpu.memory_space<vmem_shared>> -> memref<40x144xf32, #tpu.memory_space<vmem_shared>>
      %dma_start3A_98 = arith.constant 0 : i32
      %dma_start3A_99 = arith.constant 0 : i32
      %dma_start3A_100 = tpu.memref_slice %arg13[%dma_start3A_98, %dma_start3A_99] : memref<40x144xf32, #tpu.memory_space<vmem>> -> memref<40x144xf32, #tpu.memory_space<vmem>>
      %dma_start3A_101 = arith.constant 0 : i32
      %dma_start3A_102 = tpu.memref_slice %arg14[%add3A_75, %dma_start3A_101] : memref<10000x144xf32, #tpu.memory_space<vmem_shared>> -> memref<40x144xf32, #tpu.memory_space<vmem_shared>>
      tpu.enqueue_dma source(%dma_start3A_102 : memref<40x144xf32, #tpu.memory_space<vmem_shared>>) target(%dma_start3A_100 : memref<40x144xf32, #tpu.memory_space<vmem>>) target_semaphore(%run_scoped3A : memref<!tpu.dma_semaphore, #tpu.memory_space<semaphore_mem>>)
      %dma_wait3A = arith.constant 0 : i32
      %dma_wait3A_103 = arith.constant 0 : i32
      %dma_wait3A_104 = tpu.memref_slice %arg13[%dma_wait3A, %dma_wait3A_103] : memref<40x144xf32, #tpu.memory_space<vmem>> -> memref<40x144xf32, #tpu.memory_space<vmem>>
      %dma_wait3A_105 = arith.constant 0 : i32
      %dma_wait3A_106 = tpu.memref_slice %arg14[%add3A_75, %dma_wait3A_105] : memref<10000x144xf32, #tpu.memory_space<vmem_shared>> -> memref<40x144xf32, #tpu.memory_space<vmem_shared>>
      %dma_wait3A_107 = arith.constant 0 : i32
      %dma_wait3A_108 = arith.constant 0 : i32
      %dma_wait3A_109 = tpu.memref_slice %arg13[%dma_wait3A_107, %dma_wait3A_108] : memref<40x144xf32, #tpu.memory_space<vmem>> -> memref<40x144xf32, #tpu.memory_space<vmem>>
      %dma_wait3A_110 = arith.constant 0 : i32
      %dma_wait3A_111 = tpu.memref_slice %arg14[%add3A_75, %dma_wait3A_110] : memref<10000x144xf32, #tpu.memory_space<vmem_shared>> -> memref<40x144xf32, #tpu.memory_space<vmem_shared>>
      tpu.wait_dma2 semaphore(%run_scoped3A : memref<!tpu.dma_semaphore, #tpu.memory_space<semaphore_mem>>) src(%dma_wait3A_111 : memref<40x144xf32, #tpu.memory_space<vmem_shared>>) dst(%dma_wait3A_109 : memref<40x144xf32, #tpu.memory_space<vmem>>)
      tpu.yield
    }) : () -> ()
    "tpu.region"() ({
      %run_scoped3A = tpu.sem_alloc : memref<!tpu.dma_semaphore, #tpu.memory_space<semaphore_mem>>
      %dma_start3A = arith.constant 0 : i32
      %dma_start3A_94 = arith.constant 0 : i32
      %dma_start3A_95 = tpu.memref_slice %arg13[%dma_start3A, %dma_start3A_94] : memref<40x144xf32, #tpu.memory_space<vmem>> -> memref<40x144xf32, #tpu.memory_space<vmem>>
      %dma_start3A_96 = arith.constant 0 : i32
      %dma_start3A_97 = tpu.memref_slice %arg7[%arg0, %add3A_75, %dma_start3A_96] : memref<2x10000x144xf32, #tpu.memory_space<hbm>> -> memref<1x40x144xf32, #tpu.memory_space<hbm>>
      %dma_start3A_98 = tpu.memref_squeeze %dma_start3A_97 : memref<1x40x144xf32, #tpu.memory_space<hbm>> -> memref<40x144xf32, #tpu.memory_space<hbm>>
      %dma_start3A_99 = arith.constant 0 : i32
      %dma_start3A_100 = tpu.memref_slice %arg7[%arg0, %add3A_75, %dma_start3A_99] : memref<2x10000x144xf32, #tpu.memory_space<hbm>> -> memref<1x40x144xf32, #tpu.memory_space<hbm>>
      %dma_start3A_101 = tpu.memref_squeeze %dma_start3A_100 : memref<1x40x144xf32, #tpu.memory_space<hbm>> -> memref<40x144xf32, #tpu.memory_space<hbm>>
      %dma_start3A_102 = arith.constant 0 : i32
      %dma_start3A_103 = arith.constant 0 : i32
      %dma_start3A_104 = tpu.memref_slice %arg13[%dma_start3A_102, %dma_start3A_103] : memref<40x144xf32, #tpu.memory_space<vmem>> -> memref<40x144xf32, #tpu.memory_space<vmem>>
      tpu.enqueue_dma source(%dma_start3A_104 : memref<40x144xf32, #tpu.memory_space<vmem>>) target(%dma_start3A_101 : memref<40x144xf32, #tpu.memory_space<hbm>>) target_semaphore(%run_scoped3A : memref<!tpu.dma_semaphore, #tpu.memory_space<semaphore_mem>>)
      %dma_wait3A = arith.constant 0 : i32
      %dma_wait3A_105 = arith.constant 0 : i32
      %dma_wait3A_106 = tpu.memref_slice %arg13[%dma_wait3A, %dma_wait3A_105] : memref<40x144xf32, #tpu.memory_space<vmem>> -> memref<40x144xf32, #tpu.memory_space<vmem>>
      %dma_wait3A_107 = arith.constant 0 : i32
      %dma_wait3A_108 = tpu.memref_slice %arg7[%arg0, %add3A_75, %dma_wait3A_107] : memref<2x10000x144xf32, #tpu.memory_space<hbm>> -> memref<1x40x144xf32, #tpu.memory_space<hbm>>
      %dma_wait3A_109 = tpu.memref_squeeze %dma_wait3A_108 : memref<1x40x144xf32, #tpu.memory_space<hbm>> -> memref<40x144xf32, #tpu.memory_space<hbm>>
      %dma_wait3A_110 = arith.constant 0 : i32
      %dma_wait3A_111 = tpu.memref_slice %arg7[%arg0, %add3A_75, %dma_wait3A_110] : memref<2x10000x144xf32, #tpu.memory_space<hbm>> -> memref<1x40x144xf32, #tpu.memory_space<hbm>>
      %dma_wait3A_112 = tpu.memref_squeeze %dma_wait3A_111 : memref<1x40x144xf32, #tpu.memory_space<hbm>> -> memref<40x144xf32, #tpu.memory_space<hbm>>
      %dma_wait3A_113 = arith.constant 0 : i32
      %dma_wait3A_114 = arith.constant 0 : i32
      %dma_wait3A_115 = tpu.memref_slice %arg13[%dma_wait3A_113, %dma_wait3A_114] : memref<40x144xf32, #tpu.memory_space<vmem>> -> memref<40x144xf32, #tpu.memory_space<vmem>>
      tpu.wait_dma2 semaphore(%run_scoped3A : memref<!tpu.dma_semaphore, #tpu.memory_space<semaphore_mem>>) src(%dma_wait3A_115 : memref<40x144xf32, #tpu.memory_space<vmem>>) dst(%dma_wait3A_112 : memref<40x144xf32, #tpu.memory_space<hbm>>)
      tpu.yield
    }) : () -> ()
    %add3A_76 = arith.constant 280 : i32
    %add3A_77 = arith.addi %mul3A_9, %add3A_76 : i32
    "tpu.region"() ({
      %run_scoped3A = tpu.sem_alloc : memref<!tpu.dma_semaphore, #tpu.memory_space<semaphore_mem>>
      %dma_start3A = arith.constant 0 : i32
      %dma_start3A_94 = arith.constant 0 : i32
      %dma_start3A_95 = tpu.memref_slice %arg13[%dma_start3A, %dma_start3A_94] : memref<40x144xf32, #tpu.memory_space<vmem>> -> memref<40x144xf32, #tpu.memory_space<vmem>>
      %dma_start3A_96 = arith.constant 0 : i32
      %dma_start3A_97 = tpu.memref_slice %arg14[%add3A_77, %dma_start3A_96] : memref<10000x144xf32, #tpu.memory_space<vmem_shared>> -> memref<40x144xf32, #tpu.memory_space<vmem_shared>>
      %dma_start3A_98 = arith.constant 0 : i32
      %dma_start3A_99 = arith.constant 0 : i32
      %dma_start3A_100 = tpu.memref_slice %arg13[%dma_start3A_98, %dma_start3A_99] : memref<40x144xf32, #tpu.memory_space<vmem>> -> memref<40x144xf32, #tpu.memory_space<vmem>>
      %dma_start3A_101 = arith.constant 0 : i32
      %dma_start3A_102 = tpu.memref_slice %arg14[%add3A_77, %dma_start3A_101] : memref<10000x144xf32, #tpu.memory_space<vmem_shared>> -> memref<40x144xf32, #tpu.memory_space<vmem_shared>>
      tpu.enqueue_dma source(%dma_start3A_102 : memref<40x144xf32, #tpu.memory_space<vmem_shared>>) target(%dma_start3A_100 : memref<40x144xf32, #tpu.memory_space<vmem>>) target_semaphore(%run_scoped3A : memref<!tpu.dma_semaphore, #tpu.memory_space<semaphore_mem>>)
      %dma_wait3A = arith.constant 0 : i32
      %dma_wait3A_103 = arith.constant 0 : i32
      %dma_wait3A_104 = tpu.memref_slice %arg13[%dma_wait3A, %dma_wait3A_103] : memref<40x144xf32, #tpu.memory_space<vmem>> -> memref<40x144xf32, #tpu.memory_space<vmem>>
      %dma_wait3A_105 = arith.constant 0 : i32
      %dma_wait3A_106 = tpu.memref_slice %arg14[%add3A_77, %dma_wait3A_105] : memref<10000x144xf32, #tpu.memory_space<vmem_shared>> -> memref<40x144xf32, #tpu.memory_space<vmem_shared>>
      %dma_wait3A_107 = arith.constant 0 : i32
      %dma_wait3A_108 = arith.constant 0 : i32
      %dma_wait3A_109 = tpu.memref_slice %arg13[%dma_wait3A_107, %dma_wait3A_108] : memref<40x144xf32, #tpu.memory_space<vmem>> -> memref<40x144xf32, #tpu.memory_space<vmem>>
      %dma_wait3A_110 = arith.constant 0 : i32
      %dma_wait3A_111 = tpu.memref_slice %arg14[%add3A_77, %dma_wait3A_110] : memref<10000x144xf32, #tpu.memory_space<vmem_shared>> -> memref<40x144xf32, #tpu.memory_space<vmem_shared>>
      tpu.wait_dma2 semaphore(%run_scoped3A : memref<!tpu.dma_semaphore, #tpu.memory_space<semaphore_mem>>) src(%dma_wait3A_111 : memref<40x144xf32, #tpu.memory_space<vmem_shared>>) dst(%dma_wait3A_109 : memref<40x144xf32, #tpu.memory_space<vmem>>)
      tpu.yield
    }) : () -> ()
    "tpu.region"() ({
      %run_scoped3A = tpu.sem_alloc : memref<!tpu.dma_semaphore, #tpu.memory_space<semaphore_mem>>
      %dma_start3A = arith.constant 0 : i32
      %dma_start3A_94 = arith.constant 0 : i32
      %dma_start3A_95 = tpu.memref_slice %arg13[%dma_start3A, %dma_start3A_94] : memref<40x144xf32, #tpu.memory_space<vmem>> -> memref<40x144xf32, #tpu.memory_space<vmem>>
      %dma_start3A_96 = arith.constant 0 : i32
      %dma_start3A_97 = tpu.memref_slice %arg7[%arg0, %add3A_77, %dma_start3A_96] : memref<2x10000x144xf32, #tpu.memory_space<hbm>> -> memref<1x40x144xf32, #tpu.memory_space<hbm>>
      %dma_start3A_98 = tpu.memref_squeeze %dma_start3A_97 : memref<1x40x144xf32, #tpu.memory_space<hbm>> -> memref<40x144xf32, #tpu.memory_space<hbm>>
      %dma_start3A_99 = arith.constant 0 : i32
      %dma_start3A_100 = tpu.memref_slice %arg7[%arg0, %add3A_77, %dma_start3A_99] : memref<2x10000x144xf32, #tpu.memory_space<hbm>> -> memref<1x40x144xf32, #tpu.memory_space<hbm>>
      %dma_start3A_101 = tpu.memref_squeeze %dma_start3A_100 : memref<1x40x144xf32, #tpu.memory_space<hbm>> -> memref<40x144xf32, #tpu.memory_space<hbm>>
      %dma_start3A_102 = arith.constant 0 : i32
      %dma_start3A_103 = arith.constant 0 : i32
      %dma_start3A_104 = tpu.memref_slice %arg13[%dma_start3A_102, %dma_start3A_103] : memref<40x144xf32, #tpu.memory_space<vmem>> -> memref<40x144xf32, #tpu.memory_space<vmem>>
      tpu.enqueue_dma source(%dma_start3A_104 : memref<40x144xf32, #tpu.memory_space<vmem>>) target(%dma_start3A_101 : memref<40x144xf32, #tpu.memory_space<hbm>>) target_semaphore(%run_scoped3A : memref<!tpu.dma_semaphore, #tpu.memory_space<semaphore_mem>>)
      %dma_wait3A = arith.constant 0 : i32
      %dma_wait3A_105 = arith.constant 0 : i32
      %dma_wait3A_106 = tpu.memref_slice %arg13[%dma_wait3A, %dma_wait3A_105] : memref<40x144xf32, #tpu.memory_space<vmem>> -> memref<40x144xf32, #tpu.memory_space<vmem>>
      %dma_wait3A_107 = arith.constant 0 : i32
      %dma_wait3A_108 = tpu.memref_slice %arg7[%arg0, %add3A_77, %dma_wait3A_107] : memref<2x10000x144xf32, #tpu.memory_space<hbm>> -> memref<1x40x144xf32, #tpu.memory_space<hbm>>
      %dma_wait3A_109 = tpu.memref_squeeze %dma_wait3A_108 : memref<1x40x144xf32, #tpu.memory_space<hbm>> -> memref<40x144xf32, #tpu.memory_space<hbm>>
      %dma_wait3A_110 = arith.constant 0 : i32
      %dma_wait3A_111 = tpu.memref_slice %arg7[%arg0, %add3A_77, %dma_wait3A_110] : memref<2x10000x144xf32, #tpu.memory_space<hbm>> -> memref<1x40x144xf32, #tpu.memory_space<hbm>>
      %dma_wait3A_112 = tpu.memref_squeeze %dma_wait3A_111 : memref<1x40x144xf32, #tpu.memory_space<hbm>> -> memref<40x144xf32, #tpu.memory_space<hbm>>
      %dma_wait3A_113 = arith.constant 0 : i32
      %dma_wait3A_114 = arith.constant 0 : i32
      %dma_wait3A_115 = tpu.memref_slice %arg13[%dma_wait3A_113, %dma_wait3A_114] : memref<40x144xf32, #tpu.memory_space<vmem>> -> memref<40x144xf32, #tpu.memory_space<vmem>>
      tpu.wait_dma2 semaphore(%run_scoped3A : memref<!tpu.dma_semaphore, #tpu.memory_space<semaphore_mem>>) src(%dma_wait3A_115 : memref<40x144xf32, #tpu.memory_space<vmem>>) dst(%dma_wait3A_112 : memref<40x144xf32, #tpu.memory_space<hbm>>)
      tpu.yield
    }) : () -> ()
    %add3A_78 = arith.constant 320 : i32
    %add3A_79 = arith.addi %mul3A_9, %add3A_78 : i32
    "tpu.region"() ({
      %run_scoped3A = tpu.sem_alloc : memref<!tpu.dma_semaphore, #tpu.memory_space<semaphore_mem>>
      %dma_start3A = arith.constant 0 : i32
      %dma_start3A_94 = arith.constant 0 : i32
      %dma_start3A_95 = tpu.memref_slice %arg13[%dma_start3A, %dma_start3A_94] : memref<40x144xf32, #tpu.memory_space<vmem>> -> memref<40x144xf32, #tpu.memory_space<vmem>>
      %dma_start3A_96 = arith.constant 0 : i32
      %dma_start3A_97 = tpu.memref_slice %arg14[%add3A_79, %dma_start3A_96] : memref<10000x144xf32, #tpu.memory_space<vmem_shared>> -> memref<40x144xf32, #tpu.memory_space<vmem_shared>>
      %dma_start3A_98 = arith.constant 0 : i32
      %dma_start3A_99 = arith.constant 0 : i32
      %dma_start3A_100 = tpu.memref_slice %arg13[%dma_start3A_98, %dma_start3A_99] : memref<40x144xf32, #tpu.memory_space<vmem>> -> memref<40x144xf32, #tpu.memory_space<vmem>>
      %dma_start3A_101 = arith.constant 0 : i32
      %dma_start3A_102 = tpu.memref_slice %arg14[%add3A_79, %dma_start3A_101] : memref<10000x144xf32, #tpu.memory_space<vmem_shared>> -> memref<40x144xf32, #tpu.memory_space<vmem_shared>>
      tpu.enqueue_dma source(%dma_start3A_102 : memref<40x144xf32, #tpu.memory_space<vmem_shared>>) target(%dma_start3A_100 : memref<40x144xf32, #tpu.memory_space<vmem>>) target_semaphore(%run_scoped3A : memref<!tpu.dma_semaphore, #tpu.memory_space<semaphore_mem>>)
      %dma_wait3A = arith.constant 0 : i32
      %dma_wait3A_103 = arith.constant 0 : i32
      %dma_wait3A_104 = tpu.memref_slice %arg13[%dma_wait3A, %dma_wait3A_103] : memref<40x144xf32, #tpu.memory_space<vmem>> -> memref<40x144xf32, #tpu.memory_space<vmem>>
      %dma_wait3A_105 = arith.constant 0 : i32
      %dma_wait3A_106 = tpu.memref_slice %arg14[%add3A_79, %dma_wait3A_105] : memref<10000x144xf32, #tpu.memory_space<vmem_shared>> -> memref<40x144xf32, #tpu.memory_space<vmem_shared>>
      %dma_wait3A_107 = arith.constant 0 : i32
      %dma_wait3A_108 = arith.constant 0 : i32
      %dma_wait3A_109 = tpu.memref_slice %arg13[%dma_wait3A_107, %dma_wait3A_108] : memref<40x144xf32, #tpu.memory_space<vmem>> -> memref<40x144xf32, #tpu.memory_space<vmem>>
      %dma_wait3A_110 = arith.constant 0 : i32
      %dma_wait3A_111 = tpu.memref_slice %arg14[%add3A_79, %dma_wait3A_110] : memref<10000x144xf32, #tpu.memory_space<vmem_shared>> -> memref<40x144xf32, #tpu.memory_space<vmem_shared>>
      tpu.wait_dma2 semaphore(%run_scoped3A : memref<!tpu.dma_semaphore, #tpu.memory_space<semaphore_mem>>) src(%dma_wait3A_111 : memref<40x144xf32, #tpu.memory_space<vmem_shared>>) dst(%dma_wait3A_109 : memref<40x144xf32, #tpu.memory_space<vmem>>)
      tpu.yield
    }) : () -> ()
    "tpu.region"() ({
      %run_scoped3A = tpu.sem_alloc : memref<!tpu.dma_semaphore, #tpu.memory_space<semaphore_mem>>
      %dma_start3A = arith.constant 0 : i32
      %dma_start3A_94 = arith.constant 0 : i32
      %dma_start3A_95 = tpu.memref_slice %arg13[%dma_start3A, %dma_start3A_94] : memref<40x144xf32, #tpu.memory_space<vmem>> -> memref<40x144xf32, #tpu.memory_space<vmem>>
      %dma_start3A_96 = arith.constant 0 : i32
      %dma_start3A_97 = tpu.memref_slice %arg7[%arg0, %add3A_79, %dma_start3A_96] : memref<2x10000x144xf32, #tpu.memory_space<hbm>> -> memref<1x40x144xf32, #tpu.memory_space<hbm>>
      %dma_start3A_98 = tpu.memref_squeeze %dma_start3A_97 : memref<1x40x144xf32, #tpu.memory_space<hbm>> -> memref<40x144xf32, #tpu.memory_space<hbm>>
      %dma_start3A_99 = arith.constant 0 : i32
      %dma_start3A_100 = tpu.memref_slice %arg7[%arg0, %add3A_79, %dma_start3A_99] : memref<2x10000x144xf32, #tpu.memory_space<hbm>> -> memref<1x40x144xf32, #tpu.memory_space<hbm>>
      %dma_start3A_101 = tpu.memref_squeeze %dma_start3A_100 : memref<1x40x144xf32, #tpu.memory_space<hbm>> -> memref<40x144xf32, #tpu.memory_space<hbm>>
      %dma_start3A_102 = arith.constant 0 : i32
      %dma_start3A_103 = arith.constant 0 : i32
      %dma_start3A_104 = tpu.memref_slice %arg13[%dma_start3A_102, %dma_start3A_103] : memref<40x144xf32, #tpu.memory_space<vmem>> -> memref<40x144xf32, #tpu.memory_space<vmem>>
      tpu.enqueue_dma source(%dma_start3A_104 : memref<40x144xf32, #tpu.memory_space<vmem>>) target(%dma_start3A_101 : memref<40x144xf32, #tpu.memory_space<hbm>>) target_semaphore(%run_scoped3A : memref<!tpu.dma_semaphore, #tpu.memory_space<semaphore_mem>>)
      %dma_wait3A = arith.constant 0 : i32
      %dma_wait3A_105 = arith.constant 0 : i32
      %dma_wait3A_106 = tpu.memref_slice %arg13[%dma_wait3A, %dma_wait3A_105] : memref<40x144xf32, #tpu.memory_space<vmem>> -> memref<40x144xf32, #tpu.memory_space<vmem>>
      %dma_wait3A_107 = arith.constant 0 : i32
      %dma_wait3A_108 = tpu.memref_slice %arg7[%arg0, %add3A_79, %dma_wait3A_107] : memref<2x10000x144xf32, #tpu.memory_space<hbm>> -> memref<1x40x144xf32, #tpu.memory_space<hbm>>
      %dma_wait3A_109 = tpu.memref_squeeze %dma_wait3A_108 : memref<1x40x144xf32, #tpu.memory_space<hbm>> -> memref<40x144xf32, #tpu.memory_space<hbm>>
      %dma_wait3A_110 = arith.constant 0 : i32
      %dma_wait3A_111 = tpu.memref_slice %arg7[%arg0, %add3A_79, %dma_wait3A_110] : memref<2x10000x144xf32, #tpu.memory_space<hbm>> -> memref<1x40x144xf32, #tpu.memory_space<hbm>>
      %dma_wait3A_112 = tpu.memref_squeeze %dma_wait3A_111 : memref<1x40x144xf32, #tpu.memory_space<hbm>> -> memref<40x144xf32, #tpu.memory_space<hbm>>
      %dma_wait3A_113 = arith.constant 0 : i32
      %dma_wait3A_114 = arith.constant 0 : i32
      %dma_wait3A_115 = tpu.memref_slice %arg13[%dma_wait3A_113, %dma_wait3A_114] : memref<40x144xf32, #tpu.memory_space<vmem>> -> memref<40x144xf32, #tpu.memory_space<vmem>>
      tpu.wait_dma2 semaphore(%run_scoped3A : memref<!tpu.dma_semaphore, #tpu.memory_space<semaphore_mem>>) src(%dma_wait3A_115 : memref<40x144xf32, #tpu.memory_space<vmem>>) dst(%dma_wait3A_112 : memref<40x144xf32, #tpu.memory_space<hbm>>)
      tpu.yield
    }) : () -> ()
    %add3A_80 = arith.constant 360 : i32
    %add3A_81 = arith.addi %mul3A_9, %add3A_80 : i32
    "tpu.region"() ({
      %run_scoped3A = tpu.sem_alloc : memref<!tpu.dma_semaphore, #tpu.memory_space<semaphore_mem>>
      %dma_start3A = arith.constant 0 : i32
      %dma_start3A_94 = arith.constant 0 : i32
      %dma_start3A_95 = tpu.memref_slice %arg13[%dma_start3A, %dma_start3A_94] : memref<40x144xf32, #tpu.memory_space<vmem>> -> memref<40x144xf32, #tpu.memory_space<vmem>>
      %dma_start3A_96 = arith.constant 0 : i32
      %dma_start3A_97 = tpu.memref_slice %arg14[%add3A_81, %dma_start3A_96] : memref<10000x144xf32, #tpu.memory_space<vmem_shared>> -> memref<40x144xf32, #tpu.memory_space<vmem_shared>>
      %dma_start3A_98 = arith.constant 0 : i32
      %dma_start3A_99 = arith.constant 0 : i32
      %dma_start3A_100 = tpu.memref_slice %arg13[%dma_start3A_98, %dma_start3A_99] : memref<40x144xf32, #tpu.memory_space<vmem>> -> memref<40x144xf32, #tpu.memory_space<vmem>>
      %dma_start3A_101 = arith.constant 0 : i32
      %dma_start3A_102 = tpu.memref_slice %arg14[%add3A_81, %dma_start3A_101] : memref<10000x144xf32, #tpu.memory_space<vmem_shared>> -> memref<40x144xf32, #tpu.memory_space<vmem_shared>>
      tpu.enqueue_dma source(%dma_start3A_102 : memref<40x144xf32, #tpu.memory_space<vmem_shared>>) target(%dma_start3A_100 : memref<40x144xf32, #tpu.memory_space<vmem>>) target_semaphore(%run_scoped3A : memref<!tpu.dma_semaphore, #tpu.memory_space<semaphore_mem>>)
      %dma_wait3A = arith.constant 0 : i32
      %dma_wait3A_103 = arith.constant 0 : i32
      %dma_wait3A_104 = tpu.memref_slice %arg13[%dma_wait3A, %dma_wait3A_103] : memref<40x144xf32, #tpu.memory_space<vmem>> -> memref<40x144xf32, #tpu.memory_space<vmem>>
      %dma_wait3A_105 = arith.constant 0 : i32
      %dma_wait3A_106 = tpu.memref_slice %arg14[%add3A_81, %dma_wait3A_105] : memref<10000x144xf32, #tpu.memory_space<vmem_shared>> -> memref<40x144xf32, #tpu.memory_space<vmem_shared>>
      %dma_wait3A_107 = arith.constant 0 : i32
      %dma_wait3A_108 = arith.constant 0 : i32
      %dma_wait3A_109 = tpu.memref_slice %arg13[%dma_wait3A_107, %dma_wait3A_108] : memref<40x144xf32, #tpu.memory_space<vmem>> -> memref<40x144xf32, #tpu.memory_space<vmem>>
      %dma_wait3A_110 = arith.constant 0 : i32
      %dma_wait3A_111 = tpu.memref_slice %arg14[%add3A_81, %dma_wait3A_110] : memref<10000x144xf32, #tpu.memory_space<vmem_shared>> -> memref<40x144xf32, #tpu.memory_space<vmem_shared>>
      tpu.wait_dma2 semaphore(%run_scoped3A : memref<!tpu.dma_semaphore, #tpu.memory_space<semaphore_mem>>) src(%dma_wait3A_111 : memref<40x144xf32, #tpu.memory_space<vmem_shared>>) dst(%dma_wait3A_109 : memref<40x144xf32, #tpu.memory_space<vmem>>)
      tpu.yield
    }) : () -> ()
    "tpu.region"() ({
      %run_scoped3A = tpu.sem_alloc : memref<!tpu.dma_semaphore, #tpu.memory_space<semaphore_mem>>
      %dma_start3A = arith.constant 0 : i32
      %dma_start3A_94 = arith.constant 0 : i32
      %dma_start3A_95 = tpu.memref_slice %arg13[%dma_start3A, %dma_start3A_94] : memref<40x144xf32, #tpu.memory_space<vmem>> -> memref<40x144xf32, #tpu.memory_space<vmem>>
      %dma_start3A_96 = arith.constant 0 : i32
      %dma_start3A_97 = tpu.memref_slice %arg7[%arg0, %add3A_81, %dma_start3A_96] : memref<2x10000x144xf32, #tpu.memory_space<hbm>> -> memref<1x40x144xf32, #tpu.memory_space<hbm>>
      %dma_start3A_98 = tpu.memref_squeeze %dma_start3A_97 : memref<1x40x144xf32, #tpu.memory_space<hbm>> -> memref<40x144xf32, #tpu.memory_space<hbm>>
      %dma_start3A_99 = arith.constant 0 : i32
      %dma_start3A_100 = tpu.memref_slice %arg7[%arg0, %add3A_81, %dma_start3A_99] : memref<2x10000x144xf32, #tpu.memory_space<hbm>> -> memref<1x40x144xf32, #tpu.memory_space<hbm>>
      %dma_start3A_101 = tpu.memref_squeeze %dma_start3A_100 : memref<1x40x144xf32, #tpu.memory_space<hbm>> -> memref<40x144xf32, #tpu.memory_space<hbm>>
      %dma_start3A_102 = arith.constant 0 : i32
      %dma_start3A_103 = arith.constant 0 : i32
      %dma_start3A_104 = tpu.memref_slice %arg13[%dma_start3A_102, %dma_start3A_103] : memref<40x144xf32, #tpu.memory_space<vmem>> -> memref<40x144xf32, #tpu.memory_space<vmem>>
      tpu.enqueue_dma source(%dma_start3A_104 : memref<40x144xf32, #tpu.memory_space<vmem>>) target(%dma_start3A_101 : memref<40x144xf32, #tpu.memory_space<hbm>>) target_semaphore(%run_scoped3A : memref<!tpu.dma_semaphore, #tpu.memory_space<semaphore_mem>>)
      %dma_wait3A = arith.constant 0 : i32
      %dma_wait3A_105 = arith.constant 0 : i32
      %dma_wait3A_106 = tpu.memref_slice %arg13[%dma_wait3A, %dma_wait3A_105] : memref<40x144xf32, #tpu.memory_space<vmem>> -> memref<40x144xf32, #tpu.memory_space<vmem>>
      %dma_wait3A_107 = arith.constant 0 : i32
      %dma_wait3A_108 = tpu.memref_slice %arg7[%arg0, %add3A_81, %dma_wait3A_107] : memref<2x10000x144xf32, #tpu.memory_space<hbm>> -> memref<1x40x144xf32, #tpu.memory_space<hbm>>
      %dma_wait3A_109 = tpu.memref_squeeze %dma_wait3A_108 : memref<1x40x144xf32, #tpu.memory_space<hbm>> -> memref<40x144xf32, #tpu.memory_space<hbm>>
      %dma_wait3A_110 = arith.constant 0 : i32
      %dma_wait3A_111 = tpu.memref_slice %arg7[%arg0, %add3A_81, %dma_wait3A_110] : memref<2x10000x144xf32, #tpu.memory_space<hbm>> -> memref<1x40x144xf32, #tpu.memory_space<hbm>>
      %dma_wait3A_112 = tpu.memref_squeeze %dma_wait3A_111 : memref<1x40x144xf32, #tpu.memory_space<hbm>> -> memref<40x144xf32, #tpu.memory_space<hbm>>
      %dma_wait3A_113 = arith.constant 0 : i32
      %dma_wait3A_114 = arith.constant 0 : i32
      %dma_wait3A_115 = tpu.memref_slice %arg13[%dma_wait3A_113, %dma_wait3A_114] : memref<40x144xf32, #tpu.memory_space<vmem>> -> memref<40x144xf32, #tpu.memory_space<vmem>>
      tpu.wait_dma2 semaphore(%run_scoped3A : memref<!tpu.dma_semaphore, #tpu.memory_space<semaphore_mem>>) src(%dma_wait3A_115 : memref<40x144xf32, #tpu.memory_space<vmem>>) dst(%dma_wait3A_112 : memref<40x144xf32, #tpu.memory_space<hbm>>)
      tpu.yield
    }) : () -> ()
    %add3A_82 = arith.constant 400 : i32
    %add3A_83 = arith.addi %mul3A_9, %add3A_82 : i32
    "tpu.region"() ({
      %run_scoped3A = tpu.sem_alloc : memref<!tpu.dma_semaphore, #tpu.memory_space<semaphore_mem>>
      %dma_start3A = arith.constant 0 : i32
      %dma_start3A_94 = arith.constant 0 : i32
      %dma_start3A_95 = tpu.memref_slice %arg13[%dma_start3A, %dma_start3A_94] : memref<40x144xf32, #tpu.memory_space<vmem>> -> memref<40x144xf32, #tpu.memory_space<vmem>>
      %dma_start3A_96 = arith.constant 0 : i32
      %dma_start3A_97 = tpu.memref_slice %arg14[%add3A_83, %dma_start3A_96] : memref<10000x144xf32, #tpu.memory_space<vmem_shared>> -> memref<40x144xf32, #tpu.memory_space<vmem_shared>>
      %dma_start3A_98 = arith.constant 0 : i32
      %dma_start3A_99 = arith.constant 0 : i32
      %dma_start3A_100 = tpu.memref_slice %arg13[%dma_start3A_98, %dma_start3A_99] : memref<40x144xf32, #tpu.memory_space<vmem>> -> memref<40x144xf32, #tpu.memory_space<vmem>>
      %dma_start3A_101 = arith.constant 0 : i32
      %dma_start3A_102 = tpu.memref_slice %arg14[%add3A_83, %dma_start3A_101] : memref<10000x144xf32, #tpu.memory_space<vmem_shared>> -> memref<40x144xf32, #tpu.memory_space<vmem_shared>>
      tpu.enqueue_dma source(%dma_start3A_102 : memref<40x144xf32, #tpu.memory_space<vmem_shared>>) target(%dma_start3A_100 : memref<40x144xf32, #tpu.memory_space<vmem>>) target_semaphore(%run_scoped3A : memref<!tpu.dma_semaphore, #tpu.memory_space<semaphore_mem>>)
      %dma_wait3A = arith.constant 0 : i32
      %dma_wait3A_103 = arith.constant 0 : i32
      %dma_wait3A_104 = tpu.memref_slice %arg13[%dma_wait3A, %dma_wait3A_103] : memref<40x144xf32, #tpu.memory_space<vmem>> -> memref<40x144xf32, #tpu.memory_space<vmem>>
      %dma_wait3A_105 = arith.constant 0 : i32
      %dma_wait3A_106 = tpu.memref_slice %arg14[%add3A_83, %dma_wait3A_105] : memref<10000x144xf32, #tpu.memory_space<vmem_shared>> -> memref<40x144xf32, #tpu.memory_space<vmem_shared>>
      %dma_wait3A_107 = arith.constant 0 : i32
      %dma_wait3A_108 = arith.constant 0 : i32
      %dma_wait3A_109 = tpu.memref_slice %arg13[%dma_wait3A_107, %dma_wait3A_108] : memref<40x144xf32, #tpu.memory_space<vmem>> -> memref<40x144xf32, #tpu.memory_space<vmem>>
      %dma_wait3A_110 = arith.constant 0 : i32
      %dma_wait3A_111 = tpu.memref_slice %arg14[%add3A_83, %dma_wait3A_110] : memref<10000x144xf32, #tpu.memory_space<vmem_shared>> -> memref<40x144xf32, #tpu.memory_space<vmem_shared>>
      tpu.wait_dma2 semaphore(%run_scoped3A : memref<!tpu.dma_semaphore, #tpu.memory_space<semaphore_mem>>) src(%dma_wait3A_111 : memref<40x144xf32, #tpu.memory_space<vmem_shared>>) dst(%dma_wait3A_109 : memref<40x144xf32, #tpu.memory_space<vmem>>)
      tpu.yield
    }) : () -> ()
    "tpu.region"() ({
      %run_scoped3A = tpu.sem_alloc : memref<!tpu.dma_semaphore, #tpu.memory_space<semaphore_mem>>
      %dma_start3A = arith.constant 0 : i32
      %dma_start3A_94 = arith.constant 0 : i32
      %dma_start3A_95 = tpu.memref_slice %arg13[%dma_start3A, %dma_start3A_94] : memref<40x144xf32, #tpu.memory_space<vmem>> -> memref<40x144xf32, #tpu.memory_space<vmem>>
      %dma_start3A_96 = arith.constant 0 : i32
      %dma_start3A_97 = tpu.memref_slice %arg7[%arg0, %add3A_83, %dma_start3A_96] : memref<2x10000x144xf32, #tpu.memory_space<hbm>> -> memref<1x40x144xf32, #tpu.memory_space<hbm>>
      %dma_start3A_98 = tpu.memref_squeeze %dma_start3A_97 : memref<1x40x144xf32, #tpu.memory_space<hbm>> -> memref<40x144xf32, #tpu.memory_space<hbm>>
      %dma_start3A_99 = arith.constant 0 : i32
      %dma_start3A_100 = tpu.memref_slice %arg7[%arg0, %add3A_83, %dma_start3A_99] : memref<2x10000x144xf32, #tpu.memory_space<hbm>> -> memref<1x40x144xf32, #tpu.memory_space<hbm>>
      %dma_start3A_101 = tpu.memref_squeeze %dma_start3A_100 : memref<1x40x144xf32, #tpu.memory_space<hbm>> -> memref<40x144xf32, #tpu.memory_space<hbm>>
      %dma_start3A_102 = arith.constant 0 : i32
      %dma_start3A_103 = arith.constant 0 : i32
      %dma_start3A_104 = tpu.memref_slice %arg13[%dma_start3A_102, %dma_start3A_103] : memref<40x144xf32, #tpu.memory_space<vmem>> -> memref<40x144xf32, #tpu.memory_space<vmem>>
      tpu.enqueue_dma source(%dma_start3A_104 : memref<40x144xf32, #tpu.memory_space<vmem>>) target(%dma_start3A_101 : memref<40x144xf32, #tpu.memory_space<hbm>>) target_semaphore(%run_scoped3A : memref<!tpu.dma_semaphore, #tpu.memory_space<semaphore_mem>>)
      %dma_wait3A = arith.constant 0 : i32
      %dma_wait3A_105 = arith.constant 0 : i32
      %dma_wait3A_106 = tpu.memref_slice %arg13[%dma_wait3A, %dma_wait3A_105] : memref<40x144xf32, #tpu.memory_space<vmem>> -> memref<40x144xf32, #tpu.memory_space<vmem>>
      %dma_wait3A_107 = arith.constant 0 : i32
      %dma_wait3A_108 = tpu.memref_slice %arg7[%arg0, %add3A_83, %dma_wait3A_107] : memref<2x10000x144xf32, #tpu.memory_space<hbm>> -> memref<1x40x144xf32, #tpu.memory_space<hbm>>
      %dma_wait3A_109 = tpu.memref_squeeze %dma_wait3A_108 : memref<1x40x144xf32, #tpu.memory_space<hbm>> -> memref<40x144xf32, #tpu.memory_space<hbm>>
      %dma_wait3A_110 = arith.constant 0 : i32
      %dma_wait3A_111 = tpu.memref_slice %arg7[%arg0, %add3A_83, %dma_wait3A_110] : memref<2x10000x144xf32, #tpu.memory_space<hbm>> -> memref<1x40x144xf32, #tpu.memory_space<hbm>>
      %dma_wait3A_112 = tpu.memref_squeeze %dma_wait3A_111 : memref<1x40x144xf32, #tpu.memory_space<hbm>> -> memref<40x144xf32, #tpu.memory_space<hbm>>
      %dma_wait3A_113 = arith.constant 0 : i32
      %dma_wait3A_114 = arith.constant 0 : i32
      %dma_wait3A_115 = tpu.memref_slice %arg13[%dma_wait3A_113, %dma_wait3A_114] : memref<40x144xf32, #tpu.memory_space<vmem>> -> memref<40x144xf32, #tpu.memory_space<vmem>>
      tpu.wait_dma2 semaphore(%run_scoped3A : memref<!tpu.dma_semaphore, #tpu.memory_space<semaphore_mem>>) src(%dma_wait3A_115 : memref<40x144xf32, #tpu.memory_space<vmem>>) dst(%dma_wait3A_112 : memref<40x144xf32, #tpu.memory_space<hbm>>)
      tpu.yield
    }) : () -> ()
    %add3A_84 = arith.constant 440 : i32
    %add3A_85 = arith.addi %mul3A_9, %add3A_84 : i32
    "tpu.region"() ({
      %run_scoped3A = tpu.sem_alloc : memref<!tpu.dma_semaphore, #tpu.memory_space<semaphore_mem>>
      %dma_start3A = arith.constant 0 : i32
      %dma_start3A_94 = arith.constant 0 : i32
      %dma_start3A_95 = tpu.memref_slice %arg13[%dma_start3A, %dma_start3A_94] : memref<40x144xf32, #tpu.memory_space<vmem>> -> memref<40x144xf32, #tpu.memory_space<vmem>>
      %dma_start3A_96 = arith.constant 0 : i32
      %dma_start3A_97 = tpu.memref_slice %arg14[%add3A_85, %dma_start3A_96] : memref<10000x144xf32, #tpu.memory_space<vmem_shared>> -> memref<40x144xf32, #tpu.memory_space<vmem_shared>>
      %dma_start3A_98 = arith.constant 0 : i32
      %dma_start3A_99 = arith.constant 0 : i32
      %dma_start3A_100 = tpu.memref_slice %arg13[%dma_start3A_98, %dma_start3A_99] : memref<40x144xf32, #tpu.memory_space<vmem>> -> memref<40x144xf32, #tpu.memory_space<vmem>>
      %dma_start3A_101 = arith.constant 0 : i32
      %dma_start3A_102 = tpu.memref_slice %arg14[%add3A_85, %dma_start3A_101] : memref<10000x144xf32, #tpu.memory_space<vmem_shared>> -> memref<40x144xf32, #tpu.memory_space<vmem_shared>>
      tpu.enqueue_dma source(%dma_start3A_102 : memref<40x144xf32, #tpu.memory_space<vmem_shared>>) target(%dma_start3A_100 : memref<40x144xf32, #tpu.memory_space<vmem>>) target_semaphore(%run_scoped3A : memref<!tpu.dma_semaphore, #tpu.memory_space<semaphore_mem>>)
      %dma_wait3A = arith.constant 0 : i32
      %dma_wait3A_103 = arith.constant 0 : i32
      %dma_wait3A_104 = tpu.memref_slice %arg13[%dma_wait3A, %dma_wait3A_103] : memref<40x144xf32, #tpu.memory_space<vmem>> -> memref<40x144xf32, #tpu.memory_space<vmem>>
      %dma_wait3A_105 = arith.constant 0 : i32
      %dma_wait3A_106 = tpu.memref_slice %arg14[%add3A_85, %dma_wait3A_105] : memref<10000x144xf32, #tpu.memory_space<vmem_shared>> -> memref<40x144xf32, #tpu.memory_space<vmem_shared>>
      %dma_wait3A_107 = arith.constant 0 : i32
      %dma_wait3A_108 = arith.constant 0 : i32
      %dma_wait3A_109 = tpu.memref_slice %arg13[%dma_wait3A_107, %dma_wait3A_108] : memref<40x144xf32, #tpu.memory_space<vmem>> -> memref<40x144xf32, #tpu.memory_space<vmem>>
      %dma_wait3A_110 = arith.constant 0 : i32
      %dma_wait3A_111 = tpu.memref_slice %arg14[%add3A_85, %dma_wait3A_110] : memref<10000x144xf32, #tpu.memory_space<vmem_shared>> -> memref<40x144xf32, #tpu.memory_space<vmem_shared>>
      tpu.wait_dma2 semaphore(%run_scoped3A : memref<!tpu.dma_semaphore, #tpu.memory_space<semaphore_mem>>) src(%dma_wait3A_111 : memref<40x144xf32, #tpu.memory_space<vmem_shared>>) dst(%dma_wait3A_109 : memref<40x144xf32, #tpu.memory_space<vmem>>)
      tpu.yield
    }) : () -> ()
    "tpu.region"() ({
      %run_scoped3A = tpu.sem_alloc : memref<!tpu.dma_semaphore, #tpu.memory_space<semaphore_mem>>
      %dma_start3A = arith.constant 0 : i32
      %dma_start3A_94 = arith.constant 0 : i32
      %dma_start3A_95 = tpu.memref_slice %arg13[%dma_start3A, %dma_start3A_94] : memref<40x144xf32, #tpu.memory_space<vmem>> -> memref<40x144xf32, #tpu.memory_space<vmem>>
      %dma_start3A_96 = arith.constant 0 : i32
      %dma_start3A_97 = tpu.memref_slice %arg7[%arg0, %add3A_85, %dma_start3A_96] : memref<2x10000x144xf32, #tpu.memory_space<hbm>> -> memref<1x40x144xf32, #tpu.memory_space<hbm>>
      %dma_start3A_98 = tpu.memref_squeeze %dma_start3A_97 : memref<1x40x144xf32, #tpu.memory_space<hbm>> -> memref<40x144xf32, #tpu.memory_space<hbm>>
      %dma_start3A_99 = arith.constant 0 : i32
      %dma_start3A_100 = tpu.memref_slice %arg7[%arg0, %add3A_85, %dma_start3A_99] : memref<2x10000x144xf32, #tpu.memory_space<hbm>> -> memref<1x40x144xf32, #tpu.memory_space<hbm>>
      %dma_start3A_101 = tpu.memref_squeeze %dma_start3A_100 : memref<1x40x144xf32, #tpu.memory_space<hbm>> -> memref<40x144xf32, #tpu.memory_space<hbm>>
      %dma_start3A_102 = arith.constant 0 : i32
      %dma_start3A_103 = arith.constant 0 : i32
      %dma_start3A_104 = tpu.memref_slice %arg13[%dma_start3A_102, %dma_start3A_103] : memref<40x144xf32, #tpu.memory_space<vmem>> -> memref<40x144xf32, #tpu.memory_space<vmem>>
      tpu.enqueue_dma source(%dma_start3A_104 : memref<40x144xf32, #tpu.memory_space<vmem>>) target(%dma_start3A_101 : memref<40x144xf32, #tpu.memory_space<hbm>>) target_semaphore(%run_scoped3A : memref<!tpu.dma_semaphore, #tpu.memory_space<semaphore_mem>>)
      %dma_wait3A = arith.constant 0 : i32
      %dma_wait3A_105 = arith.constant 0 : i32
      %dma_wait3A_106 = tpu.memref_slice %arg13[%dma_wait3A, %dma_wait3A_105] : memref<40x144xf32, #tpu.memory_space<vmem>> -> memref<40x144xf32, #tpu.memory_space<vmem>>
      %dma_wait3A_107 = arith.constant 0 : i32
      %dma_wait3A_108 = tpu.memref_slice %arg7[%arg0, %add3A_85, %dma_wait3A_107] : memref<2x10000x144xf32, #tpu.memory_space<hbm>> -> memref<1x40x144xf32, #tpu.memory_space<hbm>>
      %dma_wait3A_109 = tpu.memref_squeeze %dma_wait3A_108 : memref<1x40x144xf32, #tpu.memory_space<hbm>> -> memref<40x144xf32, #tpu.memory_space<hbm>>
      %dma_wait3A_110 = arith.constant 0 : i32
      %dma_wait3A_111 = tpu.memref_slice %arg7[%arg0, %add3A_85, %dma_wait3A_110] : memref<2x10000x144xf32, #tpu.memory_space<hbm>> -> memref<1x40x144xf32, #tpu.memory_space<hbm>>
      %dma_wait3A_112 = tpu.memref_squeeze %dma_wait3A_111 : memref<1x40x144xf32, #tpu.memory_space<hbm>> -> memref<40x144xf32, #tpu.memory_space<hbm>>
      %dma_wait3A_113 = arith.constant 0 : i32
      %dma_wait3A_114 = arith.constant 0 : i32
      %dma_wait3A_115 = tpu.memref_slice %arg13[%dma_wait3A_113, %dma_wait3A_114] : memref<40x144xf32, #tpu.memory_space<vmem>> -> memref<40x144xf32, #tpu.memory_space<vmem>>
      tpu.wait_dma2 semaphore(%run_scoped3A : memref<!tpu.dma_semaphore, #tpu.memory_space<semaphore_mem>>) src(%dma_wait3A_115 : memref<40x144xf32, #tpu.memory_space<vmem>>) dst(%dma_wait3A_112 : memref<40x144xf32, #tpu.memory_space<hbm>>)
      tpu.yield
    }) : () -> ()
    %add3A_86 = arith.constant 480 : i32
    %add3A_87 = arith.addi %mul3A_9, %add3A_86 : i32
    "tpu.region"() ({
      %run_scoped3A = tpu.sem_alloc : memref<!tpu.dma_semaphore, #tpu.memory_space<semaphore_mem>>
      %dma_start3A = arith.constant 0 : i32
      %dma_start3A_94 = arith.constant 0 : i32
      %dma_start3A_95 = tpu.memref_slice %arg13[%dma_start3A, %dma_start3A_94] : memref<40x144xf32, #tpu.memory_space<vmem>> -> memref<40x144xf32, #tpu.memory_space<vmem>>
      %dma_start3A_96 = arith.constant 0 : i32
      %dma_start3A_97 = tpu.memref_slice %arg14[%add3A_87, %dma_start3A_96] : memref<10000x144xf32, #tpu.memory_space<vmem_shared>> -> memref<40x144xf32, #tpu.memory_space<vmem_shared>>
      %dma_start3A_98 = arith.constant 0 : i32
      %dma_start3A_99 = arith.constant 0 : i32
      %dma_start3A_100 = tpu.memref_slice %arg13[%dma_start3A_98, %dma_start3A_99] : memref<40x144xf32, #tpu.memory_space<vmem>> -> memref<40x144xf32, #tpu.memory_space<vmem>>
      %dma_start3A_101 = arith.constant 0 : i32
      %dma_start3A_102 = tpu.memref_slice %arg14[%add3A_87, %dma_start3A_101] : memref<10000x144xf32, #tpu.memory_space<vmem_shared>> -> memref<40x144xf32, #tpu.memory_space<vmem_shared>>
      tpu.enqueue_dma source(%dma_start3A_102 : memref<40x144xf32, #tpu.memory_space<vmem_shared>>) target(%dma_start3A_100 : memref<40x144xf32, #tpu.memory_space<vmem>>) target_semaphore(%run_scoped3A : memref<!tpu.dma_semaphore, #tpu.memory_space<semaphore_mem>>)
      %dma_wait3A = arith.constant 0 : i32
      %dma_wait3A_103 = arith.constant 0 : i32
      %dma_wait3A_104 = tpu.memref_slice %arg13[%dma_wait3A, %dma_wait3A_103] : memref<40x144xf32, #tpu.memory_space<vmem>> -> memref<40x144xf32, #tpu.memory_space<vmem>>
      %dma_wait3A_105 = arith.constant 0 : i32
      %dma_wait3A_106 = tpu.memref_slice %arg14[%add3A_87, %dma_wait3A_105] : memref<10000x144xf32, #tpu.memory_space<vmem_shared>> -> memref<40x144xf32, #tpu.memory_space<vmem_shared>>
      %dma_wait3A_107 = arith.constant 0 : i32
      %dma_wait3A_108 = arith.constant 0 : i32
      %dma_wait3A_109 = tpu.memref_slice %arg13[%dma_wait3A_107, %dma_wait3A_108] : memref<40x144xf32, #tpu.memory_space<vmem>> -> memref<40x144xf32, #tpu.memory_space<vmem>>
      %dma_wait3A_110 = arith.constant 0 : i32
      %dma_wait3A_111 = tpu.memref_slice %arg14[%add3A_87, %dma_wait3A_110] : memref<10000x144xf32, #tpu.memory_space<vmem_shared>> -> memref<40x144xf32, #tpu.memory_space<vmem_shared>>
      tpu.wait_dma2 semaphore(%run_scoped3A : memref<!tpu.dma_semaphore, #tpu.memory_space<semaphore_mem>>) src(%dma_wait3A_111 : memref<40x144xf32, #tpu.memory_space<vmem_shared>>) dst(%dma_wait3A_109 : memref<40x144xf32, #tpu.memory_space<vmem>>)
      tpu.yield
    }) : () -> ()
    "tpu.region"() ({
      %run_scoped3A = tpu.sem_alloc : memref<!tpu.dma_semaphore, #tpu.memory_space<semaphore_mem>>
      %dma_start3A = arith.constant 0 : i32
      %dma_start3A_94 = arith.constant 0 : i32
      %dma_start3A_95 = tpu.memref_slice %arg13[%dma_start3A, %dma_start3A_94] : memref<40x144xf32, #tpu.memory_space<vmem>> -> memref<40x144xf32, #tpu.memory_space<vmem>>
      %dma_start3A_96 = arith.constant 0 : i32
      %dma_start3A_97 = tpu.memref_slice %arg7[%arg0, %add3A_87, %dma_start3A_96] : memref<2x10000x144xf32, #tpu.memory_space<hbm>> -> memref<1x40x144xf32, #tpu.memory_space<hbm>>
      %dma_start3A_98 = tpu.memref_squeeze %dma_start3A_97 : memref<1x40x144xf32, #tpu.memory_space<hbm>> -> memref<40x144xf32, #tpu.memory_space<hbm>>
      %dma_start3A_99 = arith.constant 0 : i32
      %dma_start3A_100 = tpu.memref_slice %arg7[%arg0, %add3A_87, %dma_start3A_99] : memref<2x10000x144xf32, #tpu.memory_space<hbm>> -> memref<1x40x144xf32, #tpu.memory_space<hbm>>
      %dma_start3A_101 = tpu.memref_squeeze %dma_start3A_100 : memref<1x40x144xf32, #tpu.memory_space<hbm>> -> memref<40x144xf32, #tpu.memory_space<hbm>>
      %dma_start3A_102 = arith.constant 0 : i32
      %dma_start3A_103 = arith.constant 0 : i32
      %dma_start3A_104 = tpu.memref_slice %arg13[%dma_start3A_102, %dma_start3A_103] : memref<40x144xf32, #tpu.memory_space<vmem>> -> memref<40x144xf32, #tpu.memory_space<vmem>>
      tpu.enqueue_dma source(%dma_start3A_104 : memref<40x144xf32, #tpu.memory_space<vmem>>) target(%dma_start3A_101 : memref<40x144xf32, #tpu.memory_space<hbm>>) target_semaphore(%run_scoped3A : memref<!tpu.dma_semaphore, #tpu.memory_space<semaphore_mem>>)
      %dma_wait3A = arith.constant 0 : i32
      %dma_wait3A_105 = arith.constant 0 : i32
      %dma_wait3A_106 = tpu.memref_slice %arg13[%dma_wait3A, %dma_wait3A_105] : memref<40x144xf32, #tpu.memory_space<vmem>> -> memref<40x144xf32, #tpu.memory_space<vmem>>
      %dma_wait3A_107 = arith.constant 0 : i32
      %dma_wait3A_108 = tpu.memref_slice %arg7[%arg0, %add3A_87, %dma_wait3A_107] : memref<2x10000x144xf32, #tpu.memory_space<hbm>> -> memref<1x40x144xf32, #tpu.memory_space<hbm>>
      %dma_wait3A_109 = tpu.memref_squeeze %dma_wait3A_108 : memref<1x40x144xf32, #tpu.memory_space<hbm>> -> memref<40x144xf32, #tpu.memory_space<hbm>>
      %dma_wait3A_110 = arith.constant 0 : i32
      %dma_wait3A_111 = tpu.memref_slice %arg7[%arg0, %add3A_87, %dma_wait3A_110] : memref<2x10000x144xf32, #tpu.memory_space<hbm>> -> memref<1x40x144xf32, #tpu.memory_space<hbm>>
      %dma_wait3A_112 = tpu.memref_squeeze %dma_wait3A_111 : memref<1x40x144xf32, #tpu.memory_space<hbm>> -> memref<40x144xf32, #tpu.memory_space<hbm>>
      %dma_wait3A_113 = arith.constant 0 : i32
      %dma_wait3A_114 = arith.constant 0 : i32
      %dma_wait3A_115 = tpu.memref_slice %arg13[%dma_wait3A_113, %dma_wait3A_114] : memref<40x144xf32, #tpu.memory_space<vmem>> -> memref<40x144xf32, #tpu.memory_space<vmem>>
      tpu.wait_dma2 semaphore(%run_scoped3A : memref<!tpu.dma_semaphore, #tpu.memory_space<semaphore_mem>>) src(%dma_wait3A_115 : memref<40x144xf32, #tpu.memory_space<vmem>>) dst(%dma_wait3A_112 : memref<40x144xf32, #tpu.memory_space<hbm>>)
      tpu.yield
    }) : () -> ()
    %add3A_88 = arith.constant 520 : i32
    %add3A_89 = arith.addi %mul3A_9, %add3A_88 : i32
    "tpu.region"() ({
      %run_scoped3A = tpu.sem_alloc : memref<!tpu.dma_semaphore, #tpu.memory_space<semaphore_mem>>
      %dma_start3A = arith.constant 0 : i32
      %dma_start3A_94 = arith.constant 0 : i32
      %dma_start3A_95 = tpu.memref_slice %arg13[%dma_start3A, %dma_start3A_94] : memref<40x144xf32, #tpu.memory_space<vmem>> -> memref<40x144xf32, #tpu.memory_space<vmem>>
      %dma_start3A_96 = arith.constant 0 : i32
      %dma_start3A_97 = tpu.memref_slice %arg14[%add3A_89, %dma_start3A_96] : memref<10000x144xf32, #tpu.memory_space<vmem_shared>> -> memref<40x144xf32, #tpu.memory_space<vmem_shared>>
      %dma_start3A_98 = arith.constant 0 : i32
      %dma_start3A_99 = arith.constant 0 : i32
      %dma_start3A_100 = tpu.memref_slice %arg13[%dma_start3A_98, %dma_start3A_99] : memref<40x144xf32, #tpu.memory_space<vmem>> -> memref<40x144xf32, #tpu.memory_space<vmem>>
      %dma_start3A_101 = arith.constant 0 : i32
      %dma_start3A_102 = tpu.memref_slice %arg14[%add3A_89, %dma_start3A_101] : memref<10000x144xf32, #tpu.memory_space<vmem_shared>> -> memref<40x144xf32, #tpu.memory_space<vmem_shared>>
      tpu.enqueue_dma source(%dma_start3A_102 : memref<40x144xf32, #tpu.memory_space<vmem_shared>>) target(%dma_start3A_100 : memref<40x144xf32, #tpu.memory_space<vmem>>) target_semaphore(%run_scoped3A : memref<!tpu.dma_semaphore, #tpu.memory_space<semaphore_mem>>)
      %dma_wait3A = arith.constant 0 : i32
      %dma_wait3A_103 = arith.constant 0 : i32
      %dma_wait3A_104 = tpu.memref_slice %arg13[%dma_wait3A, %dma_wait3A_103] : memref<40x144xf32, #tpu.memory_space<vmem>> -> memref<40x144xf32, #tpu.memory_space<vmem>>
      %dma_wait3A_105 = arith.constant 0 : i32
      %dma_wait3A_106 = tpu.memref_slice %arg14[%add3A_89, %dma_wait3A_105] : memref<10000x144xf32, #tpu.memory_space<vmem_shared>> -> memref<40x144xf32, #tpu.memory_space<vmem_shared>>
      %dma_wait3A_107 = arith.constant 0 : i32
      %dma_wait3A_108 = arith.constant 0 : i32
      %dma_wait3A_109 = tpu.memref_slice %arg13[%dma_wait3A_107, %dma_wait3A_108] : memref<40x144xf32, #tpu.memory_space<vmem>> -> memref<40x144xf32, #tpu.memory_space<vmem>>
      %dma_wait3A_110 = arith.constant 0 : i32
      %dma_wait3A_111 = tpu.memref_slice %arg14[%add3A_89, %dma_wait3A_110] : memref<10000x144xf32, #tpu.memory_space<vmem_shared>> -> memref<40x144xf32, #tpu.memory_space<vmem_shared>>
      tpu.wait_dma2 semaphore(%run_scoped3A : memref<!tpu.dma_semaphore, #tpu.memory_space<semaphore_mem>>) src(%dma_wait3A_111 : memref<40x144xf32, #tpu.memory_space<vmem_shared>>) dst(%dma_wait3A_109 : memref<40x144xf32, #tpu.memory_space<vmem>>)
      tpu.yield
    }) : () -> ()
    "tpu.region"() ({
      %run_scoped3A = tpu.sem_alloc : memref<!tpu.dma_semaphore, #tpu.memory_space<semaphore_mem>>
      %dma_start3A = arith.constant 0 : i32
      %dma_start3A_94 = arith.constant 0 : i32
      %dma_start3A_95 = tpu.memref_slice %arg13[%dma_start3A, %dma_start3A_94] : memref<40x144xf32, #tpu.memory_space<vmem>> -> memref<40x144xf32, #tpu.memory_space<vmem>>
      %dma_start3A_96 = arith.constant 0 : i32
      %dma_start3A_97 = tpu.memref_slice %arg7[%arg0, %add3A_89, %dma_start3A_96] : memref<2x10000x144xf32, #tpu.memory_space<hbm>> -> memref<1x40x144xf32, #tpu.memory_space<hbm>>
      %dma_start3A_98 = tpu.memref_squeeze %dma_start3A_97 : memref<1x40x144xf32, #tpu.memory_space<hbm>> -> memref<40x144xf32, #tpu.memory_space<hbm>>
      %dma_start3A_99 = arith.constant 0 : i32
      %dma_start3A_100 = tpu.memref_slice %arg7[%arg0, %add3A_89, %dma_start3A_99] : memref<2x10000x144xf32, #tpu.memory_space<hbm>> -> memref<1x40x144xf32, #tpu.memory_space<hbm>>
      %dma_start3A_101 = tpu.memref_squeeze %dma_start3A_100 : memref<1x40x144xf32, #tpu.memory_space<hbm>> -> memref<40x144xf32, #tpu.memory_space<hbm>>
      %dma_start3A_102 = arith.constant 0 : i32
      %dma_start3A_103 = arith.constant 0 : i32
      %dma_start3A_104 = tpu.memref_slice %arg13[%dma_start3A_102, %dma_start3A_103] : memref<40x144xf32, #tpu.memory_space<vmem>> -> memref<40x144xf32, #tpu.memory_space<vmem>>
      tpu.enqueue_dma source(%dma_start3A_104 : memref<40x144xf32, #tpu.memory_space<vmem>>) target(%dma_start3A_101 : memref<40x144xf32, #tpu.memory_space<hbm>>) target_semaphore(%run_scoped3A : memref<!tpu.dma_semaphore, #tpu.memory_space<semaphore_mem>>)
      %dma_wait3A = arith.constant 0 : i32
      %dma_wait3A_105 = arith.constant 0 : i32
      %dma_wait3A_106 = tpu.memref_slice %arg13[%dma_wait3A, %dma_wait3A_105] : memref<40x144xf32, #tpu.memory_space<vmem>> -> memref<40x144xf32, #tpu.memory_space<vmem>>
      %dma_wait3A_107 = arith.constant 0 : i32
      %dma_wait3A_108 = tpu.memref_slice %arg7[%arg0, %add3A_89, %dma_wait3A_107] : memref<2x10000x144xf32, #tpu.memory_space<hbm>> -> memref<1x40x144xf32, #tpu.memory_space<hbm>>
      %dma_wait3A_109 = tpu.memref_squeeze %dma_wait3A_108 : memref<1x40x144xf32, #tpu.memory_space<hbm>> -> memref<40x144xf32, #tpu.memory_space<hbm>>
      %dma_wait3A_110 = arith.constant 0 : i32
      %dma_wait3A_111 = tpu.memref_slice %arg7[%arg0, %add3A_89, %dma_wait3A_110] : memref<2x10000x144xf32, #tpu.memory_space<hbm>> -> memref<1x40x144xf32, #tpu.memory_space<hbm>>
      %dma_wait3A_112 = tpu.memref_squeeze %dma_wait3A_111 : memref<1x40x144xf32, #tpu.memory_space<hbm>> -> memref<40x144xf32, #tpu.memory_space<hbm>>
      %dma_wait3A_113 = arith.constant 0 : i32
      %dma_wait3A_114 = arith.constant 0 : i32
      %dma_wait3A_115 = tpu.memref_slice %arg13[%dma_wait3A_113, %dma_wait3A_114] : memref<40x144xf32, #tpu.memory_space<vmem>> -> memref<40x144xf32, #tpu.memory_space<vmem>>
      tpu.wait_dma2 semaphore(%run_scoped3A : memref<!tpu.dma_semaphore, #tpu.memory_space<semaphore_mem>>) src(%dma_wait3A_115 : memref<40x144xf32, #tpu.memory_space<vmem>>) dst(%dma_wait3A_112 : memref<40x144xf32, #tpu.memory_space<hbm>>)
      tpu.yield
    }) : () -> ()
    %add3A_90 = arith.constant 560 : i32
    %add3A_91 = arith.addi %mul3A_9, %add3A_90 : i32
    "tpu.region"() ({
      %run_scoped3A = tpu.sem_alloc : memref<!tpu.dma_semaphore, #tpu.memory_space<semaphore_mem>>
      %dma_start3A = arith.constant 0 : i32
      %dma_start3A_94 = arith.constant 0 : i32
      %dma_start3A_95 = tpu.memref_slice %arg13[%dma_start3A, %dma_start3A_94] : memref<40x144xf32, #tpu.memory_space<vmem>> -> memref<40x144xf32, #tpu.memory_space<vmem>>
      %dma_start3A_96 = arith.constant 0 : i32
      %dma_start3A_97 = tpu.memref_slice %arg14[%add3A_91, %dma_start3A_96] : memref<10000x144xf32, #tpu.memory_space<vmem_shared>> -> memref<40x144xf32, #tpu.memory_space<vmem_shared>>
      %dma_start3A_98 = arith.constant 0 : i32
      %dma_start3A_99 = arith.constant 0 : i32
      %dma_start3A_100 = tpu.memref_slice %arg13[%dma_start3A_98, %dma_start3A_99] : memref<40x144xf32, #tpu.memory_space<vmem>> -> memref<40x144xf32, #tpu.memory_space<vmem>>
      %dma_start3A_101 = arith.constant 0 : i32
      %dma_start3A_102 = tpu.memref_slice %arg14[%add3A_91, %dma_start3A_101] : memref<10000x144xf32, #tpu.memory_space<vmem_shared>> -> memref<40x144xf32, #tpu.memory_space<vmem_shared>>
      tpu.enqueue_dma source(%dma_start3A_102 : memref<40x144xf32, #tpu.memory_space<vmem_shared>>) target(%dma_start3A_100 : memref<40x144xf32, #tpu.memory_space<vmem>>) target_semaphore(%run_scoped3A : memref<!tpu.dma_semaphore, #tpu.memory_space<semaphore_mem>>)
      %dma_wait3A = arith.constant 0 : i32
      %dma_wait3A_103 = arith.constant 0 : i32
      %dma_wait3A_104 = tpu.memref_slice %arg13[%dma_wait3A, %dma_wait3A_103] : memref<40x144xf32, #tpu.memory_space<vmem>> -> memref<40x144xf32, #tpu.memory_space<vmem>>
      %dma_wait3A_105 = arith.constant 0 : i32
      %dma_wait3A_106 = tpu.memref_slice %arg14[%add3A_91, %dma_wait3A_105] : memref<10000x144xf32, #tpu.memory_space<vmem_shared>> -> memref<40x144xf32, #tpu.memory_space<vmem_shared>>
      %dma_wait3A_107 = arith.constant 0 : i32
      %dma_wait3A_108 = arith.constant 0 : i32
      %dma_wait3A_109 = tpu.memref_slice %arg13[%dma_wait3A_107, %dma_wait3A_108] : memref<40x144xf32, #tpu.memory_space<vmem>> -> memref<40x144xf32, #tpu.memory_space<vmem>>
      %dma_wait3A_110 = arith.constant 0 : i32
      %dma_wait3A_111 = tpu.memref_slice %arg14[%add3A_91, %dma_wait3A_110] : memref<10000x144xf32, #tpu.memory_space<vmem_shared>> -> memref<40x144xf32, #tpu.memory_space<vmem_shared>>
      tpu.wait_dma2 semaphore(%run_scoped3A : memref<!tpu.dma_semaphore, #tpu.memory_space<semaphore_mem>>) src(%dma_wait3A_111 : memref<40x144xf32, #tpu.memory_space<vmem_shared>>) dst(%dma_wait3A_109 : memref<40x144xf32, #tpu.memory_space<vmem>>)
      tpu.yield
    }) : () -> ()
    "tpu.region"() ({
      %run_scoped3A = tpu.sem_alloc : memref<!tpu.dma_semaphore, #tpu.memory_space<semaphore_mem>>
      %dma_start3A = arith.constant 0 : i32
      %dma_start3A_94 = arith.constant 0 : i32
      %dma_start3A_95 = tpu.memref_slice %arg13[%dma_start3A, %dma_start3A_94] : memref<40x144xf32, #tpu.memory_space<vmem>> -> memref<40x144xf32, #tpu.memory_space<vmem>>
      %dma_start3A_96 = arith.constant 0 : i32
      %dma_start3A_97 = tpu.memref_slice %arg7[%arg0, %add3A_91, %dma_start3A_96] : memref<2x10000x144xf32, #tpu.memory_space<hbm>> -> memref<1x40x144xf32, #tpu.memory_space<hbm>>
      %dma_start3A_98 = tpu.memref_squeeze %dma_start3A_97 : memref<1x40x144xf32, #tpu.memory_space<hbm>> -> memref<40x144xf32, #tpu.memory_space<hbm>>
      %dma_start3A_99 = arith.constant 0 : i32
      %dma_start3A_100 = tpu.memref_slice %arg7[%arg0, %add3A_91, %dma_start3A_99] : memref<2x10000x144xf32, #tpu.memory_space<hbm>> -> memref<1x40x144xf32, #tpu.memory_space<hbm>>
      %dma_start3A_101 = tpu.memref_squeeze %dma_start3A_100 : memref<1x40x144xf32, #tpu.memory_space<hbm>> -> memref<40x144xf32, #tpu.memory_space<hbm>>
      %dma_start3A_102 = arith.constant 0 : i32
      %dma_start3A_103 = arith.constant 0 : i32
      %dma_start3A_104 = tpu.memref_slice %arg13[%dma_start3A_102, %dma_start3A_103] : memref<40x144xf32, #tpu.memory_space<vmem>> -> memref<40x144xf32, #tpu.memory_space<vmem>>
      tpu.enqueue_dma source(%dma_start3A_104 : memref<40x144xf32, #tpu.memory_space<vmem>>) target(%dma_start3A_101 : memref<40x144xf32, #tpu.memory_space<hbm>>) target_semaphore(%run_scoped3A : memref<!tpu.dma_semaphore, #tpu.memory_space<semaphore_mem>>)
      %dma_wait3A = arith.constant 0 : i32
      %dma_wait3A_105 = arith.constant 0 : i32
      %dma_wait3A_106 = tpu.memref_slice %arg13[%dma_wait3A, %dma_wait3A_105] : memref<40x144xf32, #tpu.memory_space<vmem>> -> memref<40x144xf32, #tpu.memory_space<vmem>>
      %dma_wait3A_107 = arith.constant 0 : i32
      %dma_wait3A_108 = tpu.memref_slice %arg7[%arg0, %add3A_91, %dma_wait3A_107] : memref<2x10000x144xf32, #tpu.memory_space<hbm>> -> memref<1x40x144xf32, #tpu.memory_space<hbm>>
      %dma_wait3A_109 = tpu.memref_squeeze %dma_wait3A_108 : memref<1x40x144xf32, #tpu.memory_space<hbm>> -> memref<40x144xf32, #tpu.memory_space<hbm>>
      %dma_wait3A_110 = arith.constant 0 : i32
      %dma_wait3A_111 = tpu.memref_slice %arg7[%arg0, %add3A_91, %dma_wait3A_110] : memref<2x10000x144xf32, #tpu.memory_space<hbm>> -> memref<1x40x144xf32, #tpu.memory_space<hbm>>
      %dma_wait3A_112 = tpu.memref_squeeze %dma_wait3A_111 : memref<1x40x144xf32, #tpu.memory_space<hbm>> -> memref<40x144xf32, #tpu.memory_space<hbm>>
      %dma_wait3A_113 = arith.constant 0 : i32
      %dma_wait3A_114 = arith.constant 0 : i32
      %dma_wait3A_115 = tpu.memref_slice %arg13[%dma_wait3A_113, %dma_wait3A_114] : memref<40x144xf32, #tpu.memory_space<vmem>> -> memref<40x144xf32, #tpu.memory_space<vmem>>
      tpu.wait_dma2 semaphore(%run_scoped3A : memref<!tpu.dma_semaphore, #tpu.memory_space<semaphore_mem>>) src(%dma_wait3A_115 : memref<40x144xf32, #tpu.memory_space<vmem>>) dst(%dma_wait3A_112 : memref<40x144xf32, #tpu.memory_space<hbm>>)
      tpu.yield
    }) : () -> ()
    %add3A_92 = arith.constant 600 : i32
    %add3A_93 = arith.addi %mul3A_9, %add3A_92 : i32
    "tpu.region"() ({
      %run_scoped3A = tpu.sem_alloc : memref<!tpu.dma_semaphore, #tpu.memory_space<semaphore_mem>>
      %dma_start3A = arith.constant 0 : i32
      %dma_start3A_94 = arith.constant 0 : i32
      %dma_start3A_95 = tpu.memref_slice %arg13[%dma_start3A, %dma_start3A_94] : memref<40x144xf32, #tpu.memory_space<vmem>> -> memref<25x144xf32, #tpu.memory_space<vmem>>
      %dma_start3A_96 = arith.constant 0 : i32
      %dma_start3A_97 = tpu.memref_slice %arg14[%add3A_93, %dma_start3A_96] : memref<10000x144xf32, #tpu.memory_space<vmem_shared>> -> memref<25x144xf32, #tpu.memory_space<vmem_shared>>
      %dma_start3A_98 = arith.constant 0 : i32
      %dma_start3A_99 = arith.constant 0 : i32
      %dma_start3A_100 = tpu.memref_slice %arg13[%dma_start3A_98, %dma_start3A_99] : memref<40x144xf32, #tpu.memory_space<vmem>> -> memref<25x144xf32, #tpu.memory_space<vmem>>
      %dma_start3A_101 = arith.constant 0 : i32
      %dma_start3A_102 = tpu.memref_slice %arg14[%add3A_93, %dma_start3A_101] : memref<10000x144xf32, #tpu.memory_space<vmem_shared>> -> memref<25x144xf32, #tpu.memory_space<vmem_shared>>
      tpu.enqueue_dma source(%dma_start3A_102 : memref<25x144xf32, #tpu.memory_space<vmem_shared>>) target(%dma_start3A_100 : memref<25x144xf32, #tpu.memory_space<vmem>>) target_semaphore(%run_scoped3A : memref<!tpu.dma_semaphore, #tpu.memory_space<semaphore_mem>>)
      %dma_wait3A = arith.constant 0 : i32
      %dma_wait3A_103 = arith.constant 0 : i32
      %dma_wait3A_104 = tpu.memref_slice %arg13[%dma_wait3A, %dma_wait3A_103] : memref<40x144xf32, #tpu.memory_space<vmem>> -> memref<25x144xf32, #tpu.memory_space<vmem>>
      %dma_wait3A_105 = arith.constant 0 : i32
      %dma_wait3A_106 = tpu.memref_slice %arg14[%add3A_93, %dma_wait3A_105] : memref<10000x144xf32, #tpu.memory_space<vmem_shared>> -> memref<25x144xf32, #tpu.memory_space<vmem_shared>>
      %dma_wait3A_107 = arith.constant 0 : i32
      %dma_wait3A_108 = arith.constant 0 : i32
      %dma_wait3A_109 = tpu.memref_slice %arg13[%dma_wait3A_107, %dma_wait3A_108] : memref<40x144xf32, #tpu.memory_space<vmem>> -> memref<25x144xf32, #tpu.memory_space<vmem>>
      %dma_wait3A_110 = arith.constant 0 : i32
      %dma_wait3A_111 = tpu.memref_slice %arg14[%add3A_93, %dma_wait3A_110] : memref<10000x144xf32, #tpu.memory_space<vmem_shared>> -> memref<25x144xf32, #tpu.memory_space<vmem_shared>>
      tpu.wait_dma2 semaphore(%run_scoped3A : memref<!tpu.dma_semaphore, #tpu.memory_space<semaphore_mem>>) src(%dma_wait3A_111 : memref<25x144xf32, #tpu.memory_space<vmem_shared>>) dst(%dma_wait3A_109 : memref<25x144xf32, #tpu.memory_space<vmem>>)
      tpu.yield
    }) : () -> ()
    "tpu.region"() ({
      %run_scoped3A = tpu.sem_alloc : memref<!tpu.dma_semaphore, #tpu.memory_space<semaphore_mem>>
      %dma_start3A = arith.constant 0 : i32
      %dma_start3A_94 = arith.constant 0 : i32
      %dma_start3A_95 = tpu.memref_slice %arg13[%dma_start3A, %dma_start3A_94] : memref<40x144xf32, #tpu.memory_space<vmem>> -> memref<25x144xf32, #tpu.memory_space<vmem>>
      %dma_start3A_96 = arith.constant 0 : i32
      %dma_start3A_97 = tpu.memref_slice %arg7[%arg0, %add3A_93, %dma_start3A_96] : memref<2x10000x144xf32, #tpu.memory_space<hbm>> -> memref<1x25x144xf32, #tpu.memory_space<hbm>>
      %dma_start3A_98 = tpu.memref_squeeze %dma_start3A_97 : memref<1x25x144xf32, #tpu.memory_space<hbm>> -> memref<25x144xf32, #tpu.memory_space<hbm>>
      %dma_start3A_99 = arith.constant 0 : i32
      %dma_start3A_100 = tpu.memref_slice %arg7[%arg0, %add3A_93, %dma_start3A_99] : memref<2x10000x144xf32, #tpu.memory_space<hbm>> -> memref<1x25x144xf32, #tpu.memory_space<hbm>>
      %dma_start3A_101 = tpu.memref_squeeze %dma_start3A_100 : memref<1x25x144xf32, #tpu.memory_space<hbm>> -> memref<25x144xf32, #tpu.memory_space<hbm>>
      %dma_start3A_102 = arith.constant 0 : i32
      %dma_start3A_103 = arith.constant 0 : i32
      %dma_start3A_104 = tpu.memref_slice %arg13[%dma_start3A_102, %dma_start3A_103] : memref<40x144xf32, #tpu.memory_space<vmem>> -> memref<25x144xf32, #tpu.memory_space<vmem>>
      tpu.enqueue_dma source(%dma_start3A_104 : memref<25x144xf32, #tpu.memory_space<vmem>>) target(%dma_start3A_101 : memref<25x144xf32, #tpu.memory_space<hbm>>) target_semaphore(%run_scoped3A : memref<!tpu.dma_semaphore, #tpu.memory_space<semaphore_mem>>)
      %dma_wait3A = arith.constant 0 : i32
      %dma_wait3A_105 = arith.constant 0 : i32
      %dma_wait3A_106 = tpu.memref_slice %arg13[%dma_wait3A, %dma_wait3A_105] : memref<40x144xf32, #tpu.memory_space<vmem>> -> memref<25x144xf32, #tpu.memory_space<vmem>>
      %dma_wait3A_107 = arith.constant 0 : i32
      %dma_wait3A_108 = tpu.memref_slice %arg7[%arg0, %add3A_93, %dma_wait3A_107] : memref<2x10000x144xf32, #tpu.memory_space<hbm>> -> memref<1x25x144xf32, #tpu.memory_space<hbm>>
      %dma_wait3A_109 = tpu.memref_squeeze %dma_wait3A_108 : memref<1x25x144xf32, #tpu.memory_space<hbm>> -> memref<25x144xf32, #tpu.memory_space<hbm>>
      %dma_wait3A_110 = arith.constant 0 : i32
      %dma_wait3A_111 = tpu.memref_slice %arg7[%arg0, %add3A_93, %dma_wait3A_110] : memref<2x10000x144xf32, #tpu.memory_space<hbm>> -> memref<1x25x144xf32, #tpu.memory_space<hbm>>
      %dma_wait3A_112 = tpu.memref_squeeze %dma_wait3A_111 : memref<1x25x144xf32, #tpu.memory_space<hbm>> -> memref<25x144xf32, #tpu.memory_space<hbm>>
      %dma_wait3A_113 = arith.constant 0 : i32
      %dma_wait3A_114 = arith.constant 0 : i32
      %dma_wait3A_115 = tpu.memref_slice %arg13[%dma_wait3A_113, %dma_wait3A_114] : memref<40x144xf32, #tpu.memory_space<vmem>> -> memref<25x144xf32, #tpu.memory_space<vmem>>
      tpu.wait_dma2 semaphore(%run_scoped3A : memref<!tpu.dma_semaphore, #tpu.memory_space<semaphore_mem>>) src(%dma_wait3A_115 : memref<25x144xf32, #tpu.memory_space<vmem>>) dst(%dma_wait3A_112 : memref<25x144xf32, #tpu.memory_space<hbm>>)
      tpu.yield
    }) : () -> ()
    return
  }
}

module attributes {stable_mosaic.version = 14 : i64} {
  func.func @_pq_body(%arg0: memref<10000x128xf32, #tpu.memory_space<vmem>>, %arg1: memref<128x128xf32, #tpu.memory_space<vmem>>, %arg2: memref<128x128xf32, #tpu.memory_space<vmem>>, %arg3: memref<10000x128xf32, #tpu.memory_space<vmem>>, %arg4: memref<10000x128xf32, #tpu.memory_space<vmem>>) attributes {dimension_semantics = [], scalar_prefetch = 0 : i64, scratch_operands = 0 : i64, tpu.core_type = #tpu.core_type<tc>} {
    %get3A = arith.constant 0 : index
    %get3A_0 = arith.constant 0 : index
    %get3A_1 = vector.load %arg0[%get3A, %get3A_0] : memref<10000x128xf32, #tpu.memory_space<vmem>>, vector<10000x128xf32>
    %get3A_2 = arith.constant 0 : index
    %get3A_3 = arith.constant 0 : index
    %get3A_4 = vector.load %arg1[%get3A_2, %get3A_3] : memref<128x128xf32, #tpu.memory_space<vmem>>, vector<128x128xf32>
    %dot_general3A = arith.constant dense<0.000000e+00> : vector<10000x128xf32>
    %dot_general3A_5 = tpu.matmul %get3A_1, %get3A_4, %dot_general3A {dimension_numbers = #tpu.dot_dimension_numbers<[1], [0], [0], [1], [0, 0, 1, 1], [], []>, transpose_lhs_hint = false} : vector<10000x128xf32>, vector<128x128xf32>, vector<10000x128xf32> -> vector<10000x128xf32>
    %swap3A = arith.constant 0 : index
    %swap3A_6 = arith.constant 0 : index
    %swap3A_7 = vector.load %arg3[%swap3A, %swap3A_6] : memref<10000x128xf32, #tpu.memory_space<vmem>>, vector<10000x128xf32>
    tpu.vector_store %arg3[%swap3A, %swap3A_6], %dot_general3A_5 {strides = array<i32>} : memref<10000x128xf32, #tpu.memory_space<vmem>>, vector<10000x128xf32>,
    %get3A_8 = arith.constant 0 : index
    %get3A_9 = arith.constant 0 : index
    %get3A_10 = vector.load %arg2[%get3A_8, %get3A_9] : memref<128x128xf32, #tpu.memory_space<vmem>>, vector<128x128xf32>
    %dot_general3A_11 = arith.constant dense<0.000000e+00> : vector<10000x128xf32>
    %dot_general3A_12 = tpu.matmul %get3A_1, %get3A_10, %dot_general3A_11 {dimension_numbers = #tpu.dot_dimension_numbers<[1], [0], [0], [1], [0, 0, 1, 1], [], []>, transpose_lhs_hint = false} : vector<10000x128xf32>, vector<128x128xf32>, vector<10000x128xf32> -> vector<10000x128xf32>
    %swap3A_13 = arith.constant 0 : index
    %swap3A_14 = arith.constant 0 : index
    %swap3A_15 = vector.load %arg4[%swap3A_13, %swap3A_14] : memref<10000x128xf32, #tpu.memory_space<vmem>>, vector<10000x128xf32>
    tpu.vector_store %arg4[%swap3A_13, %swap3A_14], %dot_general3A_12 {strides = array<i32>} : memref<10000x128xf32, #tpu.memory_space<vmem>>, vector<10000x128xf32>,
    return
  }
}

module attributes {stable_mosaic.version = 14 : i64} {
  func.func @_r_body(%arg0: i32, %arg1: memref<2000x16xf32, #tpu.memory_space<vmem>>, %arg2: memref<16x128xf32, #tpu.memory_space<vmem>>, %arg3: memref<1x128xf32, #tpu.memory_space<vmem>>, %arg4: memref<2000x128xf32, #tpu.memory_space<vmem>>) attributes {dimension_semantics = [#tpu.dimension_semantics<arbitrary>], iteration_bounds = array<i64: 160>, scalar_prefetch = 0 : i64, scratch_operands = 0 : i64, tpu.core_type = #tpu.core_type<tc>, window_params = [{transform_indices = @transform_0, window_bounds = array<i64: 2000, 16>}, {pipeline_mode = #tpu.pipeline_mode<synchronous>, transform_indices = @transform_1, window_bounds = array<i64: 16, 128>}, {pipeline_mode = #tpu.pipeline_mode<synchronous>, transform_indices = @transform_2, window_bounds = array<i64: 1, 128>}, {transform_indices = @transform_3, window_bounds = array<i64: 2000, 128>}]} {
    %get3A = arith.constant 0 : index
    %get3A_0 = arith.constant 0 : index
    %get3A_1 = vector.load %arg1[%get3A, %get3A_0] : memref<2000x16xf32, #tpu.memory_space<vmem>>, vector<2000x16xf32>
    %get3A_2 = arith.constant 0 : index
    %get3A_3 = arith.constant 0 : index
    %get3A_4 = vector.load %arg2[%get3A_2, %get3A_3] : memref<16x128xf32, #tpu.memory_space<vmem>>, vector<16x128xf32>
    %dot_general3A = arith.constant dense<0.000000e+00> : vector<2000x128xf32>
    %dot_general3A_5 = tpu.matmul %get3A_1, %get3A_4, %dot_general3A {dimension_numbers = #tpu.dot_dimension_numbers<[1], [0], [0], [1], [0, 0, 1, 1], [], []>, transpose_lhs_hint = false} : vector<2000x16xf32>, vector<16x128xf32>, vector<2000x128xf32> -> vector<2000x128xf32>
    %get3A_6 = arith.constant 0 : index
    %get3A_7 = arith.constant 0 : index
    %get3A_8 = vector.load %arg3[%get3A_6, %get3A_7] : memref<1x128xf32, #tpu.memory_space<vmem>>, vector<1x128xf32>
    %add3A = vector.broadcast %get3A_8 : vector<1x128xf32> to vector<2000x128xf32>
    %add3A_9 = arith.addf %dot_general3A_5, %add3A : vector<2000x128xf32>
    %swap3A = arith.constant 0 : index
    %swap3A_10 = arith.constant 0 : index
    %swap3A_11 = vector.load %arg4[%swap3A, %swap3A_10] : memref<2000x128xf32, #tpu.memory_space<vmem>>, vector<2000x128xf32>
    tpu.vector_store %arg4[%swap3A, %swap3A_10], %add3A_9 {strides = array<i32>} : memref<2000x128xf32, #tpu.memory_space<vmem>>, vector<2000x128xf32>,
    return
  }
  func.func @transform_0(%arg0: i32) -> (i32, i32) {
    %c0_i32 = arith.constant 0 : i32
    %c0_i32_0 = arith.constant 0 : i32
    return %arg0, %c0_i32 : i32, i32
  }
  func.func @transform_1(%arg0: i32) -> (i32, i32) {
    %c0_i32 = arith.constant 0 : i32
    %c0_i32_0 = arith.constant 0 : i32
    %c0_i32_1 = arith.constant 0 : i32
    return %c0_i32, %c0_i32_0 : i32, i32
  }
  func.func @transform_2(%arg0: i32) -> (i32, i32) {
    %c0_i32 = arith.constant 0 : i32
    %c0_i32_0 = arith.constant 0 : i32
    %c0_i32_1 = arith.constant 0 : i32
    return %c0_i32, %c0_i32_0 : i32, i32
  }
  func.func @transform_3(%arg0: i32) -> (i32, i32) {
    %c0_i32 = arith.constant 0 : i32
    %c0_i32_0 = arith.constant 0 : i32
    return %arg0, %c0_i32 : i32, i32
  }
}

module attributes {stable_mosaic.version = 14 : i64} {
  func.func @_upd_body(%arg0: i32, %arg1: memref<1000x128xf32, #tpu.memory_space<vmem>>, %arg2: memref<2x1000x144xf32, #tpu.memory_space<vmem>>, %arg3: memref<128x128xf32, #tpu.memory_space<vmem>>, %arg4: memref<1x128xf32, #tpu.memory_space<vmem>>, %arg5: memref<128x128xf32, #tpu.memory_space<vmem>>, %arg6: memref<128x128xf32, #tpu.memory_space<vmem>>, %arg7: memref<1x128xf32, #tpu.memory_space<vmem>>, %arg8: memref<128x128xf32, #tpu.memory_space<vmem>>, %arg9: memref<1x128xf32, #tpu.memory_space<vmem>>, %arg10: memref<1x128xf32, #tpu.memory_space<vmem>>, %arg11: memref<1x128xf32, #tpu.memory_space<vmem>>, %arg12: memref<1000x128xf32, #tpu.memory_space<vmem>>) attributes {dimension_semantics = [#tpu.dimension_semantics<arbitrary>], iteration_bounds = array<i64: 10>, scalar_prefetch = 0 : i64, scratch_operands = 0 : i64, tpu.core_type = #tpu.core_type<tc>, window_params = [{transform_indices = @transform_0, window_bounds = array<i64: 1000, 128>}, {transform_indices = @transform_1, window_bounds = array<i64: 2, 1000, 144>}, {pipeline_mode = #tpu.pipeline_mode<synchronous>, transform_indices = @transform_2, window_bounds = array<i64: 128, 128>}, {pipeline_mode = #tpu.pipeline_mode<synchronous>, transform_indices = @transform_3, window_bounds = array<i64: 1, 128>}, {pipeline_mode = #tpu.pipeline_mode<synchronous>, transform_indices = @transform_4, window_bounds = array<i64: 128, 128>}, {pipeline_mode = #tpu.pipeline_mode<synchronous>, transform_indices = @transform_5, window_bounds = array<i64: 128, 128>}, {pipeline_mode = #tpu.pipeline_mode<synchronous>, transform_indices = @transform_6, window_bounds = array<i64: 1, 128>}, {pipeline_mode = #tpu.pipeline_mode<synchronous>, transform_indices = @transform_7, window_bounds = array<i64: 128, 128>}, {pipeline_mode = #tpu.pipeline_mode<synchronous>, transform_indices = @transform_8, window_bounds = array<i64: 1, 128>}, {pipeline_mode = #tpu.pipeline_mode<synchronous>, transform_indices = @transform_9, window_bounds = array<i64: 1, 128>}, {pipeline_mode = #tpu.pipeline_mode<synchronous>, transform_indices = @transform_10, window_bounds = array<i64: 1, 128>}, {transform_indices = @transform_11, window_bounds = array<i64: 1000, 128>}]} {
    %get3A = arith.constant 0 : index
    %get3A_0 = arith.constant 0 : index
    %get3A_1 = vector.load %arg1[%get3A, %get3A_0] : memref<1000x128xf32, #tpu.memory_space<vmem>>, vector<1000x128xf32>
    %get3A_2 = arith.constant 0 : index
    %get3A_3 = arith.constant 0 : index
    %get3A_4 = arith.constant 0 : index
    %get3A_5 = vector.load %arg2[%get3A_2, %get3A_3, %get3A_4] : memref<2x1000x144xf32, #tpu.memory_space<vmem>>, vector<2x1000x144xf32>
    %slice3A = vector.extract_strided_slice %get3A_5 {offsets = [0, 0, 0], sizes = [1, 1000, 128], strides = [1, 1, 1]} : vector<2x1000x144xf32> to vector<1x1000x128xf32>
    %squeeze3A = vector.shape_cast %slice3A : vector<1x1000x128xf32> to vector<1000x128xf32>
    %slice3A_6 = vector.extract_strided_slice %get3A_5 {offsets = [1, 0, 0], sizes = [1, 1000, 128], strides = [1, 1, 1]} : vector<2x1000x144xf32> to vector<1x1000x128xf32>
    %squeeze3A_7 = vector.shape_cast %slice3A_6 : vector<1x1000x128xf32> to vector<1000x128xf32>
    %add3A = arith.addf %squeeze3A, %squeeze3A_7 : vector<1000x128xf32>
    %slice3A_8 = vector.extract_strided_slice %get3A_5 {offsets = [0, 0, 128], sizes = [1, 1000, 1], strides = [1, 1, 1]} : vector<2x1000x144xf32> to vector<1x1000x1xf32>
    %squeeze3A_9 = vector.shape_cast %slice3A_8 : vector<1x1000x1xf32> to vector<1000x1xf32>
    %slice3A_10 = vector.extract_strided_slice %get3A_5 {offsets = [1, 0, 128], sizes = [1, 1000, 1], strides = [1, 1, 1]} : vector<2x1000x144xf32> to vector<1x1000x1xf32>
    %squeeze3A_11 = vector.shape_cast %slice3A_10 : vector<1x1000x1xf32> to vector<1000x1xf32>
    %add3A_12 = arith.addf %squeeze3A_9, %squeeze3A_11 : vector<1000x1xf32>
    %get3A_13 = arith.constant 0 : index
    %get3A_14 = arith.constant 0 : index
    %get3A_15 = vector.load %arg3[%get3A_13, %get3A_14] : memref<128x128xf32, #tpu.memory_space<vmem>>, vector<128x128xf32>
    %dot_general3A = arith.constant dense<0.000000e+00> : vector<1000x128xf32>
    %dot_general3A_16 = tpu.matmul %add3A, %get3A_15, %dot_general3A {dimension_numbers = #tpu.dot_dimension_numbers<[1], [0], [0], [1], [0, 0, 1, 1], [], []>, transpose_lhs_hint = false} : vector<1000x128xf32>, vector<128x128xf32>, vector<1000x128xf32> -> vector<1000x128xf32>
    %get3A_17 = arith.constant 0 : index
    %get3A_18 = arith.constant 0 : index
    %get3A_19 = vector.load %arg4[%get3A_17, %get3A_18] : memref<1x128xf32, #tpu.memory_space<vmem>>, vector<1x128xf32>
    %mul3A = vector.broadcast %add3A_12 : vector<1000x1xf32> to vector<1000x128xf32>
    %mul3A_20 = vector.broadcast %get3A_19 : vector<1x128xf32> to vector<1000x128xf32>
    %mul3A_21 = arith.mulf %mul3A, %mul3A_20 : vector<1000x128xf32>
    %add3A_22 = arith.addf %dot_general3A_16, %mul3A_21 : vector<1000x128xf32>
    %get3A_23 = arith.constant 0 : index
    %get3A_24 = arith.constant 0 : index
    %get3A_25 = vector.load %arg5[%get3A_23, %get3A_24] : memref<128x128xf32, #tpu.memory_space<vmem>>, vector<128x128xf32>
    %dot_general3A_26 = arith.constant dense<0.000000e+00> : vector<1000x128xf32>
    %dot_general3A_27 = tpu.matmul %get3A_1, %get3A_25, %dot_general3A_26 {dimension_numbers = #tpu.dot_dimension_numbers<[1], [0], [0], [1], [0, 0, 1, 1], [], []>, transpose_lhs_hint = false} : vector<1000x128xf32>, vector<128x128xf32>, vector<1000x128xf32> -> vector<1000x128xf32>
    %get3A_28 = arith.constant 0 : index
    %get3A_29 = arith.constant 0 : index
    %get3A_30 = vector.load %arg6[%get3A_28, %get3A_29] : memref<128x128xf32, #tpu.memory_space<vmem>>, vector<128x128xf32>
    %dot_general3A_31 = arith.constant dense<0.000000e+00> : vector<1000x128xf32>
    %dot_general3A_32 = tpu.matmul %add3A_22, %get3A_30, %dot_general3A_31 {dimension_numbers = #tpu.dot_dimension_numbers<[1], [0], [0], [1], [0, 0, 1, 1], [], []>, transpose_lhs_hint = false} : vector<1000x128xf32>, vector<128x128xf32>, vector<1000x128xf32> -> vector<1000x128xf32>
    %add3A_33 = arith.addf %dot_general3A_27, %dot_general3A_32 : vector<1000x128xf32>
    %get3A_34 = arith.constant 0 : index
    %get3A_35 = arith.constant 0 : index
    %get3A_36 = vector.load %arg7[%get3A_34, %get3A_35] : memref<1x128xf32, #tpu.memory_space<vmem>>, vector<1x128xf32>
    %add3A_37 = vector.broadcast %get3A_36 : vector<1x128xf32> to vector<1000x128xf32>
    %add3A_38 = arith.addf %add3A_33, %add3A_37 : vector<1000x128xf32>
    %max3A = arith.constant 0.000000e+00 : f32
    %max3A_39 = vector.broadcast %max3A : f32 to vector<1000x128xf32>
    %max3A_40 = arith.maximumf %add3A_38, %max3A_39 : vector<1000x128xf32>
    %get3A_41 = arith.constant 0 : index
    %get3A_42 = arith.constant 0 : index
    %get3A_43 = vector.load %arg8[%get3A_41, %get3A_42] : memref<128x128xf32, #tpu.memory_space<vmem>>, vector<128x128xf32>
    %dot_general3A_44 = arith.constant dense<0.000000e+00> : vector<1000x128xf32>
    %dot_general3A_45 = tpu.matmul %max3A_40, %get3A_43, %dot_general3A_44 {dimension_numbers = #tpu.dot_dimension_numbers<[1], [0], [0], [1], [0, 0, 1, 1], [], []>, transpose_lhs_hint = false} : vector<1000x128xf32>, vector<128x128xf32>, vector<1000x128xf32> -> vector<1000x128xf32>
    %get3A_46 = arith.constant 0 : index
    %get3A_47 = arith.constant 0 : index
    %get3A_48 = vector.load %arg9[%get3A_46, %get3A_47] : memref<1x128xf32, #tpu.memory_space<vmem>>, vector<1x128xf32>
    %add3A_49 = vector.broadcast %get3A_48 : vector<1x128xf32> to vector<1000x128xf32>
    %add3A_50 = arith.addf %dot_general3A_45, %add3A_49 : vector<1000x128xf32>
    %add3A_51 = arith.addf %get3A_1, %add3A_50 : vector<1000x128xf32>
    %reduce_sum3A = arith.constant dense<0.000000e+00> : vector<1000xf32>
    %reduce_sum3A_52 = vector.multi_reduction <add>, %add3A_51, %reduce_sum3A [1] : vector<1000x128xf32> to vector<1000xf32>
    %broadcast_in_dim3A = vector.shape_cast %reduce_sum3A_52 : vector<1000xf32> to vector<1000x1xf32>
    %div3A = arith.constant 1.280000e+02 : f32
    %div3A_53 = vector.broadcast %div3A : f32 to vector<1000x1xf32>
    %div3A_54 = arith.divf %broadcast_in_dim3A, %div3A_53 : vector<1000x1xf32>
    %sub3A = vector.broadcast %div3A_54 : vector<1000x1xf32> to vector<1000x128xf32>
    %sub3A_55 = arith.subf %add3A_51, %sub3A : vector<1000x128xf32>
    %integer_pow3A = arith.mulf %sub3A_55, %sub3A_55 : vector<1000x128xf32>
    %reduce_sum3A_56 = arith.constant dense<0.000000e+00> : vector<1000xf32>
    %reduce_sum3A_57 = vector.multi_reduction <add>, %integer_pow3A, %reduce_sum3A_56 [1] : vector<1000x128xf32> to vector<1000xf32>
    %broadcast_in_dim3A_58 = vector.shape_cast %reduce_sum3A_57 : vector<1000xf32> to vector<1000x1xf32>
    %div3A_59 = arith.constant 1.280000e+02 : f32
    %div3A_60 = vector.broadcast %div3A_59 : f32 to vector<1000x1xf32>
    %div3A_61 = arith.divf %broadcast_in_dim3A_58, %div3A_60 : vector<1000x1xf32>
    %sub3A_62 = vector.broadcast %div3A_54 : vector<1000x1xf32> to vector<1000x128xf32>
    %sub3A_63 = arith.subf %add3A_51, %sub3A_62 : vector<1000x128xf32>
    %add3A_64 = arith.constant 9.99999974E-6 : f32
    %add3A_65 = vector.broadcast %add3A_64 : f32 to vector<1000x1xf32>
    %add3A_66 = arith.addf %div3A_61, %add3A_65 : vector<1000x1xf32>
    %rsqrt3A = math.rsqrt %add3A_66 : vector<1000x1xf32>
    %mul3A_67 = vector.broadcast %rsqrt3A : vector<1000x1xf32> to vector<1000x128xf32>
    %mul3A_68 = arith.mulf %sub3A_63, %mul3A_67 : vector<1000x128xf32>
    %get3A_69 = arith.constant 0 : index
    %get3A_70 = arith.constant 0 : index
    %get3A_71 = vector.load %arg10[%get3A_69, %get3A_70] : memref<1x128xf32, #tpu.memory_space<vmem>>, vector<1x128xf32>
    %mul3A_72 = vector.broadcast %get3A_71 : vector<1x128xf32> to vector<1000x128xf32>
    %mul3A_73 = arith.mulf %mul3A_68, %mul3A_72 : vector<1000x128xf32>
    %get3A_74 = arith.constant 0 : index
    %get3A_75 = arith.constant 0 : index
    %get3A_76 = vector.load %arg11[%get3A_74, %get3A_75] : memref<1x128xf32, #tpu.memory_space<vmem>>, vector<1x128xf32>
    %add3A_77 = vector.broadcast %get3A_76 : vector<1x128xf32> to vector<1000x128xf32>
    %add3A_78 = arith.addf %mul3A_73, %add3A_77 : vector<1000x128xf32>
    %swap3A = arith.constant 0 : index
    %swap3A_79 = arith.constant 0 : index
    %swap3A_80 = vector.load %arg12[%swap3A, %swap3A_79] : memref<1000x128xf32, #tpu.memory_space<vmem>>, vector<1000x128xf32>
    tpu.vector_store %arg12[%swap3A, %swap3A_79], %add3A_78 {strides = array<i32>} : memref<1000x128xf32, #tpu.memory_space<vmem>>, vector<1000x128xf32>,
    return
  }
  func.func @transform_0(%arg0: i32) -> (i32, i32) {
    %c0_i32 = arith.constant 0 : i32
    %c0_i32_0 = arith.constant 0 : i32
    return %arg0, %c0_i32 : i32, i32
  }
  func.func @transform_1(%arg0: i32) -> (i32, i32, i32) {
    %c0_i32 = arith.constant 0 : i32
    %c0_i32_0 = arith.constant 0 : i32
    %c0_i32_1 = arith.constant 0 : i32
    return %c0_i32, %arg0, %c0_i32_0 : i32, i32, i32
  }
  func.func @transform_2(%arg0: i32) -> (i32, i32) {
    %c0_i32 = arith.constant 0 : i32
    %c0_i32_0 = arith.constant 0 : i32
    %c0_i32_1 = arith.constant 0 : i32
    return %c0_i32, %c0_i32_0 : i32, i32
  }
  func.func @transform_3(%arg0: i32) -> (i32, i32) {
    %c0_i32 = arith.constant 0 : i32
    %c0_i32_0 = arith.constant 0 : i32
    %c0_i32_1 = arith.constant 0 : i32
    return %c0_i32, %c0_i32_0 : i32, i32
  }
  func.func @transform_4(%arg0: i32) -> (i32, i32) {
    %c0_i32 = arith.constant 0 : i32
    %c0_i32_0 = arith.constant 0 : i32
    %c0_i32_1 = arith.constant 0 : i32
    return %c0_i32, %c0_i32_0 : i32, i32
  }
  func.func @transform_5(%arg0: i32) -> (i32, i32) {
    %c0_i32 = arith.constant 0 : i32
    %c0_i32_0 = arith.constant 0 : i32
    %c0_i32_1 = arith.constant 0 : i32
    return %c0_i32, %c0_i32_0 : i32, i32
  }
  func.func @transform_6(%arg0: i32) -> (i32, i32) {
    %c0_i32 = arith.constant 0 : i32
    %c0_i32_0 = arith.constant 0 : i32
    %c0_i32_1 = arith.constant 0 : i32
    return %c0_i32, %c0_i32_0 : i32, i32
  }
  func.func @transform_7(%arg0: i32) -> (i32, i32) {
    %c0_i32 = arith.constant 0 : i32
    %c0_i32_0 = arith.constant 0 : i32
    %c0_i32_1 = arith.constant 0 : i32
    return %c0_i32, %c0_i32_0 : i32, i32
  }
  func.func @transform_8(%arg0: i32) -> (i32, i32) {
    %c0_i32 = arith.constant 0 : i32
    %c0_i32_0 = arith.constant 0 : i32
    %c0_i32_1 = arith.constant 0 : i32
    return %c0_i32, %c0_i32_0 : i32, i32
  }
  func.func @transform_9(%arg0: i32) -> (i32, i32) {
    %c0_i32 = arith.constant 0 : i32
    %c0_i32_0 = arith.constant 0 : i32
    %c0_i32_1 = arith.constant 0 : i32
    return %c0_i32, %c0_i32_0 : i32, i32
  }
  func.func @transform_10(%arg0: i32) -> (i32, i32) {
    %c0_i32 = arith.constant 0 : i32
    %c0_i32_0 = arith.constant 0 : i32
    %c0_i32_1 = arith.constant 0 : i32
    return %c0_i32, %c0_i32_0 : i32, i32
  }
  func.func @transform_11(%arg0: i32) -> (i32, i32) {
    %c0_i32 = arith.constant 0 : i32
    %c0_i32_0 = arith.constant 0 : i32
    return %arg0, %c0_i32 : i32, i32
  }
}

</mosaic_0001>

<sc_bundles>
// kernel: kernel.6.cloned.1.call-start
scs
__scs_entry_jumppad:
0x0: {  	(pc) =	sbr.rel $0x88, $3  }
0x1: {  	(tag) =	ssettag $0x0;
	lr =	simm.s32 $0x1  }
0x2: {  	[smem:$0x3F94] =	sst lr;
	_ =	strace $0xD0000000  }
0x3: {  	_ = 	snop  }
0x4: {  	_ = 	snop  }
0x5: {  	_ = 	snop  }
0x6: {  	_ = 	snop  }
0x7: {  	_ = 	snop  }
__scs_overlays_trampoline_lowered:
0x8: {  	[smem:$0x3FA3] =	sst s0  }
0x9: {  	[smem:$0x3FA4] =	sst s1  }
0xa: {  	[smem:$0x3FA5] =	sst s2  }
0xb: {  	[smem:$0x3FA6] =	sst s3  }
0xc: {  	[smem:$0x3FA7] =	sst s4  }
0xd: {  	[smem:$0x3FA8] =	sst s5  }
0xe: {  	[smem:$0x3FA9] =	sst s6  }
0xf: {  	[smem:$0x3FAA] =	sst s7  }
0x10: {  	[smem:$0x3FAB] =	sst s8  }
0x11: {  	[smem:$0x3FAC] =	sst s9;
	s0 =	simm.s32 @!p0 $0x0  }
0x12: {  	s1 =	sld [smem:$0x3F92];
	s0 =	simm.s32 @p0 $0x1  }
0x13: {  	[smem:$0x3FAD] =	sst s0;
	s0 =	simm.s32 @!p1 $0x0  }
0x14: {  	s2 =	sld [smem:$0x3F91];
	s0 =	simm.s32 @p1 $0x1  }
0x15: {  	[smem:$0x3FAE] =	sst s0;
	s0 =	simm.s32 @!p2 $0x0  }
0x16: {  	s3 =	sld [smem:$0x3FDB];
	s0 =	simm.s32 @p2 $0x1  }
0x17: {  	s4 =	simm.s32 $0x1BF5;
	[smem:$0x3FB0] =	sst s0  }
0x18: {  	s0 =	sld [smem:$0x3F93];
	_ =	swait.ge [sflag:s4], $0x0  }
0x19: {  	s7 =	sld [smem:$0x3F94]  }
0x1a: {  	s8 =	sadd.s32 $0xFFFFE003, lr  }
0x1b: {  	s9 =	sadd.s32 $0xFFFFFEF7, lr;
	s5 =	simm.s32 $0xFFFFFFFF;
	p2 =	slt.u32 s8, $0xFFFFF086  }
0x1c: {  	p1 =	slt.u32 s9, $0xF7A;
	s5 =	simm.s32 @!p2 $0x0  }
0x1d: {  	s5 =	simm.s32 @p1 $0x1;
	p0 =	seq.s32 s7, s2  }
0x1e: {  	s7 =	smul.u32 @!p0 $0xF7A, s2;
	p2 =	seq.s32 @!p0 s5, $0x0  }
0x1f: {  	s9 =	smul.u32 $0xF7A, s1;
	s8 =	simm.s32 @!p0 $0x1BF5;
	p2 =	por !p2, p0  }
0x20: {  	[sflag:s8] =	ssyncset.s32 @!p0 $0xFFFFF086;
	s6 =	sadd.s32 @!p0 s3, s7;
	s7 =	simm.s32 @!p0 $0x108  }
0x21: {  	s3 =	sadd.s32 s3, s9;
	s6 =	sadd.s32 @!p0 $0x88, s6;
	s7 =	simm.s32 @p2 $0x1082  }
0x22: {  	[simem:s7], [sflag:s8] =	dma.local @!p0 [hbm:s6], $0xF7A  }
0x23: {  	s9 =	sor.u32 $0xD0000000, s2;
	s6 =	simm.s32 $0x108;
	_ =	swait.ge @!p0 [sflag:s8], $0x0  }
0x24: {  	s3 =	sadd.s32 $0x88, s3;
	s6 =	simm.s32 @!p1 $0x1082;
	[sflag:s4] =	ssyncset.s32 $0xFFFFF086  }
0x25: {  	[simem:s6], [sflag:s4] =	dma.local [hbm:s3], $0xF7A  }
0x26: {  	[smem:$0x3F94] =	sst s1;
	(tag) =	ssettag s2;
	_ =	strace s9  }
0x27: {  	s1 =	sld [smem:$0x3FA4]  }
0x28: {  	s2 =	sld [smem:$0x3FA5]  }
0x29: {  	s4 =	sld [smem:$0x3FA7]  }
0x2a: {  	p0 =	seq.s32 s5, $0x0;
	s5 =	sld [smem:$0x3FA8]  }
0x2b: {  	s6 =	sld [smem:$0x3FA9]  }
0x2c: {  	s7 =	sld [smem:$0x3FAA]  }
0x2d: {  	s3 =	simm.s32 $0x108;
	s8 =	sld [smem:$0x3FAB]  }
0x2e: {  	s3 =	simm.s32 @!p0 $0x1082;
	s9 =	sld [smem:$0x3FAC]  }
0x2f: {  	lr =	sadd.s32 s0, s3;
	s0 =	sld [smem:$0x3FA3]  }
0x30: {  	s3 =	sld [smem:$0x3FA6]  }
0x31: {  	[smem:$0x3FAF] =	sst s10  }
0x32: {  	s10 =	sld [smem:$0x3FAD];
	_ =	sdelay $0x3  }
0x33: {  	p0 =	seq.s32 s10, $0x1;
	s10 =	sld [smem:$0x3FAF];
	_ =	sdelay $0x3  }
0x34: {  	[smem:$0x3FAF] =	sst s10  }
0x35: {  	s10 =	sld [smem:$0x3FAE];
	_ =	sdelay $0x3  }
0x36: {  	p1 =	seq.s32 s10, $0x1;
	s10 =	sld [smem:$0x3FAF];
	_ =	sdelay $0x3  }
0x37: {  	[smem:$0x3FAF] =	sst s10  }
0x38: {  	s10 =	sld [smem:$0x3FB0]  }
0x39: {  	_ = 	snop;
	(pc) =	sbr.ind lr, $3  }
0x3a: {  	_ = 	snop  }
0x3b: {  	_ = 	snop  }
0x3c: {  	p2 =	seq.s32 s10, $0x1;
	s10 =	sld [smem:$0x3FAF]  }
0x3d: {  	_ =	shalt  }
0x3e: {  	_ =	shalt  }
0x3f: {  	_ =	shalt  }
0x40: {  	_ =	shalt  }
0x41: {  	_ =	shalt  }
0x42: {  	_ =	shalt  }
0x43: {  	_ =	shalt  }
0x44: {  	_ =	shalt  }
0x45: {  	_ =	shalt  }
0x46: {  	_ =	shalt  }
0x47: {  	_ =	shalt  }
0x48: {  	_ =	shalt  }
0x49: {  	_ =	shalt  }
0x4a: {  	_ =	shalt  }
0x4b: {  	_ =	shalt  }
0x4c: {  	_ =	shalt  }
0x4d: {  	_ =	shalt  }
0x4e: {  	_ =	shalt  }
0x4f: {  	_ =	shalt  }
0x50: {  	_ =	shalt  }
0x51: {  	_ =	shalt  }
0x52: {  	_ =	shalt  }
0x53: {  	_ =	shalt  }
0x54: {  	_ =	shalt  }
0x55: {  	_ =	shalt  }
0x56: {  	_ =	shalt  }
0x57: {  	_ =	shalt  }
0x58: {  	_ =	shalt  }
0x59: {  	_ =	shalt  }
0x5a: {  	_ =	shalt  }
0x5b: {  	_ =	shalt  }
0x5c: {  	_ =	shalt  }
0x5d: {  	_ =	shalt  }
0x5e: {  	_ =	shalt  }
0x5f: {  	_ =	shalt  }
0x60: {  	_ =	shalt  }
0x61: {  	_ =	shalt  }
0x62: {  	_ =	shalt  }
0x63: {  	_ =	shalt  }
0x64: {  	_ =	shalt  }
0x65: {  	_ =	shalt  }
0x66: {  	_ =	shalt  }
0x67: {  	_ =	shalt  }
0x68: {  	_ =	shalt  }
0x69: {  	_ =	shalt  }
0x6a: {  	_ =	shalt  }
0x6b: {  	_ =	shalt  }
0x6c: {  	_ =	shalt  }
0x6d: {  	_ =	shalt  }
0x6e: {  	_ =	shalt  }
0x6f: {  	_ =	shalt  }
0x70: {  	_ =	shalt  }
0x71: {  	_ =	shalt  }
0x72: {  	_ =	shalt  }
0x73: {  	_ =	shalt  }
0x74: {  	_ =	shalt  }
0x75: {  	_ =	shalt  }
0x76: {  	_ =	shalt  }
0x77: {  	_ =	shalt  }
0x78: {  	_ =	shalt  }
0x79: {  	_ =	shalt  }
0x7a: {  	_ =	shalt  }
0x7b: {  	_ =	shalt  }
0x7c: {  	_ =	shalt  }
0x7d: {  	_ =	shalt  }
0x7e: {  	_ =	shalt  }
0x7f: {  	_ =	shalt  }
0x80: {  	_ =	shalt  }
0x81: {  	_ =	shalt  }
0x82: {  	_ =	shalt  }
0x83: {  	_ =	shalt  }
0x84: {  	_ =	shalt  }
0x85: {  	_ =	shalt  }
0x86: {  	_ =	shalt  }
0x87: {  	_ =	shalt  }
.Lfunc_end0:
.L_simem_size_0:
called_computation_lowered:
.L_overlay_start_0:
0x88: {  	s2 =	sld [smem:$0x3FD9]  }
0x89: {  	s3 =	sld [smem:$0x3FFE];
	_ =	sdelay $0x1  }
0x8a: {  	s1 =	srdreg.scid  }
0x8b: {  	s0 =	sand.u32 $0x1, s1  }
0x8c: {  	s17 =	sshll.u32 s0, $0xA;
	s2 =	sadd.s32 s3, s2  }
0x8d: {  	s2 =	sadd.s32 s2, s17  }
0x8e: {  	[smem:$0x3FBB] =	sst s2  }
0x8f: {  	_ = 	snop  }
0x90: {  	s2 =	sld [smem:$0x3FD0];
	(tm) =	ssettm $0x1  }
0x91: {  	s18 =	sld [smem:$0x3FFB];
	_ =	sdelay $0x3  }
0x92: {  	_ =	strace s18  }
0x93: {  	s3 =	sld [smem:$0x3FFC];
	_ =	sdelay $0x3  }
0x94: {  	_ =	strace s3  }
0x95: {  	s3 =	sld [smem:$0x3FFD];
	_ =	sdelay $0x3  }
0x96: {  	_ =	strace s3  }
0x97: {  	_ =	strace $0x8FFFFFFF  }
0x98: {  	s19 =	sld [smem:$0x3FDB];
	_ =	sdelay $0x1  }
0x99: {  	s4 =	simm.s32 $_scs_section_size  }
0x9a: {  	s5 =	simm.s32 $_size__tile_overlayer_lowered;
	s6 =	simm.s32 $_tile_overlayer_lowered  }
0x9b: {  	s22 =	simm.s32 $0x1BFF;
	s21 =	sshll.u32 s6, $0x1;
	s3 =	sadd.s32 s4, s19  }
0x9c: {  	s7 =	simm.s32 $0x0;
	s20 =	sshll.u32 s5, $0x1;
	s5 =	sadd.s32 s21, s3  }
0x9d: {  	[timem:s7], [sflag:s22] =	dma.local [hbm:s5], s20  }
0x9e: {  	_ =	swait.ge [sflag:s22], s20  }
0x9f: {  	s4 =	ssub.s32 $0x0, s20;
	[sflag:s22] =	ssyncset.done $0x0  }
0xa0: {  	[sflag:s22] =	ssyncadd.s32 s4;
	_ =	sdelay $0x1  }
0xa1: {  	s23 =	simm.s32 $0x1B8B  }
0xa2: {  	_ =	swait.ge [sflag:s23], $0x1  }
0xa3: {  	[sflag:s23] =	ssyncset.done $0x0  }
0xa4: {  	s25 =	simm.s32 $0x1B8E;
	s24 =	sld [smem:$0x3FFE];
	[sflag:s23] =	ssyncadd.s32 $0xFFFFFFFF  }
0xa5: {  	s26 =	simm.s32 $execute0_lowered;
	[smem:$0x3FD2] =	sst s25  }
0xa6: {  	s5 =	sshll.u32 s26, $0x1;
	_ =	strace $0x80000046;
	[dreg:$0x1] =	wrdreg $0xFFFFFFFF  }
0xa7: {  	s28 =	simm.s32 $_size_execute0_lowered;
	s3 =	sadd.s32 s3, s5;
	[dreg:$0x0] =	wrdreg $0x0  }
0xa8: {  	s5 =	sshll.u32 s28, $0x1;
	[dreg:$0x2] =	wrdreg s3  }
0xa9: {  	[dreg:$0x3] =	wrdreg s5  }
0xaa: {  	[dreg:$0x4] =	wrdreg $0xC0  }
0xab: {  	_ =	task [dreg:s7], $0x5FFFF  }
0xac: {  	[dreg:$0x1] =	wrdreg $0xFFFFFFFF  }
0xad: {  	[dreg:$0x0] =	wrdreg $0x60  }
0xae: {  	[dreg:$0x2] =	wrdreg s2  }
0xaf: {  	[dreg:$0x3] =	wrdreg s24  }
0xb0: {  	[dreg:$0x4] =	wrdreg $0x62200  }
0xb1: {  	[dreg:$0x5] =	wrdreg $0x9  }
0xb2: {  	_ =	task.clear_ibuf [dreg:s7], $0x6FFFF;
	_ =	strace $0x90000046  }
0xb3: {  	s29 =	simm.s32 $0x9;
	_ =	strace $0x80000048  }
0xb4: {  	_ =	swait.ge [sflag:s29], $0x1  }
0xb5: {  	[sflag:s29] =	ssyncadd.s32 $0xFFFFFFFF  }
0xb6: {  	_ =	strace $0x90000048  }
0xb7: {  	_ =	sfence  }
0xb8: {  	s30 =	sld [smem:$0x0];
	_ =	sdelay $0x2  }
0xb9: {  	s31 =	sshll.u32 s1, $0xD;
	s1 =	sshrl.u32 s1, $0x2  }
0xba: {  	s3 =	sand.u32 $0x4000, s31;
	s1 =	sadd.s32 s1, s30  }
0xbb: {  	s0 =	sor.u32 s3, s0;
	s1 =	sshll.u32 s1, $0x11  }
0xbc: {  	s0 =	sor.u32 s1, s0  }
0xbd: {  	s0 =	sadd.s32 $0x8F2B, s0  }
0xbe: {  	[sflag:s0] =	ssyncadd.remote.s32 $0x1  }
0xbf: {  	_ =	sfence.sel $0xFFFF  }
0xc0: {  	[dreg:$0x0] =	wrdreg $0xFFFFFFFF;
	(pc) =	sbr.abs _section_cstart, $3  }
0xc1: {  	[dreg:$0x1] =	wrdreg $0xFFFFFFFF  }
0xc2: {  	_ =	task.clear_ibuf [dreg:s7], $0x2FFFF;
	_ =	strace $0x9FFFFFFF  }
0xc3: {  	(tm) =	ssettm $0x7FFFFFFF  }
tec
execute0_lowered:
.L_overlay_start_1:
0x0: {  	(tag) =	ssettag $0x1  }
0x1: {  	s0 =	srdreg.scid  }
0x2: {  	s2 =	rddreg [dreg:$0x1];
	s29 =	stileid.u32;
	s1 =	simm.s32 $0x0  }
0x3: {  	s4 =	sand.u32 $0x1, s0;
	s3 =	smul.u32 $0x15F90, s29;
	[smem:$0x7FF] =	sst s1  }
0x4: {  	s15 =	sadd.s32 $0x2400, s2;
	s0 =	ssub.s32 $0x2, s4;
	s17 =	smul.u32 $0x15F900, s4  }
0x5: {  	s4 =	sshll.u32 s4, $0x4;
	s5 =	sshrl.u32 s0, $0x1;
	s6 =	sadd.s32 $0x2D00, s3  }
0x6: {  	s7 =	sadd.s32 $0x4380, s3;
	s8 =	sadd.s32 $0x5A00, s3;
	s9 =	sadd.s32 $0x7080, s3  }
0x7: {  	s10 =	sadd.s32 $0x8700, s3;
	s11 =	sadd.s32 $0x9D80, s3;
	s12 =	sadd.s32 $0xB400, s3  }
0x8: {  	s13 =	sadd.s32 $0xCA80, s3;
	s28 =	sadd.s32 $0x15180, s3;
	s0 =	ssub.s32 s0, s5  }
0x9: {  	s5 =	sadd.s32 $0x1680, s3;
	s14 =	sadd.s32 s3, s17;
	s20 =	sadd.s32 s17, s7  }
0xa: {  	s19 =	sadd.s32 s17, s8;
	s23 =	sadd.s32 s17, s9;
	s24 =	sadd.s32 s17, s10  }
0xb: {  	s25 =	sadd.s32 s17, s11;
	s16 =	sadd.s32 s17, s5;
	s18 =	sshrl.u32 s14, $0x3  }
0xc: {  	s14 =	sadd.s32 $0xE100, s3;
	s19 =	sshrl.u32 s19, $0x3;
	s0 =	smax.u32 s0, $0x1  }
0xd: {  	s16 =	sshrl.u32 s16, $0x3;
	s18 =	sadd.s32 s15, s18;
	s22 =	sadd.s32 s15, s19  }
0xe: {  	[dreg:$0x4] =	wrdreg s18;
	s16 =	sadd.s32 s15, s16;
	s18 =	sadd.s32 s17, s6  }
0xf: {  	s19 =	sshrl.u32 s25, $0x3;
	[dreg:$0x5] =	wrdreg s16;
	s16 =	sshrl.u32 s18, $0x3  }
0x10: {  	[dreg:$0x8] =	wrdreg s22;
	s18 =	sshrl.u32 s20, $0x3;
	s16 =	sadd.s32 s15, s16  }
0x11: {  	s25 =	sadd.s32 $0x12480, s3;
	s21 =	sadd.s32 s15, s18;
	[dreg:$0x6] =	wrdreg s16  }
0x12: {  	s20 =	sadd.s32 s17, s13;
	s18 =	sshrl.u32 s24, $0x3;
	[dreg:$0x7] =	wrdreg s21  }
0x13: {  	s16 =	sshrl.u32 s23, $0x3;
	s26 =	sadd.s32 s15, s18;
	s18 =	sadd.s32 s15, s19  }
0x14: {  	s19 =	sadd.s32 s17, s12;
	s21 =	sadd.s32 s17, s14;
	[dreg:$0xa] =	wrdreg s26  }
0x15: {  	s16 =	sadd.s32 s15, s16;
	[dreg:$0xb] =	wrdreg s18;
	s18 =	sshrl.u32 s20, $0x3  }
0x16: {  	s20 =	sadd.s32 $0x10E00, s3;
	[dreg:$0x9] =	wrdreg s16;
	s16 =	sshrl.u32 s19, $0x3  }
0x17: {  	s19 =	sshrl.u32 s21, $0x3;
	s22 =	sadd.s32 s15, s18;
	s26 =	sadd.s32 s17, s20  }
0x18: {  	s21 =	sadd.s32 s17, s25;
	s16 =	sadd.s32 s15, s16;
	[dreg:$0xd] =	wrdreg s22  }
0x19: {  	s23 =	sadd.s32 s15, s19;
	s19 =	sadd.s32 $0xF780, s3;
	[dreg:$0xc] =	wrdreg s16  }
0x1a: {  	s18 =	sshrl.u32 s26, $0x3;
	s21 =	sshrl.u32 s21, $0x3;
	[dreg:$0xe] =	wrdreg s23  }
0x1b: {  	s26 =	sadd.s32 $0x13B00, s3;
	s22 =	sadd.s32 s15, s18;
	s18 =	rddreg [dreg:$0x2]  }
0x1c: {  	s24 =	sadd.s32 s17, s19;
	s23 =	sadd.s32 s15, s21;
	[dreg:$0x10] =	wrdreg s22  }
0x1d: {  	s16 =	sshrl.u32 s24, $0x3;
	[dreg:$0x11] =	wrdreg s23;
	s24 =	sadd.s32 s17, s26  }
0x1e: {  	s17 =	sadd.s32 s17, s28;
	s22 =	sadd.s32 $0x51F200, s2;
	s16 =	sadd.s32 s15, s16  }
0x1f: {  	s23 =	sadd.s32 $0x4EE200, s2;
	s21 =	sshrl.u32 s24, $0x3;
	[dreg:$0xf] =	wrdreg s16  }
0x20: {  	s17 =	sshrl.u32 s17, $0x3;
	s16 =	rddreg [dreg:$0x0];
	s21 =	sadd.s32 s15, s21  }
0x21: {  	s3 =	sadd.s32 s3, s18;
	s15 =	sadd.s32 s15, s17;
	[dreg:$0x12] =	wrdreg s21  }
0x22: {  	s30 =	sadd.s32 s8, s18;
	s10 =	sadd.s32 s10, s18;
	[dreg:$0x13] =	wrdreg s15  }
0x23: {  	s11 =	sadd.s32 s11, s18;
	_ =	strace $0x80000047;
	[dreg:$0x15] =	wrdreg s10  }
0x24: {  	s31 =	sadd.s32 s9, s18;
	s12 =	sadd.s32 s12, s18;
	[dreg:$0x16] =	wrdreg s11  }
0x25: {  	s13 =	sadd.s32 s13, s18;
	s19 =	sadd.s32 s19, s18;
	[dreg:$0x17] =	wrdreg s12  }
0x26: {  	s20 =	sadd.s32 s20, s18;
	s15 =	sadd.s32 s14, s18;
	[dreg:$0x18] =	wrdreg s13  }
0x27: {  	s25 =	sadd.s32 s25, s18;
	s26 =	sadd.s32 s26, s18;
	[dreg:$0x19] =	wrdreg s15  }
0x28: {  	s28 =	sadd.s32 s28, s18;
	s24 =	sadd.s32 $0x4E4400, s2;
	[dreg:$0x1a] =	wrdreg s19  }
0x29: {  	s17 =	sadd.s32 s6, s18;
	s21 =	sadd.s32 $0x4F8000, s2;
	[dreg:$0x1b] =	wrdreg s20  }
0x2a: {  	s2 =	sor.u32 s29, s4;
	s4 =	sadd.s32 s5, s18;
	[dreg:$0x1c] =	wrdreg s25  }
0x2b: {  	s29 =	sadd.s32 s7, s18;
	s14 =	simm.s32 $0x7D0;
	[dreg:$0x1d] =	wrdreg s26  }
0x2c: {  	s10 =	smul.u32 $0x2710, s2;
	[dreg:$0x1f] =	wrdreg s0;
	s12 =	simm.s32 $0x4BA0  }
0x2d: {  	s13 =	simm.s32 $0x2;
	s15 =	simm.s32 $0x28;
	s19 =	simm.s32 $0xFA0  }
0x2e: {  	v0 =	vimm.f32 $0.0e+00;
	vm0 =	vcmask $0x300;
	s20 =	simm.s32 $0x23A0;
	s11 =	simm.s32 $0x37A0;
	[dreg:$0x14] =	wrdreg s31  }
0x2f: {  	v1 =	vsel vm0, $0x3F800000, v0;
	s25 =	simm.s32 $0x1;
	s26 =	simm.s32 $0x0;
	[dreg:$0x1e] =	wrdreg s28  }
.LBB2_1:
0x30: {  	s0 =	simm.s32 $0x0;
	s2 =	simm.s32 $0x240  }
.LBB2_2:
0x31: {  	p0 =	sne.s32 s2, $0x57C0;
	[tilespmem:s0+$0x4C20] =	vst v0  }
0x32: {  	[tilespmem:s0+$0x4BA0] =	vst v0  }
0x33: {  	[tilespmem:s0+$0x4BB0] =	vst v0  }
0x34: {  	[tilespmem:s0+$0x4BC0] =	vst v0  }
.Ltmp0:
0x35: {  	[tilespmem:s0+$0x4BD0] =	vst v0;
	(pc) =	sbr.rel @p0 .LBB2_2-.Ltmp0, $4  }
0x36: {  	[tilespmem:s0+$0x4BE0] =	vst v0  }
0x37: {  	[tilespmem:s0+$0x4BF0] =	vst v0  }
0x38: {  	[tilespmem:s0+$0x4C00] =	vst v0  }
0x39: {  	[tilespmem:s0+$0x4C10] =	vst v0;
	s0 =	sshra.s32 s2, $0x2;
	s2 =	sadd.s32 $0x240, s2  }
0x3a: {  	[tilespmem:s0+$0x4C20] =	vst v0  }
0x3b: {  	[tilespmem:s0+$0x4BA0] =	vst v0  }
0x3c: {  	[tilespmem:s0+$0x4BB0] =	vst v0  }
0x3d: {  	[tilespmem:s0+$0x4BC0] =	vst v0  }
0x3e: {  	[tilespmem:s0+$0x4BD0] =	vst v0  }
0x3f: {  	[tilespmem:s0+$0x4BE0] =	vst v0  }
0x40: {  	[tilespmem:s0+$0x4BF0] =	vst v0  }
0x41: {  	[tilespmem:s0+$0x4C00] =	vst v0  }
0x42: {  	[tilespmem:s0+$0x4C10] =	vst v0  }
0x43: {  	[spmem:s3] =	stream.linear.scatter [tilespmem:s12], [sflag:$0x2], $0x1680, $0x38;
	[tilespmem:$0x1C1B0] =	vst v63  }
0x44: {  	_ =	swait.ge [sflag:s13], $0x1680  }
0x45: {  	[sflag:s13] =	ssyncset.done $0x0  }
0x46: {  	[sflag:s13] =	ssyncadd.s32 $0xFFFFE980  }
0x47: {  	[spmem:s4] =	stream.linear.scatter [tilespmem:s12], [sflag:$0x2], $0x1680, $0x38;
	[tilespmem:$0x1C1B0] =	vst v63  }
0x48: {  	_ =	swait.ge [sflag:s13], $0x1680  }
0x49: {  	[sflag:s13] =	ssyncset.done $0x0  }
0x4a: {  	[sflag:s13] =	ssyncadd.s32 $0xFFFFE980  }
0x4b: {  	[spmem:s17] =	stream.linear.scatter [tilespmem:s12], [sflag:$0x2], $0x1680, $0x38;
	[tilespmem:$0x1C1B0] =	vst v63  }
0x4c: {  	_ =	swait.ge [sflag:s13], $0x1680  }
0x4d: {  	[sflag:s13] =	ssyncset.done $0x0  }
0x4e: {  	[sflag:s13] =	ssyncadd.s32 $0xFFFFE980  }
0x4f: {  	[spmem:s29] =	stream.linear.scatter [tilespmem:s12], [sflag:$0x2], $0x1680, $0x38;
	[tilespmem:$0x1C1B0] =	vst v63  }
0x50: {  	_ =	swait.ge [sflag:s13], $0x1680  }
0x51: {  	[sflag:s13] =	ssyncset.done $0x0  }
0x52: {  	[sflag:s13] =	ssyncadd.s32 $0xFFFFE980  }
0x53: {  	[spmem:s30] =	stream.linear.scatter [tilespmem:s12], [sflag:$0x2], $0x1680, $0x38;
	[tilespmem:$0x1C1B0] =	vst v63  }
0x54: {  	_ =	swait.ge [sflag:s13], $0x1680  }
0x55: {  	[sflag:s13] =	ssyncset.done $0x0  }
0x56: {  	[sflag:s13] =	ssyncadd.s32 $0xFFFFE980  }
0x57: {  	[spmem:s31] =	stream.linear.scatter [tilespmem:s12], [sflag:$0x2], $0x1680, $0x38;
	[tilespmem:$0x1C1B0] =	vst v63  }
0x58: {  	_ =	swait.ge [sflag:s13], $0x1680  }
0x59: {  	[sflag:s13] =	ssyncset.done $0x0  }
0x5a: {  	s7 =	smov.u32 s17;
	s17 =	rddreg [dreg:$0x15];
	[sflag:s13] =	ssyncadd.s32 $0xFFFFE980  }
0x5b: {  	[spmem:s17] =	stream.linear.scatter [tilespmem:s12], [sflag:$0x2], $0x1680, $0x38;
	[tilespmem:$0x1C1B0] =	vst v63  }
0x5c: {  	_ =	swait.ge [sflag:s13], $0x1680  }
0x5d: {  	[sflag:s13] =	ssyncset.done $0x0  }
0x5e: {  	s9 =	smov.u32 s30;
	s30 =	rddreg [dreg:$0x16];
	[sflag:s13] =	ssyncadd.s32 $0xFFFFE980  }
0x5f: {  	[spmem:s30] =	stream.linear.scatter [tilespmem:s12], [sflag:$0x2], $0x1680, $0x38;
	[tilespmem:$0x1C1B0] =	vst v63  }
0x60: {  	_ =	swait.ge [sflag:s13], $0x1680  }
0x61: {  	[sflag:s13] =	ssyncset.done $0x0  }
0x62: {  	s31 =	rddreg [dreg:$0x17];
	[sflag:s13] =	ssyncadd.s32 $0xFFFFE980  }
0x63: {  	[spmem:s31] =	stream.linear.scatter [tilespmem:s12], [sflag:$0x2], $0x1680, $0x38;
	[tilespmem:$0x1C1B0] =	vst v63  }
0x64: {  	_ =	swait.ge [sflag:s13], $0x1680  }
0x65: {  	[sflag:s13] =	ssyncset.done $0x0  }
0x66: {  	s2 =	rddreg [dreg:$0x18];
	[sflag:s13] =	ssyncadd.s32 $0xFFFFE980  }
0x67: {  	[spmem:s2] =	stream.linear.scatter [tilespmem:s12], [sflag:$0x2], $0x1680, $0x38;
	[tilespmem:$0x1C1B0] =	vst v63  }
0x68: {  	_ =	swait.ge [sflag:s13], $0x1680  }
0x69: {  	[sflag:s13] =	ssyncset.done $0x0  }
0x6a: {  	s5 =	smov.u32 s3;
	s3 =	rddreg [dreg:$0x19];
	[sflag:s13] =	ssyncadd.s32 $0xFFFFE980  }
0x6b: {  	[spmem:s3] =	stream.linear.scatter [tilespmem:s12], [sflag:$0x2], $0x1680, $0x38;
	[tilespmem:$0x1C1B0] =	vst v63  }
0x6c: {  	_ =	swait.ge [sflag:s13], $0x1680  }
0x6d: {  	[sflag:s13] =	ssyncset.done $0x0  }
0x6e: {  	s6 =	smov.u32 s4;
	s4 =	rddreg [dreg:$0x1a];
	[sflag:s13] =	ssyncadd.s32 $0xFFFFE980  }
0x6f: {  	[spmem:s4] =	stream.linear.scatter [tilespmem:s12], [sflag:$0x2], $0x1680, $0x38;
	[tilespmem:$0x1C1B0] =	vst v63  }
0x70: {  	_ =	swait.ge [sflag:s13], $0x1680  }
0x71: {  	[sflag:s13] =	ssyncset.done $0x0  }
0x72: {  	s17 =	rddreg [dreg:$0x1b];
	[sflag:s13] =	ssyncadd.s32 $0xFFFFE980  }
0x73: {  	[spmem:s17] =	stream.linear.scatter [tilespmem:s12], [sflag:$0x2], $0x1680, $0x38;
	[tilespmem:$0x1C1B0] =	vst v63  }
0x74: {  	_ =	swait.ge [sflag:s13], $0x1680  }
0x75: {  	[sflag:s13] =	ssyncset.done $0x0  }
0x76: {  	s30 =	rddreg [dreg:$0x1c];
	[sflag:s13] =	ssyncadd.s32 $0xFFFFE980  }
0x77: {  	[spmem:s30] =	stream.linear.scatter [tilespmem:s12], [sflag:$0x2], $0x1680, $0x38;
	[tilespmem:$0x1C1B0] =	vst v63  }
0x78: {  	_ =	swait.ge [sflag:s13], $0x1680  }
0x79: {  	[sflag:s13] =	ssyncset.done $0x0  }
0x7a: {  	s31 =	rddreg [dreg:$0x1d];
	[sflag:s13] =	ssyncadd.s32 $0xFFFFE980  }
0x7b: {  	[spmem:s31] =	stream.linear.scatter [tilespmem:s12], [sflag:$0x2], $0x1680, $0x38;
	[tilespmem:$0x1C1B0] =	vst v63  }
0x7c: {  	_ =	swait.ge [sflag:s13], $0x1680  }
0x7d: {  	[sflag:s13] =	ssyncset.done $0x0  }
0x7e: {  	[sflag:s13] =	ssyncadd.s32 $0xFFFFE980  }
0x7f: {  	[spmem:s28] =	stream.linear.scatter [tilespmem:s12], [sflag:$0x2], $0xE10, $0x38;
	[tilespmem:$0x1C1B0] =	vst v63  }
0x80: {  	_ =	swait.ge [sflag:s13], $0xE10  }
0x81: {  	[sflag:s13] =	ssyncset.done $0x0  }
0x82: {  	[sflag:s13] =	ssyncadd.s32 $0xFFFFF1F0  }
0x83: {  	[tilespmem:$0x4C20] =	vst v1  }
0x84: {  	[tilespmem:$0x4CB0] =	vst v1  }
0x85: {  	[tilespmem:$0x4D40] =	vst v1  }
0x86: {  	[tilespmem:$0x4DD0] =	vst v1  }
0x87: {  	[tilespmem:$0x4E60] =	vst v1  }
0x88: {  	[tilespmem:$0x4EF0] =	vst v1  }
0x89: {  	[tilespmem:$0x4F80] =	vst v1  }
0x8a: {  	[tilespmem:$0x5010] =	vst v1  }
0x8b: {  	[tilespmem:$0x50A0] =	vst v1  }
0x8c: {  	[tilespmem:$0x5130] =	vst v1  }
0x8d: {  	[tilespmem:$0x51C0] =	vst v1  }
0x8e: {  	[tilespmem:$0x5250] =	vst v1  }
0x8f: {  	[tilespmem:$0x52E0] =	vst v1  }
0x90: {  	[tilespmem:$0x5370] =	vst v1  }
0x91: {  	[tilespmem:$0x5400] =	vst v1  }
0x92: {  	[tilespmem:$0x5490] =	vst v1  }
0x93: {  	[tilespmem:$0x5520] =	vst v1  }
0x94: {  	[tilespmem:$0x55B0] =	vst v1  }
0x95: {  	[tilespmem:$0x5640] =	vst v1  }
0x96: {  	[tilespmem:$0x56D0] =	vst v1  }
0x97: {  	[tilespmem:$0x5760] =	vst v1  }
0x98: {  	[tilespmem:$0x57F0] =	vst v1  }
0x99: {  	[tilespmem:$0x5880] =	vst v1  }
0x9a: {  	[tilespmem:$0x5910] =	vst v1  }
0x9b: {  	[tilespmem:$0x59A0] =	vst v1  }
0x9c: {  	[tilespmem:$0x5A30] =	vst v1  }
0x9d: {  	[tilespmem:$0x5AC0] =	vst v1  }
0x9e: {  	[tilespmem:$0x5B50] =	vst v1  }
0x9f: {  	[tilespmem:$0x5BE0] =	vst v1  }
0xa0: {  	[tilespmem:$0x5C70] =	vst v1  }
0xa1: {  	[tilespmem:$0x5D00] =	vst v1  }
0xa2: {  	[tilespmem:$0x5D90] =	vst v1  }
0xa3: {  	[tilespmem:$0x5E20] =	vst v1  }
0xa4: {  	[tilespmem:$0x5EB0] =	vst v1  }
0xa5: {  	[tilespmem:$0x5F40] =	vst v1  }
0xa6: {  	[tilespmem:$0x5FD0] =	vst v1  }
0xa7: {  	[tilespmem:$0x6060] =	vst v1  }
0xa8: {  	[tilespmem:$0x60F0] =	vst v1  }
0xa9: {  	[tilespmem:$0x6180] =	vst v1  }
0xaa: {  	s8 =	smov.u32 s29;
	[tilespmem:$0x6210] =	vst v1  }
0xab: {  	s29 =	simm.s32 $0x0;
	s28 =	simm.s32 $0x0;
	[bflag:$0x0] =	sbarrier.arrive $0xFFFF  }
.LBB2_4:
0xac: {  	s0 =	smul.u32 $0x7D0, s29;
	_ =	sdelay $0x1  }
0xad: {  	s0 =	sadd.s32 s10, s0  }
0xae: {  	s0 =	sshrl.u32 s0, $0x3  }
0xaf: {  	s2 =	sadd.s32 s23, s0  }
0xb0: {  	[tilespmem:s28], [sflag:$0x2] =	stream.linear.gather [hbm4b:s2+s28], $0x7D0, $0x38;
	[tilespmem:$0x1C1B0] =	vst v63  }
0xb1: {  	_ =	swait.ge [sflag:s13], $0x7D0  }
0xb2: {  	[sflag:s13] =	ssyncset.done $0x0  }
0xb3: {  	s0 =	sadd.s32 s24, s0;
	[sflag:s13] =	ssyncadd.s32 $0xFFFFF830  }
0xb4: {  	[tilespmem:s14], [sflag:$0x2] =	stream.linear.gather [hbm4b:s0+s28], $0x7D0, $0x38;
	[tilespmem:$0x1C1B0] =	vst v63  }
0xb5: {  	_ =	swait.ge [sflag:s13], $0x7D0  }
0xb6: {  	[sflag:s13] =	ssyncset.done $0x0  }
0xb7: {  	s30 =	smul.u32 $0x32, s29;
	s31 =	simm.s32 $0x0;
	[sflag:s13] =	ssyncadd.s32 $0xFFFFF830  }
.LBB2_5:
0xb8: {  	s0 =	smul.u32 $0x28, s31  }
0xb9: {  	s2 =	sadd.s32 s30, s31  }
0xba: {  	[tilespmem:s19], [sflag:$0x1] =	stream.indirect.gather [hbm4b:s16+s15], $0x80, s0, s15, $0xb8;
	[tilespmem:$0x1C1B0] =	vst v63  }
0xbb: {  	s17 =	sadd.s32 $0x7D0, s0;
	s3 =	smul.u32 $0x28, s2  }
0xbc: {  	[tilespmem:s20], [sflag:$0x1] =	stream.indirect.gather [hbm4b:s21+s15], $0x80, s17, s15, $0xb8;
	[tilespmem:$0x1C1B0] =	vst v63  }
0xbd: {  	s0 =	sadd.s32 s10, s3  }
0xbe: {  	s0 =	sshll.u32 s0, $0x4  }
0xbf: {  	s4 =	simm.s32 $0x0;
	s0 =	sadd.s32 s22, s0  }
0xc0: {  	[tilespmem:s11], [sflag:$0x1] =	stream.linear.gather [hbm4b:s0+s4], $0x1400, $0x38;
	[tilespmem:$0x1C1B0] =	vst v63  }
0xc1: {  	_ =	swait.ge [sflag:s25], $0x1400  }
0xc2: {  	[sflag:s25] =	ssyncset.done $0x0  }
0xc3: {  	[sflag:s25] =	ssyncadd.s32 $0xFFFFEC00  }
0xc4: {  	_ =	swait.ge [sflag:s25], $0x1400  }
0xc5: {  	[sflag:s25] =	ssyncset.done $0x0  }
0xc6: {  	[sflag:s25] =	ssyncadd.s32 $0xFFFFEC00  }
0xc7: {  	_ =	swait.ge [sflag:s25], $0x1400  }
0xc8: {  	[sflag:s25] =	ssyncset.done $0x0  }
0xc9: {  	s2 =	simm.s32 $0x0;
	[sflag:s25] =	ssyncadd.s32 $0xFFFFEC00  }
0xca: {  	v2 =	vld [tilespmem:s2+$0xFA0]  }
0xcb: {  	v3 =	vld [tilespmem:s2+$0x23A0];
	_ =	sdelay $0x1  }
0xcc: {  	v4 =	vld [tilespmem:s2+$0x37A0];
	_ =	sdelay $0x2  }
0xcd: {  	v2 =	vadd.f32 v3, v2;
	_ =	sdelay $0x1  }
0xce: {  	v2 =	vadd.f32 v4, v2;
	_ =	sdelay $0x1  }
0xcf: {  	s0 =	simm.s32 $0x4BE0;
	v2 =	vmax.f32 v2, $0.0e+00  }
0xd0: {  	[tilespmem:s0+$0xFFFFFFC0] =	vst v2  }
0xd1: {  	v2 =	vld [tilespmem:s2+$0xFB0]  }
0xd2: {  	v3 =	vld [tilespmem:s2+$0x23B0];
	_ =	sdelay $0x1  }
0xd3: {  	v4 =	vld [tilespmem:s2+$0x37B0];
	_ =	sdelay $0x2  }
0xd4: {  	v2 =	vadd.f32 v3, v2;
	_ =	sdelay $0x1  }
0xd5: {  	v2 =	vadd.f32 v4, v2;
	_ =	sdelay $0x1  }
0xd6: {  	v2 =	vmax.f32 v2, $0.0e+00  }
0xd7: {  	[tilespmem:s0+$0xFFFFFFD0] =	vst v2  }
0xd8: {  	v2 =	vld [tilespmem:s2+$0xFC0]  }
0xd9: {  	v3 =	vld [tilespmem:s2+$0x23C0];
	_ =	sdelay $0x1  }
0xda: {  	v4 =	vld [tilespmem:s2+$0x37C0];
	_ =	sdelay $0x2  }
0xdb: {  	v2 =	vadd.f32 v3, v2;
	_ =	sdelay $0x1  }
0xdc: {  	v2 =	vadd.f32 v4, v2;
	_ =	sdelay $0x1  }
0xdd: {  	v2 =	vmax.f32 v2, $0.0e+00  }
0xde: {  	[tilespmem:s0+$0xFFFFFFE0] =	vst v2  }
0xdf: {  	v2 =	vld [tilespmem:s2+$0xFD0]  }
0xe0: {  	v3 =	vld [tilespmem:s2+$0x23D0];
	_ =	sdelay $0x1  }
0xe1: {  	v4 =	vld [tilespmem:s2+$0x37D0];
	_ =	sdelay $0x2  }
0xe2: {  	v2 =	vadd.f32 v3, v2;
	_ =	sdelay $0x1  }
0xe3: {  	v2 =	vadd.f32 v4, v2;
	_ =	sdelay $0x1  }
0xe4: {  	v2 =	vmax.f32 v2, $0.0e+00  }
0xe5: {  	[tilespmem:s0+$0xFFFFFFF0] =	vst v2  }
0xe6: {  	v2 =	vld [tilespmem:s2+$0xFE0]  }
0xe7: {  	v3 =	vld [tilespmem:s2+$0x23E0];
	_ =	sdelay $0x1  }
0xe8: {  	v4 =	vld [tilespmem:s2+$0x37E0];
	_ =	sdelay $0x2  }
0xe9: {  	v2 =	vadd.f32 v3, v2;
	_ =	sdelay $0x1  }
0xea: {  	v2 =	vadd.f32 v4, v2;
	_ =	sdelay $0x1  }
0xeb: {  	v2 =	vmax.f32 v2, $0.0e+00  }
0xec: {  	[tilespmem:s0+$0x0] =	vst v2  }
0xed: {  	v2 =	vld [tilespmem:s2+$0xFF0]  }
0xee: {  	v3 =	vld [tilespmem:s2+$0x23F0];
	_ =	sdelay $0x1  }
0xef: {  	v4 =	vld [tilespmem:s2+$0x37F0];
	_ =	sdelay $0x2  }
0xf0: {  	v2 =	vadd.f32 v3, v2;
	_ =	sdelay $0x1  }
0xf1: {  	v2 =	vadd.f32 v4, v2;
	_ =	sdelay $0x1  }
0xf2: {  	v2 =	vmax.f32 v2, $0.0e+00  }
0xf3: {  	[tilespmem:s0+$0x10] =	vst v2  }
0xf4: {  	v2 =	vld [tilespmem:s2+$0x1000]  }
0xf5: {  	v3 =	vld [tilespmem:s2+$0x2400];
	_ =	sdelay $0x1  }
0xf6: {  	v4 =	vld [tilespmem:s2+$0x3800];
	_ =	sdelay $0x2  }
0xf7: {  	v2 =	vadd.f32 v3, v2;
	_ =	sdelay $0x1  }
0xf8: {  	v2 =	vadd.f32 v4, v2;
	_ =	sdelay $0x1  }
0xf9: {  	v2 =	vmax.f32 v2, $0.0e+00  }
0xfa: {  	[tilespmem:s0+$0x20] =	vst v2  }
0xfb: {  	v2 =	vld [tilespmem:s2+$0x1010]  }
0xfc: {  	s3 =	simm.s32 $0x4BE0;
	s4 =	simm.s32 $0x200;
	v3 =	vld [tilespmem:s2+$0x2410]  }
.LBB2_6:
0xfd: {  	p0 =	sne.s32 s4, $0x4E00  }
0xfe: {  	v4 =	vld [tilespmem:s2+$0x3810];
	s0 =	sadd.s32 $0x90, s0;
	s2 =	smov.u32 s4;
	s4 =	sadd.s32 $0x200, s4  }
0xff: {  	_ =	sdelay $0x2  }
0x100: {  	v2 =	vadd.f32 v3, v2;
	_ =	sdelay $0x1  }
0x101: {  	v2 =	vadd.f32 v4, v2;
	_ =	sdelay $0x1  }
0x102: {  	s2 =	sshra.s32 s2, $0x2;
	v2 =	vmax.f32 v2, $0.0e+00  }
0x103: {  	[tilespmem:s3+$0x30] =	vst v2;
	s3 =	smov.u32 s0  }
0x104: {  	v2 =	vld [tilespmem:s2+$0xFA0]  }
0x105: {  	v3 =	vld [tilespmem:s2+$0x23A0]  }
0x106: {  	v4 =	vld [tilespmem:s2+$0x37A0];
	_ =	sdelay $0x3  }
0x107: {  	v2 =	vadd.f32 v3, v2;
	_ =	sdelay $0x1  }
0x108: {  	v2 =	vadd.f32 v4, v2;
	_ =	sdelay $0x1  }
0x109: {  	v2 =	vmax.f32 v2, $0.0e+00  }
0x10a: {  	[tilespmem:s0+$0xFFFFFFC0] =	vst v2  }
0x10b: {  	v2 =	vld [tilespmem:s2+$0xFB0]  }
0x10c: {  	v3 =	vld [tilespmem:s2+$0x23B0];
	_ =	sdelay $0x1  }
0x10d: {  	v4 =	vld [tilespmem:s2+$0x37B0];
	_ =	sdelay $0x2  }
0x10e: {  	v2 =	vadd.f32 v3, v2;
	_ =	sdelay $0x1  }
0x10f: {  	v2 =	vadd.f32 v4, v2;
	_ =	sdelay $0x1  }
0x110: {  	v2 =	vmax.f32 v2, $0.0e+00  }
0x111: {  	[tilespmem:s0+$0xFFFFFFD0] =	vst v2  }
0x112: {  	v2 =	vld [tilespmem:s2+$0xFC0]  }
0x113: {  	v3 =	vld [tilespmem:s2+$0x23C0];
	_ =	sdelay $0x1  }
0x114: {  	v4 =	vld [tilespmem:s2+$0x37C0];
	_ =	sdelay $0x2  }
0x115: {  	v2 =	vadd.f32 v3, v2;
	_ =	sdelay $0x1  }
0x116: {  	v2 =	vadd.f32 v4, v2;
	_ =	sdelay $0x1  }
0x117: {  	v2 =	vmax.f32 v2, $0.0e+00  }
0x118: {  	[tilespmem:s0+$0xFFFFFFE0] =	vst v2  }
0x119: {  	v2 =	vld [tilespmem:s2+$0xFD0]  }
0x11a: {  	v3 =	vld [tilespmem:s2+$0x23D0]  }
0x11b: {  	v4 =	vld [tilespmem:s2+$0x37D0];
	_ =	sdelay $0x3  }
0x11c: {  	v2 =	vadd.f32 v3, v2;
	_ =	sdelay $0x1  }
0x11d: {  	v2 =	vadd.f32 v4, v2;
	_ =	sdelay $0x1  }
0x11e: {  	v2 =	vmax.f32 v2, $0.0e+00  }
0x11f: {  	[tilespmem:s0+$0xFFFFFFF0] =	vst v2  }
0x120: {  	v2 =	vld [tilespmem:s2+$0xFE0]  }
0x121: {  	v3 =	vld [tilespmem:s2+$0x23E0];
	_ =	sdelay $0x1  }
0x122: {  	v4 =	vld [tilespmem:s2+$0x37E0];
	_ =	sdelay $0x2  }
0x123: {  	v2 =	vadd.f32 v3, v2;
	_ =	sdelay $0x1  }
0x124: {  	v2 =	vadd.f32 v4, v2;
	_ =	sdelay $0x1  }
0x125: {  	v2 =	vmax.f32 v2, $0.0e+00  }
0x126: {  	[tilespmem:s0+$0x0] =	vst v2  }
0x127: {  	v2 =	vld [tilespmem:s2+$0xFF0]  }
0x128: {  	v3 =	vld [tilespmem:s2+$0x23F0]  }
0x129: {  	v4 =	vld [tilespmem:s2+$0x37F0];
	_ =	sdelay $0x3  }
0x12a: {  	v2 =	vadd.f32 v3, v2;
	_ =	sdelay $0x1  }
0x12b: {  	v2 =	vadd.f32 v4, v2;
	_ =	sdelay $0x1  }
0x12c: {  	v2 =	vmax.f32 v2, $0.0e+00  }
0x12d: {  	[tilespmem:s0+$0x10] =	vst v2  }
0x12e: {  	v2 =	vld [tilespmem:s2+$0x1000]  }
0x12f: {  	v3 =	vld [tilespmem:s2+$0x2400]  }
0x130: {  	v4 =	vld [tilespmem:s2+$0x3800];
	_ =	sdelay $0x3  }
0x131: {  	v2 =	vadd.f32 v3, v2;
	_ =	sdelay $0x1  }
0x132: {  	v2 =	vadd.f32 v4, v2  }
.Ltmp1:
0x133: {  	(pc) =	sbr.rel @p0 .LBB2_6-.Ltmp1, $4  }
0x134: {  	v2 =	vmax.f32 v2, $0.0e+00  }
0x135: {  	[tilespmem:s0+$0x20] =	vst v2  }
0x136: {  	v2 =	vld [tilespmem:s2+$0x1010]  }
0x137: {  	v3 =	vld [tilespmem:s2+$0x2410]  }
0x138: {  	_ = 	snop  }
0x139: {  	v4 =	vld [tilespmem:s2+$0x3810];
	_ =	sdelay $0x2  }
0x13a: {  	v2 =	vadd.f32 v3, v2;
	_ =	sdelay $0x1  }
0x13b: {  	v2 =	vadd.f32 v4, v2  }
0x13c: {  	s31 =	sadd.s32 $0x1, s31  }
0x13d: {  	p0 =	sne.s32 s31, $0x32;
	v2 =	vmax.f32 v2, $0.0e+00  }
.Ltmp2:
0x13e: {  	[tilespmem:s3+$0x30] =	vst v2;
	(pc) =	sbr.rel @p0 .LBB2_5-.Ltmp2, $4  }
0x13f: {  	[spmem:s18] =	stream.indirect.scatter.add.f32 [tilespmem:s12], [sflag:$0x2], $0x90, s17, s15, $0xb8;
	[tilespmem:$0x1C1B0] =	vst v63  }
0x140: {  	_ =	swait.ge [sflag:s13], $0x1680  }
0x141: {  	[sflag:s13] =	ssyncset.done $0x0  }
0x142: {  	[sflag:s13] =	ssyncadd.s32 $0xFFFFE980  }
0x143: {  	s29 =	sadd.s32 $0x1, s29  }
0x144: {  	p0 =	sne.s32 s29, $0x5  }
.Ltmp3:
0x145: {  	_ = 	snop;
	(pc) =	sbr.rel @p0 .LBB2_4-.Ltmp3, $1  }
0x146: {  	_ =	sdelay $0x3  }
0x147: {  	[bflag:$0x0] =	sbarrier.arrive $0xFFFF  }
0x148: {  	[tilespmem:s12], [sflag:$0x2] =	stream.linear.gather [spmem:s5], $0x1680, $0x38;
	[tilespmem:$0x1C1B0] =	vst v63  }
0x149: {  	_ =	swait.ge [sflag:s13], $0x1680  }
0x14a: {  	[sflag:s13] =	ssyncset.done $0x0  }
0x14b: {  	s0 =	rddreg [dreg:$0x4];
	[sflag:s13] =	ssyncadd.s32 $0xFFFFE980  }
0x14c: {  	[hbm4b:s0+s1] =	stream.linear.scatter [tilespmem:s12], [sflag:$0x2], $0x1680, $0x38;
	[tilespmem:$0x1C1B0] =	vst v63  }
0x14d: {  	_ =	swait.ge [sflag:s13], $0x1680  }
0x14e: {  	[sflag:s13] =	ssyncset.done $0x0  }
0x14f: {  	[sflag:s13] =	ssyncadd.s32 $0xFFFFE980  }
0x150: {  	[tilespmem:s12], [sflag:$0x2] =	stream.linear.gather [spmem:s6], $0x1680, $0x38;
	[tilespmem:$0x1C1B0] =	vst v63  }
0x151: {  	_ =	swait.ge [sflag:s13], $0x1680  }
0x152: {  	[sflag:s13] =	ssyncset.done $0x0  }
0x153: {  	s17 =	rddreg [dreg:$0x5];
	[sflag:s13] =	ssyncadd.s32 $0xFFFFE980  }
0x154: {  	[hbm4b:s17+s1] =	stream.linear.scatter [tilespmem:s12], [sflag:$0x2], $0x1680, $0x38;
	[tilespmem:$0x1C1B0] =	vst v63  }
0x155: {  	_ =	swait.ge [sflag:s13], $0x1680  }
0x156: {  	[sflag:s13] =	ssyncset.done $0x0  }
0x157: {  	[sflag:s13] =	ssyncadd.s32 $0xFFFFE980  }
0x158: {  	[tilespmem:s12], [sflag:$0x2] =	stream.linear.gather [spmem:s7], $0x1680, $0x38;
	[tilespmem:$0x1C1B0] =	vst v63  }
0x159: {  	_ =	swait.ge [sflag:s13], $0x1680  }
0x15a: {  	[sflag:s13] =	ssyncset.done $0x0  }
0x15b: {  	s2 =	rddreg [dreg:$0x6];
	[sflag:s13] =	ssyncadd.s32 $0xFFFFE980  }
0x15c: {  	[hbm4b:s2+s1] =	stream.linear.scatter [tilespmem:s12], [sflag:$0x2], $0x1680, $0x38;
	[tilespmem:$0x1C1B0] =	vst v63  }
0x15d: {  	_ =	swait.ge [sflag:s13], $0x1680  }
0x15e: {  	[sflag:s13] =	ssyncset.done $0x0  }
0x15f: {  	[sflag:s13] =	ssyncadd.s32 $0xFFFFE980  }
0x160: {  	[tilespmem:s12], [sflag:$0x2] =	stream.linear.gather [spmem:s8], $0x1680, $0x38;
	[tilespmem:$0x1C1B0] =	vst v63  }
0x161: {  	_ =	swait.ge [sflag:s13], $0x1680  }
0x162: {  	[sflag:s13] =	ssyncset.done $0x0  }
0x163: {  	s3 =	smov.u32 s5;
	s5 =	rddreg [dreg:$0x7];
	[sflag:s13] =	ssyncadd.s32 $0xFFFFE980  }
0x164: {  	[hbm4b:s5+s1] =	stream.linear.scatter [tilespmem:s12], [sflag:$0x2], $0x1680, $0x38;
	[tilespmem:$0x1C1B0] =	vst v63  }
0x165: {  	_ =	swait.ge [sflag:s13], $0x1680  }
0x166: {  	[sflag:s13] =	ssyncset.done $0x0  }
0x167: {  	[sflag:s13] =	ssyncadd.s32 $0xFFFFE980  }
0x168: {  	[tilespmem:s12], [sflag:$0x2] =	stream.linear.gather [spmem:s9], $0x1680, $0x38;
	[tilespmem:$0x1C1B0] =	vst v63  }
0x169: {  	_ =	swait.ge [sflag:s13], $0x1680  }
0x16a: {  	[sflag:s13] =	ssyncset.done $0x0  }
0x16b: {  	s4 =	smov.u32 s6;
	s6 =	rddreg [dreg:$0x8];
	[sflag:s13] =	ssyncadd.s32 $0xFFFFE980  }
0x16c: {  	[hbm4b:s6+s1] =	stream.linear.scatter [tilespmem:s12], [sflag:$0x2], $0x1680, $0x38;
	[tilespmem:$0x1C1B0] =	vst v63  }
0x16d: {  	_ =	swait.ge [sflag:s13], $0x1680  }
0x16e: {  	[sflag:s13] =	ssyncset.done $0x0  }
0x16f: {  	s31 =	rddreg [dreg:$0x14];
	[sflag:s13] =	ssyncadd.s32 $0xFFFFE980  }
0x170: {  	[tilespmem:s12], [sflag:$0x2] =	stream.linear.gather [spmem:s31], $0x1680, $0x38;
	[tilespmem:$0x1C1B0] =	vst v63  }
0x171: {  	_ =	swait.ge [sflag:s13], $0x1680  }
0x172: {  	[sflag:s13] =	ssyncset.done $0x0  }
0x173: {  	s17 =	smov.u32 s7;
	s7 =	rddreg [dreg:$0x9];
	[sflag:s13] =	ssyncadd.s32 $0xFFFFE980  }
0x174: {  	[hbm4b:s7+s1] =	stream.linear.scatter [tilespmem:s12], [sflag:$0x2], $0x1680, $0x38;
	[tilespmem:$0x1C1B0] =	vst v63  }
0x175: {  	_ =	swait.ge [sflag:s13], $0x1680  }
0x176: {  	[sflag:s13] =	ssyncset.done $0x0  }
0x177: {  	s29 =	smov.u32 s8;
	s8 =	rddreg [dreg:$0x15];
	[sflag:s13] =	ssyncadd.s32 $0xFFFFE980  }
0x178: {  	[tilespmem:s12], [sflag:$0x2] =	stream.linear.gather [spmem:s8], $0x1680, $0x38;
	[tilespmem:$0x1C1B0] =	vst v63  }
0x179: {  	_ =	swait.ge [sflag:s13], $0x1680  }
0x17a: {  	[sflag:s13] =	ssyncset.done $0x0  }
0x17b: {  	s30 =	smov.u32 s9;
	s9 =	rddreg [dreg:$0xa];
	[sflag:s13] =	ssyncadd.s32 $0xFFFFE980  }
0x17c: {  	[hbm4b:s9+s1] =	stream.linear.scatter [tilespmem:s12], [sflag:$0x2], $0x1680, $0x38;
	[tilespmem:$0x1C1B0] =	vst v63  }
0x17d: {  	_ =	swait.ge [sflag:s13], $0x1680  }
0x17e: {  	[sflag:s13] =	ssyncset.done $0x0  }
0x17f: {  	s2 =	rddreg [dreg:$0x16];
	[sflag:s13] =	ssyncadd.s32 $0xFFFFE980  }
0x180: {  	[tilespmem:s12], [sflag:$0x2] =	stream.linear.gather [spmem:s2], $0x1680, $0x38;
	[tilespmem:$0x1C1B0] =	vst v63  }
0x181: {  	_ =	swait.ge [sflag:s13], $0x1680  }
0x182: {  	[sflag:s13] =	ssyncset.done $0x0  }
0x183: {  	s5 =	rddreg [dreg:$0xb];
	[sflag:s13] =	ssyncadd.s32 $0xFFFFE980  }
0x184: {  	[hbm4b:s5+s1] =	stream.linear.scatter [tilespmem:s12], [sflag:$0x2], $0x1680, $0x38;
	[tilespmem:$0x1C1B0] =	vst v63  }
0x185: {  	_ =	swait.ge [sflag:s13], $0x1680  }
0x186: {  	[sflag:s13] =	ssyncset.done $0x0  }
0x187: {  	s6 =	rddreg [dreg:$0x17];
	[sflag:s13] =	ssyncadd.s32 $0xFFFFE980  }
0x188: {  	[tilespmem:s12], [sflag:$0x2] =	stream.linear.gather [spmem:s6], $0x1680, $0x38;
	[tilespmem:$0x1C1B0] =	vst v63  }
0x189: {  	_ =	swait.ge [sflag:s13], $0x1680  }
0x18a: {  	[sflag:s13] =	ssyncset.done $0x0  }
0x18b: {  	s7 =	rddreg [dreg:$0xc];
	[sflag:s13] =	ssyncadd.s32 $0xFFFFE980  }
0x18c: {  	[hbm4b:s7+s1] =	stream.linear.scatter [tilespmem:s12], [sflag:$0x2], $0x1680, $0x38;
	[tilespmem:$0x1C1B0] =	vst v63  }
0x18d: {  	_ =	swait.ge [sflag:s13], $0x1680  }
0x18e: {  	[sflag:s13] =	ssyncset.done $0x0  }
0x18f: {  	s8 =	rddreg [dreg:$0x18];
	[sflag:s13] =	ssyncadd.s32 $0xFFFFE980  }
0x190: {  	[tilespmem:s12], [sflag:$0x2] =	stream.linear.gather [spmem:s8], $0x1680, $0x38;
	[tilespmem:$0x1C1B0] =	vst v63  }
0x191: {  	_ =	swait.ge [sflag:s13], $0x1680  }
0x192: {  	[sflag:s13] =	ssyncset.done $0x0  }
0x193: {  	s9 =	rddreg [dreg:$0xd];
	[sflag:s13] =	ssyncadd.s32 $0xFFFFE980  }
0x194: {  	[hbm4b:s9+s1] =	stream.linear.scatter [tilespmem:s12], [sflag:$0x2], $0x1680, $0x38;
	[tilespmem:$0x1C1B0] =	vst v63  }
0x195: {  	_ =	swait.ge [sflag:s13], $0x1680  }
0x196: {  	[sflag:s13] =	ssyncset.done $0x0  }
0x197: {  	s2 =	rddreg [dreg:$0x19];
	[sflag:s13] =	ssyncadd.s32 $0xFFFFE980  }
0x198: {  	[tilespmem:s12], [sflag:$0x2] =	stream.linear.gather [spmem:s2], $0x1680, $0x38;
	[tilespmem:$0x1C1B0] =	vst v63  }
0x199: {  	_ =	swait.ge [sflag:s13], $0x1680  }
0x19a: {  	[sflag:s13] =	ssyncset.done $0x0  }
0x19b: {  	s5 =	rddreg [dreg:$0xe];
	[sflag:s13] =	ssyncadd.s32 $0xFFFFE980  }
0x19c: {  	[hbm4b:s5+s1] =	stream.linear.scatter [tilespmem:s12], [sflag:$0x2], $0x1680, $0x38;
	[tilespmem:$0x1C1B0] =	vst v63  }
0x19d: {  	_ =	swait.ge [sflag:s13], $0x1680  }
0x19e: {  	[sflag:s13] =	ssyncset.done $0x0  }
0x19f: {  	s6 =	rddreg [dreg:$0x1a];
	[sflag:s13] =	ssyncadd.s32 $0xFFFFE980  }
0x1a0: {  	[tilespmem:s12], [sflag:$0x2] =	stream.linear.gather [spmem:s6], $0x1680, $0x38;
	[tilespmem:$0x1C1B0] =	vst v63  }
0x1a1: {  	_ =	swait.ge [sflag:s13], $0x1680  }
0x1a2: {  	[sflag:s13] =	ssyncset.done $0x0  }
0x1a3: {  	s7 =	rddreg [dreg:$0xf];
	[sflag:s13] =	ssyncadd.s32 $0xFFFFE980  }
0x1a4: {  	[hbm4b:s7+s1] =	stream.linear.scatter [tilespmem:s12], [sflag:$0x2], $0x1680, $0x38;
	[tilespmem:$0x1C1B0] =	vst v63  }
0x1a5: {  	_ =	swait.ge [sflag:s13], $0x1680  }
0x1a6: {  	[sflag:s13] =	ssyncset.done $0x0  }
0x1a7: {  	s8 =	rddreg [dreg:$0x1b];
	[sflag:s13] =	ssyncadd.s32 $0xFFFFE980  }
0x1a8: {  	[tilespmem:s12], [sflag:$0x2] =	stream.linear.gather [spmem:s8], $0x1680, $0x38;
	[tilespmem:$0x1C1B0] =	vst v63  }
0x1a9: {  	_ =	swait.ge [sflag:s13], $0x1680  }
0x1aa: {  	[sflag:s13] =	ssyncset.done $0x0  }
0x1ab: {  	s9 =	rddreg [dreg:$0x10];
	[sflag:s13] =	ssyncadd.s32 $0xFFFFE980  }
0x1ac: {  	[hbm4b:s9+s1] =	stream.linear.scatter [tilespmem:s12], [sflag:$0x2], $0x1680, $0x38;
	[tilespmem:$0x1C1B0] =	vst v63  }
0x1ad: {  	_ =	swait.ge [sflag:s13], $0x1680  }
0x1ae: {  	[sflag:s13] =	ssyncset.done $0x0  }
0x1af: {  	s2 =	rddreg [dreg:$0x1c];
	[sflag:s13] =	ssyncadd.s32 $0xFFFFE980  }
0x1b0: {  	[tilespmem:s12], [sflag:$0x2] =	stream.linear.gather [spmem:s2], $0x1680, $0x38;
	[tilespmem:$0x1C1B0] =	vst v63  }
0x1b1: {  	_ =	swait.ge [sflag:s13], $0x1680  }
0x1b2: {  	[sflag:s13] =	ssyncset.done $0x0  }
0x1b3: {  	s5 =	rddreg [dreg:$0x11];
	[sflag:s13] =	ssyncadd.s32 $0xFFFFE980  }
0x1b4: {  	[hbm4b:s5+s1] =	stream.linear.scatter [tilespmem:s12], [sflag:$0x2], $0x1680, $0x38;
	[tilespmem:$0x1C1B0] =	vst v63  }
0x1b5: {  	_ =	swait.ge [sflag:s13], $0x1680  }
0x1b6: {  	[sflag:s13] =	ssyncset.done $0x0  }
0x1b7: {  	s6 =	rddreg [dreg:$0x1d];
	[sflag:s13] =	ssyncadd.s32 $0xFFFFE980  }
0x1b8: {  	[tilespmem:s12], [sflag:$0x2] =	stream.linear.gather [spmem:s6], $0x1680, $0x38;
	[tilespmem:$0x1C1B0] =	vst v63  }
0x1b9: {  	_ =	swait.ge [sflag:s13], $0x1680  }
0x1ba: {  	[sflag:s13] =	ssyncset.done $0x0  }
0x1bb: {  	s7 =	rddreg [dreg:$0x12];
	[sflag:s13] =	ssyncadd.s32 $0xFFFFE980  }
0x1bc: {  	[hbm4b:s7+s1] =	stream.linear.scatter [tilespmem:s12], [sflag:$0x2], $0x1680, $0x38;
	[tilespmem:$0x1C1B0] =	vst v63  }
0x1bd: {  	_ =	swait.ge [sflag:s13], $0x1680  }
0x1be: {  	[sflag:s13] =	ssyncset.done $0x0  }
0x1bf: {  	s28 =	rddreg [dreg:$0x1e];
	[sflag:s13] =	ssyncadd.s32 $0xFFFFE980  }
0x1c0: {  	[tilespmem:s12], [sflag:$0x2] =	stream.linear.gather [spmem:s28], $0xE10, $0x38;
	[tilespmem:$0x1C1B0] =	vst v63  }
0x1c1: {  	_ =	swait.ge [sflag:s13], $0xE10  }
0x1c2: {  	[sflag:s13] =	ssyncset.done $0x0  }
0x1c3: {  	s8 =	rddreg [dreg:$0x13];
	[sflag:s13] =	ssyncadd.s32 $0xFFFFF1F0  }
0x1c4: {  	[hbm4b:s8+s1] =	stream.linear.scatter [tilespmem:s12], [sflag:$0x2], $0xE10, $0x38;
	[tilespmem:$0x1C1B0] =	vst v63  }
0x1c5: {  	_ =	swait.ge [sflag:s13], $0xE10  }
0x1c6: {  	s26 =	sadd.s32 $0x1, s26;
	s9 =	rddreg [dreg:$0x1f]  }
0x1c7: {  	p0 =	sne.s32 s26, s9  }
.Ltmp4:
0x1c8: {  	_ = 	snop;
	(pc) =	sbr.rel @p0 .LBB2_1-.Ltmp4, $3  }
0x1c9: {  	_ =	sdelay $0x1  }
0x1ca: {  	[sflag:s13] =	ssyncset.done $0x0  }
0x1cb: {  	[sflag:s13] =	ssyncadd.s32 $0xFFFFF1F0  }
0x1cc: {  	_ =	sfence.sel $0x180000  }
0x1cd: {  	[bflag:$0x0] =	sbarrier.arrive $0xFFFF  }
0x1ce: {  	_ =	strace $0x90000047  }
0x1cf: {  	s0 =	stileid.u32;
	[bflag:$0x2] =	sbarrier.arrive $0xFFFF  }
0x1d0: {  	p0 =	sne.s32 s0, $0x0;
	s0 =	rddreg [dreg:$0x3]  }
0x1d1: {  	s0 =	sadd.s32 @!p0 $0x100000, s0  }
0x1d2: {  	[sflag:s0] =	ssyncadd.tile.s32 @!p0 $0x1;
	_ =	shalt  }
.Lfunc_end2:
_tile_overlayer_lowered:
.L_overlay_start_2:
0x1d3: {  	(tag) =	ssettag $0x2  }
0x1d4: {  	s0 =	rddreg [dreg:$0x0];
	s2 =	stileid.u32  }
0x1d5: {  	s1 =	rddreg [dreg:$0x1];
	p0 =	sne.s32 s2, $0x0  }
0x1d6: {  	s3 =	rddreg [dreg:$0x2];
	[bflag:$0x3] =	sbarrier.arrive $0xFFFF;
	s2 =	simm.s32 @!p0 $0x1C02  }
0x1d7: {  	[timem:s3], [sflag:s2] =	dma.local @!p0 [hbm:s0], s1  }
0x1d8: {  	s0 =	simm.s32 @!p0 $0x2  }
0x1d9: {  	_ =	swait.ge @!p0 [sflag:s0], s1  }
0x1da: {  	s1 =	ssub.s32 @!p0 $0x0, s1;
	[sflag:s0] =	ssyncset.done @!p0 $0x0  }
0x1db: {  	[sflag:s0] =	ssyncadd.s32 @!p0 s1  }
0x1dc: {  	[bflag:$0x3] =	sbarrier.arrive $0xFFFF  }
0x1dd: {  	_ =	shalt  }

</sc_bundles>
